<compile_context>
chip_gen: v7x
topology: tpu7x:2x2x1
jax: 0.10.2.dev20260603
libtpu: 0.0.44.dev20260713+nightly
codegen_flags: <defaults>
</compile_context>

<pallas_src>
import functools

import jax
import jax.numpy as jnp
from jax import lax
from jax.experimental import pallas as pl
from jax.experimental.pallas import tpu as pltpu
from jax.experimental.pallas import tpu_sc as plsc

D = 128
L = 50
EPS = 1e-12
NW = 32
CHUNK = 128
BBC = 1024
S = 5
LS = L // S


@functools.lru_cache(maxsize=None)
def _make_sc_gather(n_chunks: int):
    tok = NW * n_chunks * CHUNK
    per_w = n_chunks * CHUNK
    mesh = plsc.VectorSubcoreMesh(core_axis_name="c", subcore_axis_name="s")

    @functools.partial(
        pl.kernel, mesh=mesh,
        out_type=jax.ShapeDtypeStruct((tok, D), jnp.float32),
        scratch_types=[
            pltpu.VMEM((n_chunks, CHUNK), jnp.int32),
            pltpu.VMEM((CHUNK, D), jnp.float32),
            pltpu.VMEM((CHUNK, D), jnp.float32),
            pltpu.SemaphoreType.DMA,
            pltpu.SemaphoreType.DMA,
        ],
    )
    def sc_gather(ids_hbm, table_hbm, out_hbm, idx_v, buf0, buf1, sem0, sem1):
        wid = lax.axis_index("s") * 2 + lax.axis_index("c")
        base = wid * per_w
        pltpu.sync_copy(ids_hbm.at[wid], idx_v)
        pltpu.async_copy(table_hbm.at[idx_v.at[0]], buf0, sem0)
        n2 = n_chunks // 2

        def pair(jj, carry):
            j0 = 2 * jj
            pltpu.async_copy(table_hbm.at[idx_v.at[j0 + 1]], buf1, sem1)
            pltpu.make_async_copy(table_hbm.at[idx_v.at[j0]], buf0, sem0).wait()
            pltpu.sync_copy(buf0, out_hbm.at[pl.ds(base + j0 * CHUNK, CHUNK)])

            @pl.when(jj < n2 - 1)
            def _():
                pltpu.async_copy(table_hbm.at[idx_v.at[j0 + 2]], buf0, sem0)

            pltpu.make_async_copy(table_hbm.at[idx_v.at[j0 + 1]], buf1, sem1).wait()
            pltpu.sync_copy(buf1, out_hbm.at[pl.ds(base + (j0 + 1) * CHUNK, CHUNK)])
            return carry

        lax.fori_loop(0, n2, pair, 0)

    return sc_gather


def _tc_body_first(g, ttf, ctx, pos, w5, bias, gam, bet, out):
    _tc_compute(g, ttf, ctx, pos, w5, bias, gam, bet, out)


def _tc_body_acc(prev, g, ttf, ctx, pos, w5, bias, gam, bet, out):
    del prev
    _tc_compute(g, ttf, ctx, pos, w5, bias, gam, bet, out)


def _tc_compute(g, ttf, ctx, pos, w5, bias, gam, bet, out):
    x = g[...] + pos[...][:, None, :]
    c5 = jnp.concatenate([ctx[...], ttf[0][:, None, :]], axis=1)
    w5b = jnp.broadcast_to(w5[...][None], (LS, D, 5))
    projT = lax.dot_general(w5b, c5, (((2,), (1,)), ((0,), (0,))),
                            preferred_element_type=jnp.float32)
    proj = jnp.swapaxes(projT, 1, 2)
    x = x + proj + bias[0][None, None, :]
    mu = jnp.mean(x, axis=-1, keepdims=True)
    xc = x - mu
    var = jnp.mean(xc * xc, axis=-1, keepdims=True)
    y = xc * lax.rsqrt(var + EPS)
    out[...] = y * gam[0][None, None, :] + bet[0][None, None, :]


def kernel(input_ids, token_type_ids, context_feature, word_emb, pos_emb,
           type_emb, ctx_W, ctx_b, gamma, beta):
    B, Lx = input_ids.shape
    assert Lx == L and (LS * B) % (NW * CHUNK) == 0
    n_chunks = (LS * B) // (NW * CHUNK)

    ids4 = input_ids.astype(jnp.int32).T.reshape(S, NW, n_chunks, CHUNK)
    ttf4 = token_type_ids.T.astype(jnp.float32).reshape(S, LS, B)
    ctx3 = jnp.transpose(context_feature, (1, 2, 0))
    pos_s = [pos_emb[s * LS:(s + 1) * LS] for s in range(S)]
    w5T = jnp.concatenate([ctx_W, (type_emb[1] - type_emb[0])[None, :]],
                          axis=0).T
    bias = (ctx_b + type_emb[0]).reshape(1, D)
    gam2 = gamma.reshape(1, D)
    bet2 = beta.reshape(1, D)

    sc = _make_sc_gather(n_chunks)
    g3s = []
    for s in range(S):
        g2 = sc(ids4[s], word_emb)
        g3s.append(g2.reshape(LS, B, D))

    outT = None
    for s in range(S):
        data_specs = [
            pl.BlockSpec((LS, BBC, D), lambda i: (0, i, 0)),
            pl.BlockSpec((1, LS, BBC), lambda i, s=s: (s, 0, i)),
            pl.BlockSpec((LS, 4, BBC), lambda i, s=s: (s, 0, i)),
            pl.BlockSpec((LS, D), lambda i: (0, 0)),
            pl.BlockSpec((D, 5), lambda i: (0, 0)),
            pl.BlockSpec((1, D), lambda i: (0, 0)),
            pl.BlockSpec((1, D), lambda i: (0, 0)),
            pl.BlockSpec((1, D), lambda i: (0, 0)),
        ]
        out_spec = pl.BlockSpec((LS, BBC, D), lambda i, s=s: (s, i, 0))
        args = (g3s[s], ttf4, ctx3, pos_s[s], w5T, bias, gam2, bet2)
        if s == 0:
            outT = pl.pallas_call(
                _tc_body_first,
                out_shape=jax.ShapeDtypeStruct((L, B, D), jnp.float32),
                grid=(B // BBC,),
                in_specs=data_specs,
                out_specs=out_spec,
            )(*args)
        else:
            outT = pl.pallas_call(
                _tc_body_acc,
                out_shape=jax.ShapeDtypeStruct((L, B, D), jnp.float32),
                grid=(B // BBC,),
                in_specs=[pl.BlockSpec(memory_space=pl.ANY)] + data_specs,
                out_specs=out_spec,
                input_output_aliases={0: 0},
            )(outT, *args)
    return jnp.transpose(outT, (1, 0, 2))

# --- scband reference (transcript-rebuilt; emitter-appended) ---
"""Pipeline reference for scband-albert-embeddings-61357902790849 (READ-ONLY COPY).

The authoritative reference and input builder live on the scoring server;
editing this copy changes nothing except your own understanding.
"""

import jax, jax.numpy as jnp
import numpy as np

VOCAB = 100000
EMBED = 128
MAX_POS = 512
TYPE_VOCAB = 2
PRV_CTX = 2
EPS = 1e-12
B, L = 4096, 50


def setup_inputs(seed: int = 0) -> dict:
    key = jax.random.key(seed)
    ks = jax.random.split(key, 10)
    input_ids = jax.random.randint(ks[0], (B, L), 0, VOCAB, dtype=jnp.int64 if jax.config.jax_enable_x64 else jnp.int32)
    token_type_ids = jax.random.randint(ks[1], (B, L), 0, TYPE_VOCAB, dtype=input_ids.dtype)
    context_feature = jax.random.normal(ks[2], (B, L, PRV_CTX * 2), dtype=jnp.float32)
    word_emb = jax.random.normal(ks[3], (VOCAB, EMBED), dtype=jnp.float32) * 0.02
    word_emb = word_emb.at[0].set(0.0)  # padding_idx=0
    pos_emb = jax.random.normal(ks[4], (MAX_POS, EMBED), dtype=jnp.float32) * 0.02
    type_emb = jax.random.normal(ks[5], (TYPE_VOCAB, EMBED), dtype=jnp.float32) * 0.02
    ctx_W = jax.random.normal(ks[6], (PRV_CTX * 2, EMBED), dtype=jnp.float32) * 0.02
    ctx_b = jnp.zeros((EMBED,), dtype=jnp.float32)
    gamma = jnp.ones((EMBED,), dtype=jnp.float32)
    beta = jnp.zeros((EMBED,), dtype=jnp.float32)
    return {
        'input_ids': input_ids,
        'token_type_ids': token_type_ids,
        'context_feature': context_feature,
        'word_emb': word_emb,
        'pos_emb': pos_emb,
        'type_emb': type_emb,
        'ctx_W': ctx_W,
        'ctx_b': ctx_b,
        'gamma': gamma,
        'beta': beta,
    }


def _layer_norm(x, gamma, beta, eps):
    mu = jnp.mean(x, axis=-1, keepdims=True)
    var = jnp.mean((x - mu) ** 2, axis=-1, keepdims=True)
    return (x - mu) / jnp.sqrt(var + eps) * gamma + beta


def reference(input_ids, token_type_ids, context_feature, word_emb, pos_emb, type_emb, ctx_W, ctx_b, gamma, beta):
    seq_length = input_ids.shape[1]
    position_ids = jnp.arange(seq_length, dtype=input_ids.dtype)
    position_ids = jnp.broadcast_to(position_ids[None, :], input_ids.shape)
    words_embeddings = jnp.take(word_emb, input_ids, axis=0)
    position_embeddings = jnp.take(pos_emb, position_ids, axis=0)
    token_type_embeddings = jnp.take(type_emb, token_type_ids, axis=0)
    embeddings = words_embeddings + position_embeddings + token_type_embeddings
    ctx = jnp.einsum('blc,ce->ble', context_feature, ctx_W) + ctx_b
    embeddings = embeddings + ctx
    embeddings = _layer_norm(embeddings, gamma, beta, EPS)
    # dropout is identity in eval mode
    return embeddings

if __name__ == "__main__":
    import jax
    _d = setup_inputs()
    print(jax.jit(kernel)(*tuple(_d.values())))

</pallas_src>

<mosaic_0001>
#map = affine_map<(d0, d1) -> (0, 0, 0)>
#map1 = affine_map<(d0, d1) -> (0, 0)>
module attributes {stable_mosaic.version = 14 : i64} {
  func.func @sc_gather(%arg0: i32, %arg1: i32, %arg2: memref<32x10x128xi32, #tpu.memory_space<hbm>>, %arg3: memref<100000x128xf32, #tpu.memory_space<hbm>>, %arg4: memref<40960x128xf32, #tpu.memory_space<hbm>>, %arg5: memref<10x128xi32, #tpu.memory_space<vmem>>, %arg6: memref<128x128xf32, #tpu.memory_space<vmem>>, %arg7: memref<128x128xf32, #tpu.memory_space<vmem>>, %arg8: memref<!tpu.dma_semaphore, #tpu.memory_space<semaphore_mem>>, %arg9: memref<!tpu.dma_semaphore, #tpu.memory_space<semaphore_mem>>) attributes {dimension_semantics = [#tpu.dimension_semantics<core_parallel>, #tpu.dimension_semantics<subcore_parallel>], iteration_bounds = array<i64: 2, 16>, scalar_prefetch = 0 : i64, scratch_operands = 5 : i64, tpu.core_type = #tpu.core_type<sc_vector_subcore>, window_params = [{transform_indices = #map}, {transform_indices = #map1}, {transform_indices = #map1}]} {
    %mul3A = arith.constant 2 : i32
    %mul3A_0 = arith.muli %arg1, %mul3A : i32
    %add3A = arith.addi %mul3A_0, %arg0 : i32
    %mul3A_1 = arith.constant 1280 : i32
    %mul3A_2 = arith.muli %add3A, %mul3A_1 : i32
    "tpu.region"() ({
      %run_scoped3A = tpu.sem_alloc : memref<!tpu.dma_semaphore, #tpu.memory_space<semaphore_mem>>
      %dma_start3A_14 = arith.constant 0 : i32
      %dma_start3A_15 = arith.constant 0 : i32
      %dma_start3A_16 = tpu.memref_slice %arg2[%add3A, %dma_start3A_14, %dma_start3A_15] : memref<32x10x128xi32, #tpu.memory_space<hbm>> -> memref<1x10x128xi32, #tpu.memory_space<hbm>>
      %dma_start3A_17 = tpu.memref_squeeze %dma_start3A_16 : memref<1x10x128xi32, #tpu.memory_space<hbm>> -> memref<10x128xi32, #tpu.memory_space<hbm>>
      %dma_start3A_18 = arith.constant 0 : i32
      %dma_start3A_19 = arith.constant 0 : i32
      %dma_start3A_20 = tpu.memref_slice %arg2[%add3A, %dma_start3A_18, %dma_start3A_19] : memref<32x10x128xi32, #tpu.memory_space<hbm>> -> memref<1x10x128xi32, #tpu.memory_space<hbm>>
      %dma_start3A_21 = tpu.memref_squeeze %dma_start3A_20 : memref<1x10x128xi32, #tpu.memory_space<hbm>> -> memref<10x128xi32, #tpu.memory_space<hbm>>
      tpu.enqueue_dma source(%dma_start3A_21 : memref<10x128xi32, #tpu.memory_space<hbm>>) target(%arg5 : memref<10x128xi32, #tpu.memory_space<vmem>>) target_semaphore(%run_scoped3A : memref<!tpu.dma_semaphore, #tpu.memory_space<semaphore_mem>>)
      %dma_wait3A = arith.constant 0 : i32
      %dma_wait3A_22 = arith.constant 0 : i32
      %dma_wait3A_23 = tpu.memref_slice %arg2[%add3A, %dma_wait3A, %dma_wait3A_22] : memref<32x10x128xi32, #tpu.memory_space<hbm>> -> memref<1x10x128xi32, #tpu.memory_space<hbm>>
      %dma_wait3A_24 = tpu.memref_squeeze %dma_wait3A_23 : memref<1x10x128xi32, #tpu.memory_space<hbm>> -> memref<10x128xi32, #tpu.memory_space<hbm>>
      %dma_wait3A_25 = arith.constant 0 : i32
      %dma_wait3A_26 = arith.constant 0 : i32
      %dma_wait3A_27 = tpu.memref_slice %arg2[%add3A, %dma_wait3A_25, %dma_wait3A_26] : memref<32x10x128xi32, #tpu.memory_space<hbm>> -> memref<1x10x128xi32, #tpu.memory_space<hbm>>
      %dma_wait3A_28 = tpu.memref_squeeze %dma_wait3A_27 : memref<1x10x128xi32, #tpu.memory_space<hbm>> -> memref<10x128xi32, #tpu.memory_space<hbm>>
      tpu.wait_dma2 semaphore(%run_scoped3A : memref<!tpu.dma_semaphore, #tpu.memory_space<semaphore_mem>>) src(%dma_wait3A_28 : memref<10x128xi32, #tpu.memory_space<hbm>>) dst(%arg5 : memref<10x128xi32, #tpu.memory_space<vmem>>)
      tpu.yield
    }) : () -> ()
    %dma_start3A = arith.constant 0 : i32
    %dma_start3A_3 = arith.constant 0 : i32
    %dma_start3A_4 = tpu.memref_slice %arg5[%dma_start3A, %dma_start3A_3] : memref<10x128xi32, #tpu.memory_space<vmem>> -> memref<1x128xi32, #tpu.memory_space<vmem>>
    %dma_start3A_5 = tpu.memref_squeeze %dma_start3A_4 : memref<1x128xi32, #tpu.memory_space<vmem>> -> memref<128xi32, #tpu.memory_space<vmem>>
    %dma_start3A_6 = arith.constant 0 : i32
    %dma_start3A_7 = arith.constant 0 : i32
    %dma_start3A_8 = tpu.memref_slice %arg3[%dma_start3A_6, %dma_start3A_7] : memref<100000x128xf32, #tpu.memory_space<hbm>> -> memref<100000x128xf32, #tpu.memory_space<hbm>>
    tpu.enqueue_indirect_dma source(%dma_start3A_8 : memref<100000x128xf32, #tpu.memory_space<hbm>>) target(%arg6 : memref<128x128xf32, #tpu.memory_space<vmem>>) offsets(%dma_start3A_5 : memref<128xi32, #tpu.memory_space<vmem>>) semaphore(%arg8 : memref<!tpu.dma_semaphore, #tpu.memory_space<semaphore_mem>>)
    %scan3A = arith.constant 0 : i32
    %scan3A_9 = arith.constant 0 : i32
    %scan3A_10 = arith.constant 5 : i32
    %scan3A_11 = arith.addi %scan3A_9, %scan3A_10 : i32
    %scan3A_12 = arith.constant 1 : i32
    scf.for %scan3A_14 = %scan3A_9 to %scan3A_11 step %scan3A_12  : i32 {
      %mul3A_15 = arith.constant 2 : i32
      %mul3A_16 = arith.muli %mul3A_15, %scan3A_14 : i32
      %add3A_17 = arith.constant 1 : i32
      %add3A_18 = arith.addi %mul3A_16, %add3A_17 : i32
      %dma_start3A_19 = arith.constant 0 : i32
      %dma_start3A_20 = tpu.memref_slice %arg5[%add3A_18, %dma_start3A_19] : memref<10x128xi32, #tpu.memory_space<vmem>> -> memref<1x128xi32, #tpu.memory_space<vmem>>
      %dma_start3A_21 = tpu.memref_squeeze %dma_start3A_20 : memref<1x128xi32, #tpu.memory_space<vmem>> -> memref<128xi32, #tpu.memory_space<vmem>>
      %dma_start3A_22 = arith.constant 0 : i32
      %dma_start3A_23 = arith.constant 0 : i32
      %dma_start3A_24 = tpu.memref_slice %arg3[%dma_start3A_22, %dma_start3A_23] : memref<100000x128xf32, #tpu.memory_space<hbm>> -> memref<100000x128xf32, #tpu.memory_space<hbm>>
      tpu.enqueue_indirect_dma source(%dma_start3A_24 : memref<100000x128xf32, #tpu.memory_space<hbm>>) target(%arg7 : memref<128x128xf32, #tpu.memory_space<vmem>>) offsets(%dma_start3A_21 : memref<128xi32, #tpu.memory_space<vmem>>) semaphore(%arg9 : memref<!tpu.dma_semaphore, #tpu.memory_space<semaphore_mem>>)
      %dma_wait3A = arith.constant 0 : i32
      %dma_wait3A_25 = tpu.memref_slice %arg5[%mul3A_16, %dma_wait3A] : memref<10x128xi32, #tpu.memory_space<vmem>> -> memref<1x128xi32, #tpu.memory_space<vmem>>
      %dma_wait3A_26 = tpu.memref_squeeze %dma_wait3A_25 : memref<1x128xi32, #tpu.memory_space<vmem>> -> memref<128xi32, #tpu.memory_space<vmem>>
      %dma_wait3A_27 = arith.constant 0 : i32
      %dma_wait3A_28 = arith.constant 0 : i32
      %dma_wait3A_29 = tpu.memref_slice %arg3[%dma_wait3A_27, %dma_wait3A_28] : memref<100000x128xf32, #tpu.memory_space<hbm>> -> memref<100000x128xf32, #tpu.memory_space<hbm>>
      tpu.wait_indirect_dma semaphore(%arg8 : memref<!tpu.dma_semaphore, #tpu.memory_space<semaphore_mem>>) src(%dma_wait3A_29 : memref<100000x128xf32, #tpu.memory_space<hbm>>) dst(%arg6 : memref<128x128xf32, #tpu.memory_space<vmem>>)
      %mul3A_30 = arith.constant 128 : i32
      %mul3A_31 = arith.muli %mul3A_16, %mul3A_30 : i32
      %add3A_32 = arith.addi %mul3A_2, %mul3A_31 : i32
      "tpu.region"() ({
        %run_scoped3A = tpu.sem_alloc : memref<!tpu.dma_semaphore, #tpu.memory_space<semaphore_mem>>
        %dma_start3A_48 = arith.constant 0 : i32
        %dma_start3A_49 = tpu.memref_slice %arg4[%add3A_32, %dma_start3A_48] : memref<40960x128xf32, #tpu.memory_space<hbm>> -> memref<128x128xf32, #tpu.memory_space<hbm>>
        %dma_start3A_50 = arith.constant 0 : i32
        %dma_start3A_51 = tpu.memref_slice %arg4[%add3A_32, %dma_start3A_50] : memref<40960x128xf32, #tpu.memory_space<hbm>> -> memref<128x128xf32, #tpu.memory_space<hbm>>
        tpu.enqueue_dma source(%arg6 : memref<128x128xf32, #tpu.memory_space<vmem>>) target(%dma_start3A_51 : memref<128x128xf32, #tpu.memory_space<hbm>>) target_semaphore(%run_scoped3A : memref<!tpu.dma_semaphore, #tpu.memory_space<semaphore_mem>>)
        %dma_wait3A_52 = arith.constant 0 : i32
        %dma_wait3A_53 = tpu.memref_slice %arg4[%add3A_32, %dma_wait3A_52] : memref<40960x128xf32, #tpu.memory_space<hbm>> -> memref<128x128xf32, #tpu.memory_space<hbm>>
        %dma_wait3A_54 = arith.constant 0 : i32
        %dma_wait3A_55 = tpu.memref_slice %arg4[%add3A_32, %dma_wait3A_54] : memref<40960x128xf32, #tpu.memory_space<hbm>> -> memref<128x128xf32, #tpu.memory_space<hbm>>
        tpu.wait_dma2 semaphore(%run_scoped3A : memref<!tpu.dma_semaphore, #tpu.memory_space<semaphore_mem>>) src(%arg6 : memref<128x128xf32, #tpu.memory_space<vmem>>) dst(%dma_wait3A_55 : memref<128x128xf32, #tpu.memory_space<hbm>>)
        tpu.yield
      }) : () -> ()
      %lt3A = arith.constant 4 : i32
      %lt3A_33 = arith.cmpi slt, %scan3A_14, %lt3A : i32
      %convert_element_type3A = arith.extui %lt3A_33 : i1 to i32
      %cond3A = arith.constant 0 : i32
      %cond3A_34 = arith.cmpi ne, %convert_element_type3A, %cond3A : i32
      scf.if %cond3A_34 {
        %add3A_48 = arith.constant 2 : i32
        %add3A_49 = arith.addi %mul3A_16, %add3A_48 : i32
        %dma_start3A_50 = arith.constant 0 : i32
        %dma_start3A_51 = tpu.memref_slice %arg5[%add3A_49, %dma_start3A_50] : memref<10x128xi32, #tpu.memory_space<vmem>> -> memref<1x128xi32, #tpu.memory_space<vmem>>
        %dma_start3A_52 = tpu.memref_squeeze %dma_start3A_51 : memref<1x128xi32, #tpu.memory_space<vmem>> -> memref<128xi32, #tpu.memory_space<vmem>>
        %dma_start3A_53 = arith.constant 0 : i32
        %dma_start3A_54 = arith.constant 0 : i32
        %dma_start3A_55 = tpu.memref_slice %arg3[%dma_start3A_53, %dma_start3A_54] : memref<100000x128xf32, #tpu.memory_space<hbm>> -> memref<100000x128xf32, #tpu.memory_space<hbm>>
        tpu.enqueue_indirect_dma source(%dma_start3A_55 : memref<100000x128xf32, #tpu.memory_space<hbm>>) target(%arg6 : memref<128x128xf32, #tpu.memory_space<vmem>>) offsets(%dma_start3A_52 : memref<128xi32, #tpu.memory_space<vmem>>) semaphore(%arg8 : memref<!tpu.dma_semaphore, #tpu.memory_space<semaphore_mem>>)
      } else {
      }
      %add3A_35 = arith.constant 1 : i32
      %add3A_36 = arith.addi %mul3A_16, %add3A_35 : i32
      %dma_wait3A_37 = arith.constant 0 : i32
      %dma_wait3A_38 = tpu.memref_slice %arg5[%add3A_36, %dma_wait3A_37] : memref<10x128xi32, #tpu.memory_space<vmem>> -> memref<1x128xi32, #tpu.memory_space<vmem>>
      %dma_wait3A_39 = tpu.memref_squeeze %dma_wait3A_38 : memref<1x128xi32, #tpu.memory_space<vmem>> -> memref<128xi32, #tpu.memory_space<vmem>>
      %dma_wait3A_40 = arith.constant 0 : i32
      %dma_wait3A_41 = arith.constant 0 : i32
      %dma_wait3A_42 = tpu.memref_slice %arg3[%dma_wait3A_40, %dma_wait3A_41] : memref<100000x128xf32, #tpu.memory_space<hbm>> -> memref<100000x128xf32, #tpu.memory_space<hbm>>
      tpu.wait_indirect_dma semaphore(%arg9 : memref<!tpu.dma_semaphore, #tpu.memory_space<semaphore_mem>>) src(%dma_wait3A_42 : memref<100000x128xf32, #tpu.memory_space<hbm>>) dst(%arg7 : memref<128x128xf32, #tpu.memory_space<vmem>>)
      %add3A_43 = arith.constant 1 : i32
      %add3A_44 = arith.addi %mul3A_16, %add3A_43 : i32
      %mul3A_45 = arith.constant 128 : i32
      %mul3A_46 = arith.muli %add3A_44, %mul3A_45 : i32
      %add3A_47 = arith.addi %mul3A_2, %mul3A_46 : i32
      "tpu.region"() ({
        %run_scoped3A = tpu.sem_alloc : memref<!tpu.dma_semaphore, #tpu.memory_space<semaphore_mem>>
        %dma_start3A_48 = arith.constant 0 : i32
        %dma_start3A_49 = tpu.memref_slice %arg4[%add3A_47, %dma_start3A_48] : memref<40960x128xf32, #tpu.memory_space<hbm>> -> memref<128x128xf32, #tpu.memory_space<hbm>>
        %dma_start3A_50 = arith.constant 0 : i32
        %dma_start3A_51 = tpu.memref_slice %arg4[%add3A_47, %dma_start3A_50] : memref<40960x128xf32, #tpu.memory_space<hbm>> -> memref<128x128xf32, #tpu.memory_space<hbm>>
        tpu.enqueue_dma source(%arg7 : memref<128x128xf32, #tpu.memory_space<vmem>>) target(%dma_start3A_51 : memref<128x128xf32, #tpu.memory_space<hbm>>) target_semaphore(%run_scoped3A : memref<!tpu.dma_semaphore, #tpu.memory_space<semaphore_mem>>)
        %dma_wait3A_52 = arith.constant 0 : i32
        %dma_wait3A_53 = tpu.memref_slice %arg4[%add3A_47, %dma_wait3A_52] : memref<40960x128xf32, #tpu.memory_space<hbm>> -> memref<128x128xf32, #tpu.memory_space<hbm>>
        %dma_wait3A_54 = arith.constant 0 : i32
        %dma_wait3A_55 = tpu.memref_slice %arg4[%add3A_47, %dma_wait3A_54] : memref<40960x128xf32, #tpu.memory_space<hbm>> -> memref<128x128xf32, #tpu.memory_space<hbm>>
        tpu.wait_dma2 semaphore(%run_scoped3A : memref<!tpu.dma_semaphore, #tpu.memory_space<semaphore_mem>>) src(%arg7 : memref<128x128xf32, #tpu.memory_space<vmem>>) dst(%dma_wait3A_55 : memref<128x128xf32, #tpu.memory_space<hbm>>)
        tpu.yield
      }) : () -> ()
    }
    %scan3A_13 = arith.constant 5 : i32
    return
  }
}

#map = affine_map<(d0, d1) -> (0, 0, 0)>
#map1 = affine_map<(d0, d1) -> (0, 0)>
module attributes {stable_mosaic.version = 14 : i64} {
  func.func @sc_gather(%arg0: i32, %arg1: i32, %arg2: memref<32x10x128xi32, #tpu.memory_space<hbm>>, %arg3: memref<100000x128xf32, #tpu.memory_space<hbm>>, %arg4: memref<40960x128xf32, #tpu.memory_space<hbm>>, %arg5: memref<10x128xi32, #tpu.memory_space<vmem>>, %arg6: memref<128x128xf32, #tpu.memory_space<vmem>>, %arg7: memref<128x128xf32, #tpu.memory_space<vmem>>, %arg8: memref<!tpu.dma_semaphore, #tpu.memory_space<semaphore_mem>>, %arg9: memref<!tpu.dma_semaphore, #tpu.memory_space<semaphore_mem>>) attributes {dimension_semantics = [#tpu.dimension_semantics<core_parallel>, #tpu.dimension_semantics<subcore_parallel>], iteration_bounds = array<i64: 2, 16>, scalar_prefetch = 0 : i64, scratch_operands = 5 : i64, tpu.core_type = #tpu.core_type<sc_vector_subcore>, window_params = [{transform_indices = #map}, {transform_indices = #map1}, {transform_indices = #map1}]} {
    %mul3A = arith.constant 2 : i32
    %mul3A_0 = arith.muli %arg1, %mul3A : i32
    %add3A = arith.addi %mul3A_0, %arg0 : i32
    %mul3A_1 = arith.constant 1280 : i32
    %mul3A_2 = arith.muli %add3A, %mul3A_1 : i32
    "tpu.region"() ({
      %run_scoped3A = tpu.sem_alloc : memref<!tpu.dma_semaphore, #tpu.memory_space<semaphore_mem>>
      %dma_start3A_14 = arith.constant 0 : i32
      %dma_start3A_15 = arith.constant 0 : i32
      %dma_start3A_16 = tpu.memref_slice %arg2[%add3A, %dma_start3A_14, %dma_start3A_15] : memref<32x10x128xi32, #tpu.memory_space<hbm>> -> memref<1x10x128xi32, #tpu.memory_space<hbm>>
      %dma_start3A_17 = tpu.memref_squeeze %dma_start3A_16 : memref<1x10x128xi32, #tpu.memory_space<hbm>> -> memref<10x128xi32, #tpu.memory_space<hbm>>
      %dma_start3A_18 = arith.constant 0 : i32
      %dma_start3A_19 = arith.constant 0 : i32
      %dma_start3A_20 = tpu.memref_slice %arg2[%add3A, %dma_start3A_18, %dma_start3A_19] : memref<32x10x128xi32, #tpu.memory_space<hbm>> -> memref<1x10x128xi32, #tpu.memory_space<hbm>>
      %dma_start3A_21 = tpu.memref_squeeze %dma_start3A_20 : memref<1x10x128xi32, #tpu.memory_space<hbm>> -> memref<10x128xi32, #tpu.memory_space<hbm>>
      tpu.enqueue_dma source(%dma_start3A_21 : memref<10x128xi32, #tpu.memory_space<hbm>>) target(%arg5 : memref<10x128xi32, #tpu.memory_space<vmem>>) target_semaphore(%run_scoped3A : memref<!tpu.dma_semaphore, #tpu.memory_space<semaphore_mem>>)
      %dma_wait3A = arith.constant 0 : i32
      %dma_wait3A_22 = arith.constant 0 : i32
      %dma_wait3A_23 = tpu.memref_slice %arg2[%add3A, %dma_wait3A, %dma_wait3A_22] : memref<32x10x128xi32, #tpu.memory_space<hbm>> -> memref<1x10x128xi32, #tpu.memory_space<hbm>>
      %dma_wait3A_24 = tpu.memref_squeeze %dma_wait3A_23 : memref<1x10x128xi32, #tpu.memory_space<hbm>> -> memref<10x128xi32, #tpu.memory_space<hbm>>
      %dma_wait3A_25 = arith.constant 0 : i32
      %dma_wait3A_26 = arith.constant 0 : i32
      %dma_wait3A_27 = tpu.memref_slice %arg2[%add3A, %dma_wait3A_25, %dma_wait3A_26] : memref<32x10x128xi32, #tpu.memory_space<hbm>> -> memref<1x10x128xi32, #tpu.memory_space<hbm>>
      %dma_wait3A_28 = tpu.memref_squeeze %dma_wait3A_27 : memref<1x10x128xi32, #tpu.memory_space<hbm>> -> memref<10x128xi32, #tpu.memory_space<hbm>>
      tpu.wait_dma2 semaphore(%run_scoped3A : memref<!tpu.dma_semaphore, #tpu.memory_space<semaphore_mem>>) src(%dma_wait3A_28 : memref<10x128xi32, #tpu.memory_space<hbm>>) dst(%arg5 : memref<10x128xi32, #tpu.memory_space<vmem>>)
      tpu.yield
    }) : () -> ()
    %dma_start3A = arith.constant 0 : i32
    %dma_start3A_3 = arith.constant 0 : i32
    %dma_start3A_4 = tpu.memref_slice %arg5[%dma_start3A, %dma_start3A_3] : memref<10x128xi32, #tpu.memory_space<vmem>> -> memref<1x128xi32, #tpu.memory_space<vmem>>
    %dma_start3A_5 = tpu.memref_squeeze %dma_start3A_4 : memref<1x128xi32, #tpu.memory_space<vmem>> -> memref<128xi32, #tpu.memory_space<vmem>>
    %dma_start3A_6 = arith.constant 0 : i32
    %dma_start3A_7 = arith.constant 0 : i32
    %dma_start3A_8 = tpu.memref_slice %arg3[%dma_start3A_6, %dma_start3A_7] : memref<100000x128xf32, #tpu.memory_space<hbm>> -> memref<100000x128xf32, #tpu.memory_space<hbm>>
    tpu.enqueue_indirect_dma source(%dma_start3A_8 : memref<100000x128xf32, #tpu.memory_space<hbm>>) target(%arg6 : memref<128x128xf32, #tpu.memory_space<vmem>>) offsets(%dma_start3A_5 : memref<128xi32, #tpu.memory_space<vmem>>) semaphore(%arg8 : memref<!tpu.dma_semaphore, #tpu.memory_space<semaphore_mem>>)
    %scan3A = arith.constant 0 : i32
    %scan3A_9 = arith.constant 0 : i32
    %scan3A_10 = arith.constant 5 : i32
    %scan3A_11 = arith.addi %scan3A_9, %scan3A_10 : i32
    %scan3A_12 = arith.constant 1 : i32
    scf.for %scan3A_14 = %scan3A_9 to %scan3A_11 step %scan3A_12  : i32 {
      %mul3A_15 = arith.constant 2 : i32
      %mul3A_16 = arith.muli %mul3A_15, %scan3A_14 : i32
      %add3A_17 = arith.constant 1 : i32
      %add3A_18 = arith.addi %mul3A_16, %add3A_17 : i32
      %dma_start3A_19 = arith.constant 0 : i32
      %dma_start3A_20 = tpu.memref_slice %arg5[%add3A_18, %dma_start3A_19] : memref<10x128xi32, #tpu.memory_space<vmem>> -> memref<1x128xi32, #tpu.memory_space<vmem>>
      %dma_start3A_21 = tpu.memref_squeeze %dma_start3A_20 : memref<1x128xi32, #tpu.memory_space<vmem>> -> memref<128xi32, #tpu.memory_space<vmem>>
      %dma_start3A_22 = arith.constant 0 : i32
      %dma_start3A_23 = arith.constant 0 : i32
      %dma_start3A_24 = tpu.memref_slice %arg3[%dma_start3A_22, %dma_start3A_23] : memref<100000x128xf32, #tpu.memory_space<hbm>> -> memref<100000x128xf32, #tpu.memory_space<hbm>>
      tpu.enqueue_indirect_dma source(%dma_start3A_24 : memref<100000x128xf32, #tpu.memory_space<hbm>>) target(%arg7 : memref<128x128xf32, #tpu.memory_space<vmem>>) offsets(%dma_start3A_21 : memref<128xi32, #tpu.memory_space<vmem>>) semaphore(%arg9 : memref<!tpu.dma_semaphore, #tpu.memory_space<semaphore_mem>>)
      %dma_wait3A = arith.constant 0 : i32
      %dma_wait3A_25 = tpu.memref_slice %arg5[%mul3A_16, %dma_wait3A] : memref<10x128xi32, #tpu.memory_space<vmem>> -> memref<1x128xi32, #tpu.memory_space<vmem>>
      %dma_wait3A_26 = tpu.memref_squeeze %dma_wait3A_25 : memref<1x128xi32, #tpu.memory_space<vmem>> -> memref<128xi32, #tpu.memory_space<vmem>>
      %dma_wait3A_27 = arith.constant 0 : i32
      %dma_wait3A_28 = arith.constant 0 : i32
      %dma_wait3A_29 = tpu.memref_slice %arg3[%dma_wait3A_27, %dma_wait3A_28] : memref<100000x128xf32, #tpu.memory_space<hbm>> -> memref<100000x128xf32, #tpu.memory_space<hbm>>
      tpu.wait_indirect_dma semaphore(%arg8 : memref<!tpu.dma_semaphore, #tpu.memory_space<semaphore_mem>>) src(%dma_wait3A_29 : memref<100000x128xf32, #tpu.memory_space<hbm>>) dst(%arg6 : memref<128x128xf32, #tpu.memory_space<vmem>>)
      %mul3A_30 = arith.constant 128 : i32
      %mul3A_31 = arith.muli %mul3A_16, %mul3A_30 : i32
      %add3A_32 = arith.addi %mul3A_2, %mul3A_31 : i32
      "tpu.region"() ({
        %run_scoped3A = tpu.sem_alloc : memref<!tpu.dma_semaphore, #tpu.memory_space<semaphore_mem>>
        %dma_start3A_48 = arith.constant 0 : i32
        %dma_start3A_49 = tpu.memref_slice %arg4[%add3A_32, %dma_start3A_48] : memref<40960x128xf32, #tpu.memory_space<hbm>> -> memref<128x128xf32, #tpu.memory_space<hbm>>
        %dma_start3A_50 = arith.constant 0 : i32
        %dma_start3A_51 = tpu.memref_slice %arg4[%add3A_32, %dma_start3A_50] : memref<40960x128xf32, #tpu.memory_space<hbm>> -> memref<128x128xf32, #tpu.memory_space<hbm>>
        tpu.enqueue_dma source(%arg6 : memref<128x128xf32, #tpu.memory_space<vmem>>) target(%dma_start3A_51 : memref<128x128xf32, #tpu.memory_space<hbm>>) target_semaphore(%run_scoped3A : memref<!tpu.dma_semaphore, #tpu.memory_space<semaphore_mem>>)
        %dma_wait3A_52 = arith.constant 0 : i32
        %dma_wait3A_53 = tpu.memref_slice %arg4[%add3A_32, %dma_wait3A_52] : memref<40960x128xf32, #tpu.memory_space<hbm>> -> memref<128x128xf32, #tpu.memory_space<hbm>>
        %dma_wait3A_54 = arith.constant 0 : i32
        %dma_wait3A_55 = tpu.memref_slice %arg4[%add3A_32, %dma_wait3A_54] : memref<40960x128xf32, #tpu.memory_space<hbm>> -> memref<128x128xf32, #tpu.memory_space<hbm>>
        tpu.wait_dma2 semaphore(%run_scoped3A : memref<!tpu.dma_semaphore, #tpu.memory_space<semaphore_mem>>) src(%arg6 : memref<128x128xf32, #tpu.memory_space<vmem>>) dst(%dma_wait3A_55 : memref<128x128xf32, #tpu.memory_space<hbm>>)
        tpu.yield
      }) : () -> ()
      %lt3A = arith.constant 4 : i32
      %lt3A_33 = arith.cmpi slt, %scan3A_14, %lt3A : i32
      %convert_element_type3A = arith.extui %lt3A_33 : i1 to i32
      %cond3A = arith.constant 0 : i32
      %cond3A_34 = arith.cmpi ne, %convert_element_type3A, %cond3A : i32
      scf.if %cond3A_34 {
        %add3A_48 = arith.constant 2 : i32
        %add3A_49 = arith.addi %mul3A_16, %add3A_48 : i32
        %dma_start3A_50 = arith.constant 0 : i32
        %dma_start3A_51 = tpu.memref_slice %arg5[%add3A_49, %dma_start3A_50] : memref<10x128xi32, #tpu.memory_space<vmem>> -> memref<1x128xi32, #tpu.memory_space<vmem>>
        %dma_start3A_52 = tpu.memref_squeeze %dma_start3A_51 : memref<1x128xi32, #tpu.memory_space<vmem>> -> memref<128xi32, #tpu.memory_space<vmem>>
        %dma_start3A_53 = arith.constant 0 : i32
        %dma_start3A_54 = arith.constant 0 : i32
        %dma_start3A_55 = tpu.memref_slice %arg3[%dma_start3A_53, %dma_start3A_54] : memref<100000x128xf32, #tpu.memory_space<hbm>> -> memref<100000x128xf32, #tpu.memory_space<hbm>>
        tpu.enqueue_indirect_dma source(%dma_start3A_55 : memref<100000x128xf32, #tpu.memory_space<hbm>>) target(%arg6 : memref<128x128xf32, #tpu.memory_space<vmem>>) offsets(%dma_start3A_52 : memref<128xi32, #tpu.memory_space<vmem>>) semaphore(%arg8 : memref<!tpu.dma_semaphore, #tpu.memory_space<semaphore_mem>>)
      } else {
      }
      %add3A_35 = arith.constant 1 : i32
      %add3A_36 = arith.addi %mul3A_16, %add3A_35 : i32
      %dma_wait3A_37 = arith.constant 0 : i32
      %dma_wait3A_38 = tpu.memref_slice %arg5[%add3A_36, %dma_wait3A_37] : memref<10x128xi32, #tpu.memory_space<vmem>> -> memref<1x128xi32, #tpu.memory_space<vmem>>
      %dma_wait3A_39 = tpu.memref_squeeze %dma_wait3A_38 : memref<1x128xi32, #tpu.memory_space<vmem>> -> memref<128xi32, #tpu.memory_space<vmem>>
      %dma_wait3A_40 = arith.constant 0 : i32
      %dma_wait3A_41 = arith.constant 0 : i32
      %dma_wait3A_42 = tpu.memref_slice %arg3[%dma_wait3A_40, %dma_wait3A_41] : memref<100000x128xf32, #tpu.memory_space<hbm>> -> memref<100000x128xf32, #tpu.memory_space<hbm>>
      tpu.wait_indirect_dma semaphore(%arg9 : memref<!tpu.dma_semaphore, #tpu.memory_space<semaphore_mem>>) src(%dma_wait3A_42 : memref<100000x128xf32, #tpu.memory_space<hbm>>) dst(%arg7 : memref<128x128xf32, #tpu.memory_space<vmem>>)
      %add3A_43 = arith.constant 1 : i32
      %add3A_44 = arith.addi %mul3A_16, %add3A_43 : i32
      %mul3A_45 = arith.constant 128 : i32
      %mul3A_46 = arith.muli %add3A_44, %mul3A_45 : i32
      %add3A_47 = arith.addi %mul3A_2, %mul3A_46 : i32
      "tpu.region"() ({
        %run_scoped3A = tpu.sem_alloc : memref<!tpu.dma_semaphore, #tpu.memory_space<semaphore_mem>>
        %dma_start3A_48 = arith.constant 0 : i32
        %dma_start3A_49 = tpu.memref_slice %arg4[%add3A_47, %dma_start3A_48] : memref<40960x128xf32, #tpu.memory_space<hbm>> -> memref<128x128xf32, #tpu.memory_space<hbm>>
        %dma_start3A_50 = arith.constant 0 : i32
        %dma_start3A_51 = tpu.memref_slice %arg4[%add3A_47, %dma_start3A_50] : memref<40960x128xf32, #tpu.memory_space<hbm>> -> memref<128x128xf32, #tpu.memory_space<hbm>>
        tpu.enqueue_dma source(%arg7 : memref<128x128xf32, #tpu.memory_space<vmem>>) target(%dma_start3A_51 : memref<128x128xf32, #tpu.memory_space<hbm>>) target_semaphore(%run_scoped3A : memref<!tpu.dma_semaphore, #tpu.memory_space<semaphore_mem>>)
        %dma_wait3A_52 = arith.constant 0 : i32
        %dma_wait3A_53 = tpu.memref_slice %arg4[%add3A_47, %dma_wait3A_52] : memref<40960x128xf32, #tpu.memory_space<hbm>> -> memref<128x128xf32, #tpu.memory_space<hbm>>
        %dma_wait3A_54 = arith.constant 0 : i32
        %dma_wait3A_55 = tpu.memref_slice %arg4[%add3A_47, %dma_wait3A_54] : memref<40960x128xf32, #tpu.memory_space<hbm>> -> memref<128x128xf32, #tpu.memory_space<hbm>>
        tpu.wait_dma2 semaphore(%run_scoped3A : memref<!tpu.dma_semaphore, #tpu.memory_space<semaphore_mem>>) src(%arg7 : memref<128x128xf32, #tpu.memory_space<vmem>>) dst(%dma_wait3A_55 : memref<128x128xf32, #tpu.memory_space<hbm>>)
        tpu.yield
      }) : () -> ()
    }
    %scan3A_13 = arith.constant 5 : i32
    return
  }
}

#map = affine_map<(d0, d1) -> (0, 0, 0)>
#map1 = affine_map<(d0, d1) -> (0, 0)>
module attributes {stable_mosaic.version = 14 : i64} {
  func.func @sc_gather(%arg0: i32, %arg1: i32, %arg2: memref<32x10x128xi32, #tpu.memory_space<hbm>>, %arg3: memref<100000x128xf32, #tpu.memory_space<hbm>>, %arg4: memref<40960x128xf32, #tpu.memory_space<hbm>>, %arg5: memref<10x128xi32, #tpu.memory_space<vmem>>, %arg6: memref<128x128xf32, #tpu.memory_space<vmem>>, %arg7: memref<128x128xf32, #tpu.memory_space<vmem>>, %arg8: memref<!tpu.dma_semaphore, #tpu.memory_space<semaphore_mem>>, %arg9: memref<!tpu.dma_semaphore, #tpu.memory_space<semaphore_mem>>) attributes {dimension_semantics = [#tpu.dimension_semantics<core_parallel>, #tpu.dimension_semantics<subcore_parallel>], iteration_bounds = array<i64: 2, 16>, scalar_prefetch = 0 : i64, scratch_operands = 5 : i64, tpu.core_type = #tpu.core_type<sc_vector_subcore>, window_params = [{transform_indices = #map}, {transform_indices = #map1}, {transform_indices = #map1}]} {
    %mul3A = arith.constant 2 : i32
    %mul3A_0 = arith.muli %arg1, %mul3A : i32
    %add3A = arith.addi %mul3A_0, %arg0 : i32
    %mul3A_1 = arith.constant 1280 : i32
    %mul3A_2 = arith.muli %add3A, %mul3A_1 : i32
    "tpu.region"() ({
      %run_scoped3A = tpu.sem_alloc : memref<!tpu.dma_semaphore, #tpu.memory_space<semaphore_mem>>
      %dma_start3A_14 = arith.constant 0 : i32
      %dma_start3A_15 = arith.constant 0 : i32
      %dma_start3A_16 = tpu.memref_slice %arg2[%add3A, %dma_start3A_14, %dma_start3A_15] : memref<32x10x128xi32, #tpu.memory_space<hbm>> -> memref<1x10x128xi32, #tpu.memory_space<hbm>>
      %dma_start3A_17 = tpu.memref_squeeze %dma_start3A_16 : memref<1x10x128xi32, #tpu.memory_space<hbm>> -> memref<10x128xi32, #tpu.memory_space<hbm>>
      %dma_start3A_18 = arith.constant 0 : i32
      %dma_start3A_19 = arith.constant 0 : i32
      %dma_start3A_20 = tpu.memref_slice %arg2[%add3A, %dma_start3A_18, %dma_start3A_19] : memref<32x10x128xi32, #tpu.memory_space<hbm>> -> memref<1x10x128xi32, #tpu.memory_space<hbm>>
      %dma_start3A_21 = tpu.memref_squeeze %dma_start3A_20 : memref<1x10x128xi32, #tpu.memory_space<hbm>> -> memref<10x128xi32, #tpu.memory_space<hbm>>
      tpu.enqueue_dma source(%dma_start3A_21 : memref<10x128xi32, #tpu.memory_space<hbm>>) target(%arg5 : memref<10x128xi32, #tpu.memory_space<vmem>>) target_semaphore(%run_scoped3A : memref<!tpu.dma_semaphore, #tpu.memory_space<semaphore_mem>>)
      %dma_wait3A = arith.constant 0 : i32
      %dma_wait3A_22 = arith.constant 0 : i32
      %dma_wait3A_23 = tpu.memref_slice %arg2[%add3A, %dma_wait3A, %dma_wait3A_22] : memref<32x10x128xi32, #tpu.memory_space<hbm>> -> memref<1x10x128xi32, #tpu.memory_space<hbm>>
      %dma_wait3A_24 = tpu.memref_squeeze %dma_wait3A_23 : memref<1x10x128xi32, #tpu.memory_space<hbm>> -> memref<10x128xi32, #tpu.memory_space<hbm>>
      %dma_wait3A_25 = arith.constant 0 : i32
      %dma_wait3A_26 = arith.constant 0 : i32
      %dma_wait3A_27 = tpu.memref_slice %arg2[%add3A, %dma_wait3A_25, %dma_wait3A_26] : memref<32x10x128xi32, #tpu.memory_space<hbm>> -> memref<1x10x128xi32, #tpu.memory_space<hbm>>
      %dma_wait3A_28 = tpu.memref_squeeze %dma_wait3A_27 : memref<1x10x128xi32, #tpu.memory_space<hbm>> -> memref<10x128xi32, #tpu.memory_space<hbm>>
      tpu.wait_dma2 semaphore(%run_scoped3A : memref<!tpu.dma_semaphore, #tpu.memory_space<semaphore_mem>>) src(%dma_wait3A_28 : memref<10x128xi32, #tpu.memory_space<hbm>>) dst(%arg5 : memref<10x128xi32, #tpu.memory_space<vmem>>)
      tpu.yield
    }) : () -> ()
    %dma_start3A = arith.constant 0 : i32
    %dma_start3A_3 = arith.constant 0 : i32
    %dma_start3A_4 = tpu.memref_slice %arg5[%dma_start3A, %dma_start3A_3] : memref<10x128xi32, #tpu.memory_space<vmem>> -> memref<1x128xi32, #tpu.memory_space<vmem>>
    %dma_start3A_5 = tpu.memref_squeeze %dma_start3A_4 : memref<1x128xi32, #tpu.memory_space<vmem>> -> memref<128xi32, #tpu.memory_space<vmem>>
    %dma_start3A_6 = arith.constant 0 : i32
    %dma_start3A_7 = arith.constant 0 : i32
    %dma_start3A_8 = tpu.memref_slice %arg3[%dma_start3A_6, %dma_start3A_7] : memref<100000x128xf32, #tpu.memory_space<hbm>> -> memref<100000x128xf32, #tpu.memory_space<hbm>>
    tpu.enqueue_indirect_dma source(%dma_start3A_8 : memref<100000x128xf32, #tpu.memory_space<hbm>>) target(%arg6 : memref<128x128xf32, #tpu.memory_space<vmem>>) offsets(%dma_start3A_5 : memref<128xi32, #tpu.memory_space<vmem>>) semaphore(%arg8 : memref<!tpu.dma_semaphore, #tpu.memory_space<semaphore_mem>>)
    %scan3A = arith.constant 0 : i32
    %scan3A_9 = arith.constant 0 : i32
    %scan3A_10 = arith.constant 5 : i32
    %scan3A_11 = arith.addi %scan3A_9, %scan3A_10 : i32
    %scan3A_12 = arith.constant 1 : i32
    scf.for %scan3A_14 = %scan3A_9 to %scan3A_11 step %scan3A_12  : i32 {
      %mul3A_15 = arith.constant 2 : i32
      %mul3A_16 = arith.muli %mul3A_15, %scan3A_14 : i32
      %add3A_17 = arith.constant 1 : i32
      %add3A_18 = arith.addi %mul3A_16, %add3A_17 : i32
      %dma_start3A_19 = arith.constant 0 : i32
      %dma_start3A_20 = tpu.memref_slice %arg5[%add3A_18, %dma_start3A_19] : memref<10x128xi32, #tpu.memory_space<vmem>> -> memref<1x128xi32, #tpu.memory_space<vmem>>
      %dma_start3A_21 = tpu.memref_squeeze %dma_start3A_20 : memref<1x128xi32, #tpu.memory_space<vmem>> -> memref<128xi32, #tpu.memory_space<vmem>>
      %dma_start3A_22 = arith.constant 0 : i32
      %dma_start3A_23 = arith.constant 0 : i32
      %dma_start3A_24 = tpu.memref_slice %arg3[%dma_start3A_22, %dma_start3A_23] : memref<100000x128xf32, #tpu.memory_space<hbm>> -> memref<100000x128xf32, #tpu.memory_space<hbm>>
      tpu.enqueue_indirect_dma source(%dma_start3A_24 : memref<100000x128xf32, #tpu.memory_space<hbm>>) target(%arg7 : memref<128x128xf32, #tpu.memory_space<vmem>>) offsets(%dma_start3A_21 : memref<128xi32, #tpu.memory_space<vmem>>) semaphore(%arg9 : memref<!tpu.dma_semaphore, #tpu.memory_space<semaphore_mem>>)
      %dma_wait3A = arith.constant 0 : i32
      %dma_wait3A_25 = tpu.memref_slice %arg5[%mul3A_16, %dma_wait3A] : memref<10x128xi32, #tpu.memory_space<vmem>> -> memref<1x128xi32, #tpu.memory_space<vmem>>
      %dma_wait3A_26 = tpu.memref_squeeze %dma_wait3A_25 : memref<1x128xi32, #tpu.memory_space<vmem>> -> memref<128xi32, #tpu.memory_space<vmem>>
      %dma_wait3A_27 = arith.constant 0 : i32
      %dma_wait3A_28 = arith.constant 0 : i32
      %dma_wait3A_29 = tpu.memref_slice %arg3[%dma_wait3A_27, %dma_wait3A_28] : memref<100000x128xf32, #tpu.memory_space<hbm>> -> memref<100000x128xf32, #tpu.memory_space<hbm>>
      tpu.wait_indirect_dma semaphore(%arg8 : memref<!tpu.dma_semaphore, #tpu.memory_space<semaphore_mem>>) src(%dma_wait3A_29 : memref<100000x128xf32, #tpu.memory_space<hbm>>) dst(%arg6 : memref<128x128xf32, #tpu.memory_space<vmem>>)
      %mul3A_30 = arith.constant 128 : i32
      %mul3A_31 = arith.muli %mul3A_16, %mul3A_30 : i32
      %add3A_32 = arith.addi %mul3A_2, %mul3A_31 : i32
      "tpu.region"() ({
        %run_scoped3A = tpu.sem_alloc : memref<!tpu.dma_semaphore, #tpu.memory_space<semaphore_mem>>
        %dma_start3A_48 = arith.constant 0 : i32
        %dma_start3A_49 = tpu.memref_slice %arg4[%add3A_32, %dma_start3A_48] : memref<40960x128xf32, #tpu.memory_space<hbm>> -> memref<128x128xf32, #tpu.memory_space<hbm>>
        %dma_start3A_50 = arith.constant 0 : i32
        %dma_start3A_51 = tpu.memref_slice %arg4[%add3A_32, %dma_start3A_50] : memref<40960x128xf32, #tpu.memory_space<hbm>> -> memref<128x128xf32, #tpu.memory_space<hbm>>
        tpu.enqueue_dma source(%arg6 : memref<128x128xf32, #tpu.memory_space<vmem>>) target(%dma_start3A_51 : memref<128x128xf32, #tpu.memory_space<hbm>>) target_semaphore(%run_scoped3A : memref<!tpu.dma_semaphore, #tpu.memory_space<semaphore_mem>>)
        %dma_wait3A_52 = arith.constant 0 : i32
        %dma_wait3A_53 = tpu.memref_slice %arg4[%add3A_32, %dma_wait3A_52] : memref<40960x128xf32, #tpu.memory_space<hbm>> -> memref<128x128xf32, #tpu.memory_space<hbm>>
        %dma_wait3A_54 = arith.constant 0 : i32
        %dma_wait3A_55 = tpu.memref_slice %arg4[%add3A_32, %dma_wait3A_54] : memref<40960x128xf32, #tpu.memory_space<hbm>> -> memref<128x128xf32, #tpu.memory_space<hbm>>
        tpu.wait_dma2 semaphore(%run_scoped3A : memref<!tpu.dma_semaphore, #tpu.memory_space<semaphore_mem>>) src(%arg6 : memref<128x128xf32, #tpu.memory_space<vmem>>) dst(%dma_wait3A_55 : memref<128x128xf32, #tpu.memory_space<hbm>>)
        tpu.yield
      }) : () -> ()
      %lt3A = arith.constant 4 : i32
      %lt3A_33 = arith.cmpi slt, %scan3A_14, %lt3A : i32
      %convert_element_type3A = arith.extui %lt3A_33 : i1 to i32
      %cond3A = arith.constant 0 : i32
      %cond3A_34 = arith.cmpi ne, %convert_element_type3A, %cond3A : i32
      scf.if %cond3A_34 {
        %add3A_48 = arith.constant 2 : i32
        %add3A_49 = arith.addi %mul3A_16, %add3A_48 : i32
        %dma_start3A_50 = arith.constant 0 : i32
        %dma_start3A_51 = tpu.memref_slice %arg5[%add3A_49, %dma_start3A_50] : memref<10x128xi32, #tpu.memory_space<vmem>> -> memref<1x128xi32, #tpu.memory_space<vmem>>
        %dma_start3A_52 = tpu.memref_squeeze %dma_start3A_51 : memref<1x128xi32, #tpu.memory_space<vmem>> -> memref<128xi32, #tpu.memory_space<vmem>>
        %dma_start3A_53 = arith.constant 0 : i32
        %dma_start3A_54 = arith.constant 0 : i32
        %dma_start3A_55 = tpu.memref_slice %arg3[%dma_start3A_53, %dma_start3A_54] : memref<100000x128xf32, #tpu.memory_space<hbm>> -> memref<100000x128xf32, #tpu.memory_space<hbm>>
        tpu.enqueue_indirect_dma source(%dma_start3A_55 : memref<100000x128xf32, #tpu.memory_space<hbm>>) target(%arg6 : memref<128x128xf32, #tpu.memory_space<vmem>>) offsets(%dma_start3A_52 : memref<128xi32, #tpu.memory_space<vmem>>) semaphore(%arg8 : memref<!tpu.dma_semaphore, #tpu.memory_space<semaphore_mem>>)
      } else {
      }
      %add3A_35 = arith.constant 1 : i32
      %add3A_36 = arith.addi %mul3A_16, %add3A_35 : i32
      %dma_wait3A_37 = arith.constant 0 : i32
      %dma_wait3A_38 = tpu.memref_slice %arg5[%add3A_36, %dma_wait3A_37] : memref<10x128xi32, #tpu.memory_space<vmem>> -> memref<1x128xi32, #tpu.memory_space<vmem>>
      %dma_wait3A_39 = tpu.memref_squeeze %dma_wait3A_38 : memref<1x128xi32, #tpu.memory_space<vmem>> -> memref<128xi32, #tpu.memory_space<vmem>>
      %dma_wait3A_40 = arith.constant 0 : i32
      %dma_wait3A_41 = arith.constant 0 : i32
      %dma_wait3A_42 = tpu.memref_slice %arg3[%dma_wait3A_40, %dma_wait3A_41] : memref<100000x128xf32, #tpu.memory_space<hbm>> -> memref<100000x128xf32, #tpu.memory_space<hbm>>
      tpu.wait_indirect_dma semaphore(%arg9 : memref<!tpu.dma_semaphore, #tpu.memory_space<semaphore_mem>>) src(%dma_wait3A_42 : memref<100000x128xf32, #tpu.memory_space<hbm>>) dst(%arg7 : memref<128x128xf32, #tpu.memory_space<vmem>>)
      %add3A_43 = arith.constant 1 : i32
      %add3A_44 = arith.addi %mul3A_16, %add3A_43 : i32
      %mul3A_45 = arith.constant 128 : i32
      %mul3A_46 = arith.muli %add3A_44, %mul3A_45 : i32
      %add3A_47 = arith.addi %mul3A_2, %mul3A_46 : i32
      "tpu.region"() ({
        %run_scoped3A = tpu.sem_alloc : memref<!tpu.dma_semaphore, #tpu.memory_space<semaphore_mem>>
        %dma_start3A_48 = arith.constant 0 : i32
        %dma_start3A_49 = tpu.memref_slice %arg4[%add3A_47, %dma_start3A_48] : memref<40960x128xf32, #tpu.memory_space<hbm>> -> memref<128x128xf32, #tpu.memory_space<hbm>>
        %dma_start3A_50 = arith.constant 0 : i32
        %dma_start3A_51 = tpu.memref_slice %arg4[%add3A_47, %dma_start3A_50] : memref<40960x128xf32, #tpu.memory_space<hbm>> -> memref<128x128xf32, #tpu.memory_space<hbm>>
        tpu.enqueue_dma source(%arg7 : memref<128x128xf32, #tpu.memory_space<vmem>>) target(%dma_start3A_51 : memref<128x128xf32, #tpu.memory_space<hbm>>) target_semaphore(%run_scoped3A : memref<!tpu.dma_semaphore, #tpu.memory_space<semaphore_mem>>)
        %dma_wait3A_52 = arith.constant 0 : i32
        %dma_wait3A_53 = tpu.memref_slice %arg4[%add3A_47, %dma_wait3A_52] : memref<40960x128xf32, #tpu.memory_space<hbm>> -> memref<128x128xf32, #tpu.memory_space<hbm>>
        %dma_wait3A_54 = arith.constant 0 : i32
        %dma_wait3A_55 = tpu.memref_slice %arg4[%add3A_47, %dma_wait3A_54] : memref<40960x128xf32, #tpu.memory_space<hbm>> -> memref<128x128xf32, #tpu.memory_space<hbm>>
        tpu.wait_dma2 semaphore(%run_scoped3A : memref<!tpu.dma_semaphore, #tpu.memory_space<semaphore_mem>>) src(%arg7 : memref<128x128xf32, #tpu.memory_space<vmem>>) dst(%dma_wait3A_55 : memref<128x128xf32, #tpu.memory_space<hbm>>)
        tpu.yield
      }) : () -> ()
    }
    %scan3A_13 = arith.constant 5 : i32
    return
  }
}

#map = affine_map<(d0, d1) -> (0, 0, 0)>
#map1 = affine_map<(d0, d1) -> (0, 0)>
module attributes {stable_mosaic.version = 14 : i64} {
  func.func @sc_gather(%arg0: i32, %arg1: i32, %arg2: memref<32x10x128xi32, #tpu.memory_space<hbm>>, %arg3: memref<100000x128xf32, #tpu.memory_space<hbm>>, %arg4: memref<40960x128xf32, #tpu.memory_space<hbm>>, %arg5: memref<10x128xi32, #tpu.memory_space<vmem>>, %arg6: memref<128x128xf32, #tpu.memory_space<vmem>>, %arg7: memref<128x128xf32, #tpu.memory_space<vmem>>, %arg8: memref<!tpu.dma_semaphore, #tpu.memory_space<semaphore_mem>>, %arg9: memref<!tpu.dma_semaphore, #tpu.memory_space<semaphore_mem>>) attributes {dimension_semantics = [#tpu.dimension_semantics<core_parallel>, #tpu.dimension_semantics<subcore_parallel>], iteration_bounds = array<i64: 2, 16>, scalar_prefetch = 0 : i64, scratch_operands = 5 : i64, tpu.core_type = #tpu.core_type<sc_vector_subcore>, window_params = [{transform_indices = #map}, {transform_indices = #map1}, {transform_indices = #map1}]} {
    %mul3A = arith.constant 2 : i32
    %mul3A_0 = arith.muli %arg1, %mul3A : i32
    %add3A = arith.addi %mul3A_0, %arg0 : i32
    %mul3A_1 = arith.constant 1280 : i32
    %mul3A_2 = arith.muli %add3A, %mul3A_1 : i32
    "tpu.region"() ({
      %run_scoped3A = tpu.sem_alloc : memref<!tpu.dma_semaphore, #tpu.memory_space<semaphore_mem>>
      %dma_start3A_14 = arith.constant 0 : i32
      %dma_start3A_15 = arith.constant 0 : i32
      %dma_start3A_16 = tpu.memref_slice %arg2[%add3A, %dma_start3A_14, %dma_start3A_15] : memref<32x10x128xi32, #tpu.memory_space<hbm>> -> memref<1x10x128xi32, #tpu.memory_space<hbm>>
      %dma_start3A_17 = tpu.memref_squeeze %dma_start3A_16 : memref<1x10x128xi32, #tpu.memory_space<hbm>> -> memref<10x128xi32, #tpu.memory_space<hbm>>
      %dma_start3A_18 = arith.constant 0 : i32
      %dma_start3A_19 = arith.constant 0 : i32
      %dma_start3A_20 = tpu.memref_slice %arg2[%add3A, %dma_start3A_18, %dma_start3A_19] : memref<32x10x128xi32, #tpu.memory_space<hbm>> -> memref<1x10x128xi32, #tpu.memory_space<hbm>>
      %dma_start3A_21 = tpu.memref_squeeze %dma_start3A_20 : memref<1x10x128xi32, #tpu.memory_space<hbm>> -> memref<10x128xi32, #tpu.memory_space<hbm>>
      tpu.enqueue_dma source(%dma_start3A_21 : memref<10x128xi32, #tpu.memory_space<hbm>>) target(%arg5 : memref<10x128xi32, #tpu.memory_space<vmem>>) target_semaphore(%run_scoped3A : memref<!tpu.dma_semaphore, #tpu.memory_space<semaphore_mem>>)
      %dma_wait3A = arith.constant 0 : i32
      %dma_wait3A_22 = arith.constant 0 : i32
      %dma_wait3A_23 = tpu.memref_slice %arg2[%add3A, %dma_wait3A, %dma_wait3A_22] : memref<32x10x128xi32, #tpu.memory_space<hbm>> -> memref<1x10x128xi32, #tpu.memory_space<hbm>>
      %dma_wait3A_24 = tpu.memref_squeeze %dma_wait3A_23 : memref<1x10x128xi32, #tpu.memory_space<hbm>> -> memref<10x128xi32, #tpu.memory_space<hbm>>
      %dma_wait3A_25 = arith.constant 0 : i32
      %dma_wait3A_26 = arith.constant 0 : i32
      %dma_wait3A_27 = tpu.memref_slice %arg2[%add3A, %dma_wait3A_25, %dma_wait3A_26] : memref<32x10x128xi32, #tpu.memory_space<hbm>> -> memref<1x10x128xi32, #tpu.memory_space<hbm>>
      %dma_wait3A_28 = tpu.memref_squeeze %dma_wait3A_27 : memref<1x10x128xi32, #tpu.memory_space<hbm>> -> memref<10x128xi32, #tpu.memory_space<hbm>>
      tpu.wait_dma2 semaphore(%run_scoped3A : memref<!tpu.dma_semaphore, #tpu.memory_space<semaphore_mem>>) src(%dma_wait3A_28 : memref<10x128xi32, #tpu.memory_space<hbm>>) dst(%arg5 : memref<10x128xi32, #tpu.memory_space<vmem>>)
      tpu.yield
    }) : () -> ()
    %dma_start3A = arith.constant 0 : i32
    %dma_start3A_3 = arith.constant 0 : i32
    %dma_start3A_4 = tpu.memref_slice %arg5[%dma_start3A, %dma_start3A_3] : memref<10x128xi32, #tpu.memory_space<vmem>> -> memref<1x128xi32, #tpu.memory_space<vmem>>
    %dma_start3A_5 = tpu.memref_squeeze %dma_start3A_4 : memref<1x128xi32, #tpu.memory_space<vmem>> -> memref<128xi32, #tpu.memory_space<vmem>>
    %dma_start3A_6 = arith.constant 0 : i32
    %dma_start3A_7 = arith.constant 0 : i32
    %dma_start3A_8 = tpu.memref_slice %arg3[%dma_start3A_6, %dma_start3A_7] : memref<100000x128xf32, #tpu.memory_space<hbm>> -> memref<100000x128xf32, #tpu.memory_space<hbm>>
    tpu.enqueue_indirect_dma source(%dma_start3A_8 : memref<100000x128xf32, #tpu.memory_space<hbm>>) target(%arg6 : memref<128x128xf32, #tpu.memory_space<vmem>>) offsets(%dma_start3A_5 : memref<128xi32, #tpu.memory_space<vmem>>) semaphore(%arg8 : memref<!tpu.dma_semaphore, #tpu.memory_space<semaphore_mem>>)
    %scan3A = arith.constant 0 : i32
    %scan3A_9 = arith.constant 0 : i32
    %scan3A_10 = arith.constant 5 : i32
    %scan3A_11 = arith.addi %scan3A_9, %scan3A_10 : i32
    %scan3A_12 = arith.constant 1 : i32
    scf.for %scan3A_14 = %scan3A_9 to %scan3A_11 step %scan3A_12  : i32 {
      %mul3A_15 = arith.constant 2 : i32
      %mul3A_16 = arith.muli %mul3A_15, %scan3A_14 : i32
      %add3A_17 = arith.constant 1 : i32
      %add3A_18 = arith.addi %mul3A_16, %add3A_17 : i32
      %dma_start3A_19 = arith.constant 0 : i32
      %dma_start3A_20 = tpu.memref_slice %arg5[%add3A_18, %dma_start3A_19] : memref<10x128xi32, #tpu.memory_space<vmem>> -> memref<1x128xi32, #tpu.memory_space<vmem>>
      %dma_start3A_21 = tpu.memref_squeeze %dma_start3A_20 : memref<1x128xi32, #tpu.memory_space<vmem>> -> memref<128xi32, #tpu.memory_space<vmem>>
      %dma_start3A_22 = arith.constant 0 : i32
      %dma_start3A_23 = arith.constant 0 : i32
      %dma_start3A_24 = tpu.memref_slice %arg3[%dma_start3A_22, %dma_start3A_23] : memref<100000x128xf32, #tpu.memory_space<hbm>> -> memref<100000x128xf32, #tpu.memory_space<hbm>>
      tpu.enqueue_indirect_dma source(%dma_start3A_24 : memref<100000x128xf32, #tpu.memory_space<hbm>>) target(%arg7 : memref<128x128xf32, #tpu.memory_space<vmem>>) offsets(%dma_start3A_21 : memref<128xi32, #tpu.memory_space<vmem>>) semaphore(%arg9 : memref<!tpu.dma_semaphore, #tpu.memory_space<semaphore_mem>>)
      %dma_wait3A = arith.constant 0 : i32
      %dma_wait3A_25 = tpu.memref_slice %arg5[%mul3A_16, %dma_wait3A] : memref<10x128xi32, #tpu.memory_space<vmem>> -> memref<1x128xi32, #tpu.memory_space<vmem>>
      %dma_wait3A_26 = tpu.memref_squeeze %dma_wait3A_25 : memref<1x128xi32, #tpu.memory_space<vmem>> -> memref<128xi32, #tpu.memory_space<vmem>>
      %dma_wait3A_27 = arith.constant 0 : i32
      %dma_wait3A_28 = arith.constant 0 : i32
      %dma_wait3A_29 = tpu.memref_slice %arg3[%dma_wait3A_27, %dma_wait3A_28] : memref<100000x128xf32, #tpu.memory_space<hbm>> -> memref<100000x128xf32, #tpu.memory_space<hbm>>
      tpu.wait_indirect_dma semaphore(%arg8 : memref<!tpu.dma_semaphore, #tpu.memory_space<semaphore_mem>>) src(%dma_wait3A_29 : memref<100000x128xf32, #tpu.memory_space<hbm>>) dst(%arg6 : memref<128x128xf32, #tpu.memory_space<vmem>>)
      %mul3A_30 = arith.constant 128 : i32
      %mul3A_31 = arith.muli %mul3A_16, %mul3A_30 : i32
      %add3A_32 = arith.addi %mul3A_2, %mul3A_31 : i32
      "tpu.region"() ({
        %run_scoped3A = tpu.sem_alloc : memref<!tpu.dma_semaphore, #tpu.memory_space<semaphore_mem>>
        %dma_start3A_48 = arith.constant 0 : i32
        %dma_start3A_49 = tpu.memref_slice %arg4[%add3A_32, %dma_start3A_48] : memref<40960x128xf32, #tpu.memory_space<hbm>> -> memref<128x128xf32, #tpu.memory_space<hbm>>
        %dma_start3A_50 = arith.constant 0 : i32
        %dma_start3A_51 = tpu.memref_slice %arg4[%add3A_32, %dma_start3A_50] : memref<40960x128xf32, #tpu.memory_space<hbm>> -> memref<128x128xf32, #tpu.memory_space<hbm>>
        tpu.enqueue_dma source(%arg6 : memref<128x128xf32, #tpu.memory_space<vmem>>) target(%dma_start3A_51 : memref<128x128xf32, #tpu.memory_space<hbm>>) target_semaphore(%run_scoped3A : memref<!tpu.dma_semaphore, #tpu.memory_space<semaphore_mem>>)
        %dma_wait3A_52 = arith.constant 0 : i32
        %dma_wait3A_53 = tpu.memref_slice %arg4[%add3A_32, %dma_wait3A_52] : memref<40960x128xf32, #tpu.memory_space<hbm>> -> memref<128x128xf32, #tpu.memory_space<hbm>>
        %dma_wait3A_54 = arith.constant 0 : i32
        %dma_wait3A_55 = tpu.memref_slice %arg4[%add3A_32, %dma_wait3A_54] : memref<40960x128xf32, #tpu.memory_space<hbm>> -> memref<128x128xf32, #tpu.memory_space<hbm>>
        tpu.wait_dma2 semaphore(%run_scoped3A : memref<!tpu.dma_semaphore, #tpu.memory_space<semaphore_mem>>) src(%arg6 : memref<128x128xf32, #tpu.memory_space<vmem>>) dst(%dma_wait3A_55 : memref<128x128xf32, #tpu.memory_space<hbm>>)
        tpu.yield
      }) : () -> ()
      %lt3A = arith.constant 4 : i32
      %lt3A_33 = arith.cmpi slt, %scan3A_14, %lt3A : i32
      %convert_element_type3A = arith.extui %lt3A_33 : i1 to i32
      %cond3A = arith.constant 0 : i32
      %cond3A_34 = arith.cmpi ne, %convert_element_type3A, %cond3A : i32
      scf.if %cond3A_34 {
        %add3A_48 = arith.constant 2 : i32
        %add3A_49 = arith.addi %mul3A_16, %add3A_48 : i32
        %dma_start3A_50 = arith.constant 0 : i32
        %dma_start3A_51 = tpu.memref_slice %arg5[%add3A_49, %dma_start3A_50] : memref<10x128xi32, #tpu.memory_space<vmem>> -> memref<1x128xi32, #tpu.memory_space<vmem>>
        %dma_start3A_52 = tpu.memref_squeeze %dma_start3A_51 : memref<1x128xi32, #tpu.memory_space<vmem>> -> memref<128xi32, #tpu.memory_space<vmem>>
        %dma_start3A_53 = arith.constant 0 : i32
        %dma_start3A_54 = arith.constant 0 : i32
        %dma_start3A_55 = tpu.memref_slice %arg3[%dma_start3A_53, %dma_start3A_54] : memref<100000x128xf32, #tpu.memory_space<hbm>> -> memref<100000x128xf32, #tpu.memory_space<hbm>>
        tpu.enqueue_indirect_dma source(%dma_start3A_55 : memref<100000x128xf32, #tpu.memory_space<hbm>>) target(%arg6 : memref<128x128xf32, #tpu.memory_space<vmem>>) offsets(%dma_start3A_52 : memref<128xi32, #tpu.memory_space<vmem>>) semaphore(%arg8 : memref<!tpu.dma_semaphore, #tpu.memory_space<semaphore_mem>>)
      } else {
      }
      %add3A_35 = arith.constant 1 : i32
      %add3A_36 = arith.addi %mul3A_16, %add3A_35 : i32
      %dma_wait3A_37 = arith.constant 0 : i32
      %dma_wait3A_38 = tpu.memref_slice %arg5[%add3A_36, %dma_wait3A_37] : memref<10x128xi32, #tpu.memory_space<vmem>> -> memref<1x128xi32, #tpu.memory_space<vmem>>
      %dma_wait3A_39 = tpu.memref_squeeze %dma_wait3A_38 : memref<1x128xi32, #tpu.memory_space<vmem>> -> memref<128xi32, #tpu.memory_space<vmem>>
      %dma_wait3A_40 = arith.constant 0 : i32
      %dma_wait3A_41 = arith.constant 0 : i32
      %dma_wait3A_42 = tpu.memref_slice %arg3[%dma_wait3A_40, %dma_wait3A_41] : memref<100000x128xf32, #tpu.memory_space<hbm>> -> memref<100000x128xf32, #tpu.memory_space<hbm>>
      tpu.wait_indirect_dma semaphore(%arg9 : memref<!tpu.dma_semaphore, #tpu.memory_space<semaphore_mem>>) src(%dma_wait3A_42 : memref<100000x128xf32, #tpu.memory_space<hbm>>) dst(%arg7 : memref<128x128xf32, #tpu.memory_space<vmem>>)
      %add3A_43 = arith.constant 1 : i32
      %add3A_44 = arith.addi %mul3A_16, %add3A_43 : i32
      %mul3A_45 = arith.constant 128 : i32
      %mul3A_46 = arith.muli %add3A_44, %mul3A_45 : i32
      %add3A_47 = arith.addi %mul3A_2, %mul3A_46 : i32
      "tpu.region"() ({
        %run_scoped3A = tpu.sem_alloc : memref<!tpu.dma_semaphore, #tpu.memory_space<semaphore_mem>>
        %dma_start3A_48 = arith.constant 0 : i32
        %dma_start3A_49 = tpu.memref_slice %arg4[%add3A_47, %dma_start3A_48] : memref<40960x128xf32, #tpu.memory_space<hbm>> -> memref<128x128xf32, #tpu.memory_space<hbm>>
        %dma_start3A_50 = arith.constant 0 : i32
        %dma_start3A_51 = tpu.memref_slice %arg4[%add3A_47, %dma_start3A_50] : memref<40960x128xf32, #tpu.memory_space<hbm>> -> memref<128x128xf32, #tpu.memory_space<hbm>>
        tpu.enqueue_dma source(%arg7 : memref<128x128xf32, #tpu.memory_space<vmem>>) target(%dma_start3A_51 : memref<128x128xf32, #tpu.memory_space<hbm>>) target_semaphore(%run_scoped3A : memref<!tpu.dma_semaphore, #tpu.memory_space<semaphore_mem>>)
        %dma_wait3A_52 = arith.constant 0 : i32
        %dma_wait3A_53 = tpu.memref_slice %arg4[%add3A_47, %dma_wait3A_52] : memref<40960x128xf32, #tpu.memory_space<hbm>> -> memref<128x128xf32, #tpu.memory_space<hbm>>
        %dma_wait3A_54 = arith.constant 0 : i32
        %dma_wait3A_55 = tpu.memref_slice %arg4[%add3A_47, %dma_wait3A_54] : memref<40960x128xf32, #tpu.memory_space<hbm>> -> memref<128x128xf32, #tpu.memory_space<hbm>>
        tpu.wait_dma2 semaphore(%run_scoped3A : memref<!tpu.dma_semaphore, #tpu.memory_space<semaphore_mem>>) src(%arg7 : memref<128x128xf32, #tpu.memory_space<vmem>>) dst(%dma_wait3A_55 : memref<128x128xf32, #tpu.memory_space<hbm>>)
        tpu.yield
      }) : () -> ()
    }
    %scan3A_13 = arith.constant 5 : i32
    return
  }
}

#map = affine_map<(d0, d1) -> (0, 0, 0)>
#map1 = affine_map<(d0, d1) -> (0, 0)>
module attributes {stable_mosaic.version = 14 : i64} {
  func.func @sc_gather(%arg0: i32, %arg1: i32, %arg2: memref<32x10x128xi32, #tpu.memory_space<hbm>>, %arg3: memref<100000x128xf32, #tpu.memory_space<hbm>>, %arg4: memref<40960x128xf32, #tpu.memory_space<hbm>>, %arg5: memref<10x128xi32, #tpu.memory_space<vmem>>, %arg6: memref<128x128xf32, #tpu.memory_space<vmem>>, %arg7: memref<128x128xf32, #tpu.memory_space<vmem>>, %arg8: memref<!tpu.dma_semaphore, #tpu.memory_space<semaphore_mem>>, %arg9: memref<!tpu.dma_semaphore, #tpu.memory_space<semaphore_mem>>) attributes {dimension_semantics = [#tpu.dimension_semantics<core_parallel>, #tpu.dimension_semantics<subcore_parallel>], iteration_bounds = array<i64: 2, 16>, scalar_prefetch = 0 : i64, scratch_operands = 5 : i64, tpu.core_type = #tpu.core_type<sc_vector_subcore>, window_params = [{transform_indices = #map}, {transform_indices = #map1}, {transform_indices = #map1}]} {
    %mul3A = arith.constant 2 : i32
    %mul3A_0 = arith.muli %arg1, %mul3A : i32
    %add3A = arith.addi %mul3A_0, %arg0 : i32
    %mul3A_1 = arith.constant 1280 : i32
    %mul3A_2 = arith.muli %add3A, %mul3A_1 : i32
    "tpu.region"() ({
      %run_scoped3A = tpu.sem_alloc : memref<!tpu.dma_semaphore, #tpu.memory_space<semaphore_mem>>
      %dma_start3A_14 = arith.constant 0 : i32
      %dma_start3A_15 = arith.constant 0 : i32
      %dma_start3A_16 = tpu.memref_slice %arg2[%add3A, %dma_start3A_14, %dma_start3A_15] : memref<32x10x128xi32, #tpu.memory_space<hbm>> -> memref<1x10x128xi32, #tpu.memory_space<hbm>>
      %dma_start3A_17 = tpu.memref_squeeze %dma_start3A_16 : memref<1x10x128xi32, #tpu.memory_space<hbm>> -> memref<10x128xi32, #tpu.memory_space<hbm>>
      %dma_start3A_18 = arith.constant 0 : i32
      %dma_start3A_19 = arith.constant 0 : i32
      %dma_start3A_20 = tpu.memref_slice %arg2[%add3A, %dma_start3A_18, %dma_start3A_19] : memref<32x10x128xi32, #tpu.memory_space<hbm>> -> memref<1x10x128xi32, #tpu.memory_space<hbm>>
      %dma_start3A_21 = tpu.memref_squeeze %dma_start3A_20 : memref<1x10x128xi32, #tpu.memory_space<hbm>> -> memref<10x128xi32, #tpu.memory_space<hbm>>
      tpu.enqueue_dma source(%dma_start3A_21 : memref<10x128xi32, #tpu.memory_space<hbm>>) target(%arg5 : memref<10x128xi32, #tpu.memory_space<vmem>>) target_semaphore(%run_scoped3A : memref<!tpu.dma_semaphore, #tpu.memory_space<semaphore_mem>>)
      %dma_wait3A = arith.constant 0 : i32
      %dma_wait3A_22 = arith.constant 0 : i32
      %dma_wait3A_23 = tpu.memref_slice %arg2[%add3A, %dma_wait3A, %dma_wait3A_22] : memref<32x10x128xi32, #tpu.memory_space<hbm>> -> memref<1x10x128xi32, #tpu.memory_space<hbm>>
      %dma_wait3A_24 = tpu.memref_squeeze %dma_wait3A_23 : memref<1x10x128xi32, #tpu.memory_space<hbm>> -> memref<10x128xi32, #tpu.memory_space<hbm>>
      %dma_wait3A_25 = arith.constant 0 : i32
      %dma_wait3A_26 = arith.constant 0 : i32
      %dma_wait3A_27 = tpu.memref_slice %arg2[%add3A, %dma_wait3A_25, %dma_wait3A_26] : memref<32x10x128xi32, #tpu.memory_space<hbm>> -> memref<1x10x128xi32, #tpu.memory_space<hbm>>
      %dma_wait3A_28 = tpu.memref_squeeze %dma_wait3A_27 : memref<1x10x128xi32, #tpu.memory_space<hbm>> -> memref<10x128xi32, #tpu.memory_space<hbm>>
      tpu.wait_dma2 semaphore(%run_scoped3A : memref<!tpu.dma_semaphore, #tpu.memory_space<semaphore_mem>>) src(%dma_wait3A_28 : memref<10x128xi32, #tpu.memory_space<hbm>>) dst(%arg5 : memref<10x128xi32, #tpu.memory_space<vmem>>)
      tpu.yield
    }) : () -> ()
    %dma_start3A = arith.constant 0 : i32
    %dma_start3A_3 = arith.constant 0 : i32
    %dma_start3A_4 = tpu.memref_slice %arg5[%dma_start3A, %dma_start3A_3] : memref<10x128xi32, #tpu.memory_space<vmem>> -> memref<1x128xi32, #tpu.memory_space<vmem>>
    %dma_start3A_5 = tpu.memref_squeeze %dma_start3A_4 : memref<1x128xi32, #tpu.memory_space<vmem>> -> memref<128xi32, #tpu.memory_space<vmem>>
    %dma_start3A_6 = arith.constant 0 : i32
    %dma_start3A_7 = arith.constant 0 : i32
    %dma_start3A_8 = tpu.memref_slice %arg3[%dma_start3A_6, %dma_start3A_7] : memref<100000x128xf32, #tpu.memory_space<hbm>> -> memref<100000x128xf32, #tpu.memory_space<hbm>>
    tpu.enqueue_indirect_dma source(%dma_start3A_8 : memref<100000x128xf32, #tpu.memory_space<hbm>>) target(%arg6 : memref<128x128xf32, #tpu.memory_space<vmem>>) offsets(%dma_start3A_5 : memref<128xi32, #tpu.memory_space<vmem>>) semaphore(%arg8 : memref<!tpu.dma_semaphore, #tpu.memory_space<semaphore_mem>>)
    %scan3A = arith.constant 0 : i32
    %scan3A_9 = arith.constant 0 : i32
    %scan3A_10 = arith.constant 5 : i32
    %scan3A_11 = arith.addi %scan3A_9, %scan3A_10 : i32
    %scan3A_12 = arith.constant 1 : i32
    scf.for %scan3A_14 = %scan3A_9 to %scan3A_11 step %scan3A_12  : i32 {
      %mul3A_15 = arith.constant 2 : i32
      %mul3A_16 = arith.muli %mul3A_15, %scan3A_14 : i32
      %add3A_17 = arith.constant 1 : i32
      %add3A_18 = arith.addi %mul3A_16, %add3A_17 : i32
      %dma_start3A_19 = arith.constant 0 : i32
      %dma_start3A_20 = tpu.memref_slice %arg5[%add3A_18, %dma_start3A_19] : memref<10x128xi32, #tpu.memory_space<vmem>> -> memref<1x128xi32, #tpu.memory_space<vmem>>
      %dma_start3A_21 = tpu.memref_squeeze %dma_start3A_20 : memref<1x128xi32, #tpu.memory_space<vmem>> -> memref<128xi32, #tpu.memory_space<vmem>>
      %dma_start3A_22 = arith.constant 0 : i32
      %dma_start3A_23 = arith.constant 0 : i32
      %dma_start3A_24 = tpu.memref_slice %arg3[%dma_start3A_22, %dma_start3A_23] : memref<100000x128xf32, #tpu.memory_space<hbm>> -> memref<100000x128xf32, #tpu.memory_space<hbm>>
      tpu.enqueue_indirect_dma source(%dma_start3A_24 : memref<100000x128xf32, #tpu.memory_space<hbm>>) target(%arg7 : memref<128x128xf32, #tpu.memory_space<vmem>>) offsets(%dma_start3A_21 : memref<128xi32, #tpu.memory_space<vmem>>) semaphore(%arg9 : memref<!tpu.dma_semaphore, #tpu.memory_space<semaphore_mem>>)
      %dma_wait3A = arith.constant 0 : i32
      %dma_wait3A_25 = tpu.memref_slice %arg5[%mul3A_16, %dma_wait3A] : memref<10x128xi32, #tpu.memory_space<vmem>> -> memref<1x128xi32, #tpu.memory_space<vmem>>
      %dma_wait3A_26 = tpu.memref_squeeze %dma_wait3A_25 : memref<1x128xi32, #tpu.memory_space<vmem>> -> memref<128xi32, #tpu.memory_space<vmem>>
      %dma_wait3A_27 = arith.constant 0 : i32
      %dma_wait3A_28 = arith.constant 0 : i32
      %dma_wait3A_29 = tpu.memref_slice %arg3[%dma_wait3A_27, %dma_wait3A_28] : memref<100000x128xf32, #tpu.memory_space<hbm>> -> memref<100000x128xf32, #tpu.memory_space<hbm>>
      tpu.wait_indirect_dma semaphore(%arg8 : memref<!tpu.dma_semaphore, #tpu.memory_space<semaphore_mem>>) src(%dma_wait3A_29 : memref<100000x128xf32, #tpu.memory_space<hbm>>) dst(%arg6 : memref<128x128xf32, #tpu.memory_space<vmem>>)
      %mul3A_30 = arith.constant 128 : i32
      %mul3A_31 = arith.muli %mul3A_16, %mul3A_30 : i32
      %add3A_32 = arith.addi %mul3A_2, %mul3A_31 : i32
      "tpu.region"() ({
        %run_scoped3A = tpu.sem_alloc : memref<!tpu.dma_semaphore, #tpu.memory_space<semaphore_mem>>
        %dma_start3A_48 = arith.constant 0 : i32
        %dma_start3A_49 = tpu.memref_slice %arg4[%add3A_32, %dma_start3A_48] : memref<40960x128xf32, #tpu.memory_space<hbm>> -> memref<128x128xf32, #tpu.memory_space<hbm>>
        %dma_start3A_50 = arith.constant 0 : i32
        %dma_start3A_51 = tpu.memref_slice %arg4[%add3A_32, %dma_start3A_50] : memref<40960x128xf32, #tpu.memory_space<hbm>> -> memref<128x128xf32, #tpu.memory_space<hbm>>
        tpu.enqueue_dma source(%arg6 : memref<128x128xf32, #tpu.memory_space<vmem>>) target(%dma_start3A_51 : memref<128x128xf32, #tpu.memory_space<hbm>>) target_semaphore(%run_scoped3A : memref<!tpu.dma_semaphore, #tpu.memory_space<semaphore_mem>>)
        %dma_wait3A_52 = arith.constant 0 : i32
        %dma_wait3A_53 = tpu.memref_slice %arg4[%add3A_32, %dma_wait3A_52] : memref<40960x128xf32, #tpu.memory_space<hbm>> -> memref<128x128xf32, #tpu.memory_space<hbm>>
        %dma_wait3A_54 = arith.constant 0 : i32
        %dma_wait3A_55 = tpu.memref_slice %arg4[%add3A_32, %dma_wait3A_54] : memref<40960x128xf32, #tpu.memory_space<hbm>> -> memref<128x128xf32, #tpu.memory_space<hbm>>
        tpu.wait_dma2 semaphore(%run_scoped3A : memref<!tpu.dma_semaphore, #tpu.memory_space<semaphore_mem>>) src(%arg6 : memref<128x128xf32, #tpu.memory_space<vmem>>) dst(%dma_wait3A_55 : memref<128x128xf32, #tpu.memory_space<hbm>>)
        tpu.yield
      }) : () -> ()
      %lt3A = arith.constant 4 : i32
      %lt3A_33 = arith.cmpi slt, %scan3A_14, %lt3A : i32
      %convert_element_type3A = arith.extui %lt3A_33 : i1 to i32
      %cond3A = arith.constant 0 : i32
      %cond3A_34 = arith.cmpi ne, %convert_element_type3A, %cond3A : i32
      scf.if %cond3A_34 {
        %add3A_48 = arith.constant 2 : i32
        %add3A_49 = arith.addi %mul3A_16, %add3A_48 : i32
        %dma_start3A_50 = arith.constant 0 : i32
        %dma_start3A_51 = tpu.memref_slice %arg5[%add3A_49, %dma_start3A_50] : memref<10x128xi32, #tpu.memory_space<vmem>> -> memref<1x128xi32, #tpu.memory_space<vmem>>
        %dma_start3A_52 = tpu.memref_squeeze %dma_start3A_51 : memref<1x128xi32, #tpu.memory_space<vmem>> -> memref<128xi32, #tpu.memory_space<vmem>>
        %dma_start3A_53 = arith.constant 0 : i32
        %dma_start3A_54 = arith.constant 0 : i32
        %dma_start3A_55 = tpu.memref_slice %arg3[%dma_start3A_53, %dma_start3A_54] : memref<100000x128xf32, #tpu.memory_space<hbm>> -> memref<100000x128xf32, #tpu.memory_space<hbm>>
        tpu.enqueue_indirect_dma source(%dma_start3A_55 : memref<100000x128xf32, #tpu.memory_space<hbm>>) target(%arg6 : memref<128x128xf32, #tpu.memory_space<vmem>>) offsets(%dma_start3A_52 : memref<128xi32, #tpu.memory_space<vmem>>) semaphore(%arg8 : memref<!tpu.dma_semaphore, #tpu.memory_space<semaphore_mem>>)
      } else {
      }
      %add3A_35 = arith.constant 1 : i32
      %add3A_36 = arith.addi %mul3A_16, %add3A_35 : i32
      %dma_wait3A_37 = arith.constant 0 : i32
      %dma_wait3A_38 = tpu.memref_slice %arg5[%add3A_36, %dma_wait3A_37] : memref<10x128xi32, #tpu.memory_space<vmem>> -> memref<1x128xi32, #tpu.memory_space<vmem>>
      %dma_wait3A_39 = tpu.memref_squeeze %dma_wait3A_38 : memref<1x128xi32, #tpu.memory_space<vmem>> -> memref<128xi32, #tpu.memory_space<vmem>>
      %dma_wait3A_40 = arith.constant 0 : i32
      %dma_wait3A_41 = arith.constant 0 : i32
      %dma_wait3A_42 = tpu.memref_slice %arg3[%dma_wait3A_40, %dma_wait3A_41] : memref<100000x128xf32, #tpu.memory_space<hbm>> -> memref<100000x128xf32, #tpu.memory_space<hbm>>
      tpu.wait_indirect_dma semaphore(%arg9 : memref<!tpu.dma_semaphore, #tpu.memory_space<semaphore_mem>>) src(%dma_wait3A_42 : memref<100000x128xf32, #tpu.memory_space<hbm>>) dst(%arg7 : memref<128x128xf32, #tpu.memory_space<vmem>>)
      %add3A_43 = arith.constant 1 : i32
      %add3A_44 = arith.addi %mul3A_16, %add3A_43 : i32
      %mul3A_45 = arith.constant 128 : i32
      %mul3A_46 = arith.muli %add3A_44, %mul3A_45 : i32
      %add3A_47 = arith.addi %mul3A_2, %mul3A_46 : i32
      "tpu.region"() ({
        %run_scoped3A = tpu.sem_alloc : memref<!tpu.dma_semaphore, #tpu.memory_space<semaphore_mem>>
        %dma_start3A_48 = arith.constant 0 : i32
        %dma_start3A_49 = tpu.memref_slice %arg4[%add3A_47, %dma_start3A_48] : memref<40960x128xf32, #tpu.memory_space<hbm>> -> memref<128x128xf32, #tpu.memory_space<hbm>>
        %dma_start3A_50 = arith.constant 0 : i32
        %dma_start3A_51 = tpu.memref_slice %arg4[%add3A_47, %dma_start3A_50] : memref<40960x128xf32, #tpu.memory_space<hbm>> -> memref<128x128xf32, #tpu.memory_space<hbm>>
        tpu.enqueue_dma source(%arg7 : memref<128x128xf32, #tpu.memory_space<vmem>>) target(%dma_start3A_51 : memref<128x128xf32, #tpu.memory_space<hbm>>) target_semaphore(%run_scoped3A : memref<!tpu.dma_semaphore, #tpu.memory_space<semaphore_mem>>)
        %dma_wait3A_52 = arith.constant 0 : i32
        %dma_wait3A_53 = tpu.memref_slice %arg4[%add3A_47, %dma_wait3A_52] : memref<40960x128xf32, #tpu.memory_space<hbm>> -> memref<128x128xf32, #tpu.memory_space<hbm>>
        %dma_wait3A_54 = arith.constant 0 : i32
        %dma_wait3A_55 = tpu.memref_slice %arg4[%add3A_47, %dma_wait3A_54] : memref<40960x128xf32, #tpu.memory_space<hbm>> -> memref<128x128xf32, #tpu.memory_space<hbm>>
        tpu.wait_dma2 semaphore(%run_scoped3A : memref<!tpu.dma_semaphore, #tpu.memory_space<semaphore_mem>>) src(%arg7 : memref<128x128xf32, #tpu.memory_space<vmem>>) dst(%dma_wait3A_55 : memref<128x128xf32, #tpu.memory_space<hbm>>)
        tpu.yield
      }) : () -> ()
    }
    %scan3A_13 = arith.constant 5 : i32
    return
  }
}

module attributes {stable_mosaic.version = 14 : i64} {
  func.func @_tc_body_first(%arg0: i32, %arg1: memref<10x1024x128xf32, #tpu.memory_space<vmem>>, %arg2: memref<1x10x1024xf32, #tpu.memory_space<vmem>>, %arg3: memref<10x4x1024xf32, #tpu.memory_space<vmem>>, %arg4: memref<10x128xf32, #tpu.memory_space<vmem>>, %arg5: memref<128x5xf32, #tpu.memory_space<vmem>>, %arg6: memref<1x128xf32, #tpu.memory_space<vmem>>, %arg7: memref<1x128xf32, #tpu.memory_space<vmem>>, %arg8: memref<1x128xf32, #tpu.memory_space<vmem>>, %arg9: memref<10x1024x128xf32, #tpu.memory_space<vmem>>) attributes {dimension_semantics = [#tpu.dimension_semantics<arbitrary>], iteration_bounds = array<i64: 4>, scalar_prefetch = 0 : i64, scratch_operands = 0 : i64, tpu.core_type = #tpu.core_type<tc>, window_params = [{transform_indices = @transform_0, window_bounds = array<i64: 10, 1024, 128>}, {transform_indices = @transform_1, window_bounds = array<i64: 1, 10, 1024>}, {transform_indices = @transform_2, window_bounds = array<i64: 10, 4, 1024>}, {pipeline_mode = #tpu.pipeline_mode<synchronous>, transform_indices = @transform_3, window_bounds = array<i64: 10, 128>}, {pipeline_mode = #tpu.pipeline_mode<synchronous>, transform_indices = @transform_4, window_bounds = array<i64: 128, 5>}, {pipeline_mode = #tpu.pipeline_mode<synchronous>, transform_indices = @transform_5, window_bounds = array<i64: 1, 128>}, {pipeline_mode = #tpu.pipeline_mode<synchronous>, transform_indices = @transform_6, window_bounds = array<i64: 1, 128>}, {pipeline_mode = #tpu.pipeline_mode<synchronous>, transform_indices = @transform_7, window_bounds = array<i64: 1, 128>}, {transform_indices = @transform_8, window_bounds = array<i64: 10, 1024, 128>}]} {
    %get3A = arith.constant 0 : index
    %get3A_0 = arith.constant 0 : index
    %get3A_1 = arith.constant 0 : index
    %get3A_2 = vector.load %arg1[%get3A, %get3A_0, %get3A_1] : memref<10x1024x128xf32, #tpu.memory_space<vmem>>, vector<10x1024x128xf32>
    %get3A_3 = arith.constant 0 : index
    %get3A_4 = arith.constant 0 : index
    %get3A_5 = vector.load %arg4[%get3A_3, %get3A_4] : memref<10x128xf32, #tpu.memory_space<vmem>>, vector<10x128xf32>
    %broadcast_in_dim3A = vector.shape_cast %get3A_5 : vector<10x128xf32> to vector<10x1x128xf32>
    %add3A = vector.broadcast %broadcast_in_dim3A : vector<10x1x128xf32> to vector<10x1024x128xf32>
    %add3A_6 = arith.addf %get3A_2, %add3A : vector<10x1024x128xf32>
    %get3A_7 = arith.constant 0 : index
    %get3A_8 = arith.constant 0 : index
    %get3A_9 = arith.constant 0 : index
    %get3A_10 = vector.load %arg3[%get3A_7, %get3A_8, %get3A_9] : memref<10x4x1024xf32, #tpu.memory_space<vmem>>, vector<10x4x1024xf32>
    %get3A_11 = arith.constant 0 : index
    %get3A_12 = arith.constant 0 : index
    %get3A_13 = arith.constant 0 : index
    %get3A_14 = vector.load %arg2[%get3A_11, %get3A_12, %get3A_13] : memref<1x10x1024xf32, #tpu.memory_space<vmem>>, vector<1x10x1024xf32>
    %get3A_15 = vector.shape_cast %get3A_14 : vector<1x10x1024xf32> to vector<10x1024xf32>
    %broadcast_in_dim3A_16 = vector.shape_cast %get3A_15 : vector<10x1024xf32> to vector<10x1x1024xf32>
    %concatenate3A = tpu.concatenate %get3A_10, %broadcast_in_dim3A_16 in 1 : vector<10x4x1024xf32>, vector<10x1x1024xf32> -> vector<10x5x1024xf32>
    %get3A_17 = arith.constant 0 : index
    %get3A_18 = arith.constant 0 : index
    %get3A_19 = vector.load %arg5[%get3A_17, %get3A_18] : memref<128x5xf32, #tpu.memory_space<vmem>>, vector<128x5xf32>
    %broadcast_in_dim3A_20 = vector.shape_cast %get3A_19 : vector<128x5xf32> to vector<1x128x5xf32>
    %broadcast_in_dim3A_21 = vector.shape_cast %broadcast_in_dim3A_20 : vector<1x128x5xf32> to vector<1x128x5xf32>
    %broadcast_in_dim3A_22 = vector.broadcast %broadcast_in_dim3A_21 : vector<1x128x5xf32> to vector<10x128x5xf32>
    %dot_general3A = arith.constant dense<0.000000e+00> : vector<10x128x1024xf32>
    %dot_general3A_23 = tpu.matmul %broadcast_in_dim3A_22, %concatenate3A, %dot_general3A {dimension_numbers = #tpu.dot_dimension_numbers<[2], [1], [1], [2], [0, 0, 0, 1, 1, 2], [0], [0]>, transpose_lhs_hint = false} : vector<10x128x5xf32>, vector<10x5x1024xf32>, vector<10x128x1024xf32> -> vector<10x128x1024xf32>
    %transpose3A = tpu.transpose %dot_general3A_23, [0, 2, 1] : vector<10x128x1024xf32> -> vector<10x1024x128xf32>
    %add3A_24 = arith.addf %add3A_6, %transpose3A : vector<10x1024x128xf32>
    %get3A_25 = arith.constant 0 : index
    %get3A_26 = arith.constant 0 : index
    %get3A_27 = vector.load %arg6[%get3A_25, %get3A_26] : memref<1x128xf32, #tpu.memory_space<vmem>>, vector<1x128xf32>
    %get3A_28 = vector.shape_cast %get3A_27 : vector<1x128xf32> to vector<128xf32>
    %broadcast_in_dim3A_29 = vector.shape_cast %get3A_28 : vector<128xf32> to vector<1x1x128xf32>
    %add3A_30 = vector.broadcast %broadcast_in_dim3A_29 : vector<1x1x128xf32> to vector<10x1024x128xf32>
    %add3A_31 = arith.addf %add3A_24, %add3A_30 : vector<10x1024x128xf32>
    %reduce_sum3A = arith.constant dense<0.000000e+00> : vector<10x1024xf32>
    %reduce_sum3A_32 = vector.multi_reduction <add>, %add3A_31, %reduce_sum3A [2] : vector<10x1024x128xf32> to vector<10x1024xf32>
    %broadcast_in_dim3A_33 = vector.shape_cast %reduce_sum3A_32 : vector<10x1024xf32> to vector<10x1024x1xf32>
    %div3A = arith.constant 1.280000e+02 : f32
    %div3A_34 = vector.broadcast %div3A : f32 to vector<10x1024x1xf32>
    %div3A_35 = arith.divf %broadcast_in_dim3A_33, %div3A_34 : vector<10x1024x1xf32>
    %sub3A = vector.broadcast %div3A_35 : vector<10x1024x1xf32> to vector<10x1024x128xf32>
    %sub3A_36 = arith.subf %add3A_31, %sub3A : vector<10x1024x128xf32>
    %mul3A = arith.mulf %sub3A_36, %sub3A_36 : vector<10x1024x128xf32>
    %reduce_sum3A_37 = arith.constant dense<0.000000e+00> : vector<10x1024xf32>
    %reduce_sum3A_38 = vector.multi_reduction <add>, %mul3A, %reduce_sum3A_37 [2] : vector<10x1024x128xf32> to vector<10x1024xf32>
    %broadcast_in_dim3A_39 = vector.shape_cast %reduce_sum3A_38 : vector<10x1024xf32> to vector<10x1024x1xf32>
    %div3A_40 = arith.constant 1.280000e+02 : f32
    %div3A_41 = vector.broadcast %div3A_40 : f32 to vector<10x1024x1xf32>
    %div3A_42 = arith.divf %broadcast_in_dim3A_39, %div3A_41 : vector<10x1024x1xf32>
    %add3A_43 = arith.constant 9.99999996E-13 : f32
    %add3A_44 = vector.broadcast %add3A_43 : f32 to vector<10x1024x1xf32>
    %add3A_45 = arith.addf %div3A_42, %add3A_44 : vector<10x1024x1xf32>
    %rsqrt3A = math.rsqrt %add3A_45 : vector<10x1024x1xf32>
    %mul3A_46 = vector.broadcast %rsqrt3A : vector<10x1024x1xf32> to vector<10x1024x128xf32>
    %mul3A_47 = arith.mulf %sub3A_36, %mul3A_46 : vector<10x1024x128xf32>
    %get3A_48 = arith.constant 0 : index
    %get3A_49 = arith.constant 0 : index
    %get3A_50 = vector.load %arg7[%get3A_48, %get3A_49] : memref<1x128xf32, #tpu.memory_space<vmem>>, vector<1x128xf32>
    %get3A_51 = vector.shape_cast %get3A_50 : vector<1x128xf32> to vector<128xf32>
    %broadcast_in_dim3A_52 = vector.shape_cast %get3A_51 : vector<128xf32> to vector<1x1x128xf32>
    %mul3A_53 = vector.broadcast %broadcast_in_dim3A_52 : vector<1x1x128xf32> to vector<10x1024x128xf32>
    %mul3A_54 = arith.mulf %mul3A_47, %mul3A_53 : vector<10x1024x128xf32>
    %get3A_55 = arith.constant 0 : index
    %get3A_56 = arith.constant 0 : index
    %get3A_57 = vector.load %arg8[%get3A_55, %get3A_56] : memref<1x128xf32, #tpu.memory_space<vmem>>, vector<1x128xf32>
    %get3A_58 = vector.shape_cast %get3A_57 : vector<1x128xf32> to vector<128xf32>
    %broadcast_in_dim3A_59 = vector.shape_cast %get3A_58 : vector<128xf32> to vector<1x1x128xf32>
    %add3A_60 = vector.broadcast %broadcast_in_dim3A_59 : vector<1x1x128xf32> to vector<10x1024x128xf32>
    %add3A_61 = arith.addf %mul3A_54, %add3A_60 : vector<10x1024x128xf32>
    %swap3A = arith.constant 0 : index
    %swap3A_62 = arith.constant 0 : index
    %swap3A_63 = arith.constant 0 : index
    %swap3A_64 = vector.load %arg9[%swap3A, %swap3A_62, %swap3A_63] : memref<10x1024x128xf32, #tpu.memory_space<vmem>>, vector<10x1024x128xf32>
    tpu.vector_store %arg9[%swap3A, %swap3A_62, %swap3A_63], %add3A_61 {strides = array<i32>} : memref<10x1024x128xf32, #tpu.memory_space<vmem>>, vector<10x1024x128xf32>,
    return
  }
  func.func @transform_0(%arg0: i32) -> (i32, i32, i32) {
    %c0_i32 = arith.constant 0 : i32
    %c0_i32_0 = arith.constant 0 : i32
    %c0_i32_1 = arith.constant 0 : i32
    return %c0_i32, %arg0, %c0_i32_0 : i32, i32, i32
  }
  func.func @transform_1(%arg0: i32) -> (i32, i32, i32) {
    %c0_i32 = arith.constant 0 : i32
    %c0_i32_0 = arith.constant 0 : i32
    %c0_i32_1 = arith.constant 0 : i32
    return %c0_i32, %c0_i32_0, %arg0 : i32, i32, i32
  }
  func.func @transform_2(%arg0: i32) -> (i32, i32, i32) {
    %c0_i32 = arith.constant 0 : i32
    %c0_i32_0 = arith.constant 0 : i32
    %c0_i32_1 = arith.constant 0 : i32
    return %c0_i32, %c0_i32_0, %arg0 : i32, i32, i32
  }
  func.func @transform_3(%arg0: i32) -> (i32, i32) {
    %c0_i32 = arith.constant 0 : i32
    %c0_i32_0 = arith.constant 0 : i32
    %c0_i32_1 = arith.constant 0 : i32
    return %c0_i32, %c0_i32_0 : i32, i32
  }
  func.func @transform_4(%arg0: i32) -> (i32, i32) {
    %c0_i32 = arith.constant 0 : i32
    %c0_i32_0 = arith.constant 0 : i32
    %c0_i32_1 = arith.constant 0 : i32
    return %c0_i32, %c0_i32_0 : i32, i32
  }
  func.func @transform_5(%arg0: i32) -> (i32, i32) {
    %c0_i32 = arith.constant 0 : i32
    %c0_i32_0 = arith.constant 0 : i32
    %c0_i32_1 = arith.constant 0 : i32
    return %c0_i32, %c0_i32_0 : i32, i32
  }
  func.func @transform_6(%arg0: i32) -> (i32, i32) {
    %c0_i32 = arith.constant 0 : i32
    %c0_i32_0 = arith.constant 0 : i32
    %c0_i32_1 = arith.constant 0 : i32
    return %c0_i32, %c0_i32_0 : i32, i32
  }
  func.func @transform_7(%arg0: i32) -> (i32, i32) {
    %c0_i32 = arith.constant 0 : i32
    %c0_i32_0 = arith.constant 0 : i32
    %c0_i32_1 = arith.constant 0 : i32
    return %c0_i32, %c0_i32_0 : i32, i32
  }
  func.func @transform_8(%arg0: i32) -> (i32, i32, i32) {
    %c0_i32 = arith.constant 0 : i32
    %c0_i32_0 = arith.constant 0 : i32
    %c0_i32_1 = arith.constant 0 : i32
    return %c0_i32, %arg0, %c0_i32_0 : i32, i32, i32
  }
}

module attributes {stable_mosaic.version = 14 : i64} {
  func.func @_tc_body_acc(%arg0: i32, %arg1: memref<50x4096x128xf32, #tpu.memory_space<any>>, %arg2: memref<10x1024x128xf32, #tpu.memory_space<vmem>>, %arg3: memref<1x10x1024xf32, #tpu.memory_space<vmem>>, %arg4: memref<10x4x1024xf32, #tpu.memory_space<vmem>>, %arg5: memref<10x128xf32, #tpu.memory_space<vmem>>, %arg6: memref<128x5xf32, #tpu.memory_space<vmem>>, %arg7: memref<1x128xf32, #tpu.memory_space<vmem>>, %arg8: memref<1x128xf32, #tpu.memory_space<vmem>>, %arg9: memref<1x128xf32, #tpu.memory_space<vmem>>, %arg10: memref<10x1024x128xf32, #tpu.memory_space<vmem>>) attributes {dimension_semantics = [#tpu.dimension_semantics<arbitrary>], iteration_bounds = array<i64: 4>, scalar_prefetch = 0 : i64, scratch_operands = 0 : i64, tpu.core_type = #tpu.core_type<tc>, window_params = [{}, {transform_indices = @transform_1, window_bounds = array<i64: 10, 1024, 128>}, {transform_indices = @transform_2, window_bounds = array<i64: 1, 10, 1024>}, {transform_indices = @transform_3, window_bounds = array<i64: 10, 4, 1024>}, {pipeline_mode = #tpu.pipeline_mode<synchronous>, transform_indices = @transform_4, window_bounds = array<i64: 10, 128>}, {pipeline_mode = #tpu.pipeline_mode<synchronous>, transform_indices = @transform_5, window_bounds = array<i64: 128, 5>}, {pipeline_mode = #tpu.pipeline_mode<synchronous>, transform_indices = @transform_6, window_bounds = array<i64: 1, 128>}, {pipeline_mode = #tpu.pipeline_mode<synchronous>, transform_indices = @transform_7, window_bounds = array<i64: 1, 128>}, {pipeline_mode = #tpu.pipeline_mode<synchronous>, transform_indices = @transform_8, window_bounds = array<i64: 1, 128>}, {transform_indices = @transform_9, window_bounds = array<i64: 10, 1024, 128>}]} {
    %get3A = arith.constant 0 : index
    %get3A_0 = arith.constant 0 : index
    %get3A_1 = arith.constant 0 : index
    %get3A_2 = vector.load %arg2[%get3A, %get3A_0, %get3A_1] : memref<10x1024x128xf32, #tpu.memory_space<vmem>>, vector<10x1024x128xf32>
    %get3A_3 = arith.constant 0 : index
    %get3A_4 = arith.constant 0 : index
    %get3A_5 = vector.load %arg5[%get3A_3, %get3A_4] : memref<10x128xf32, #tpu.memory_space<vmem>>, vector<10x128xf32>
    %broadcast_in_dim3A = vector.shape_cast %get3A_5 : vector<10x128xf32> to vector<10x1x128xf32>
    %add3A = vector.broadcast %broadcast_in_dim3A : vector<10x1x128xf32> to vector<10x1024x128xf32>
    %add3A_6 = arith.addf %get3A_2, %add3A : vector<10x1024x128xf32>
    %get3A_7 = arith.constant 0 : index
    %get3A_8 = arith.constant 0 : index
    %get3A_9 = arith.constant 0 : index
    %get3A_10 = vector.load %arg4[%get3A_7, %get3A_8, %get3A_9] : memref<10x4x1024xf32, #tpu.memory_space<vmem>>, vector<10x4x1024xf32>
    %get3A_11 = arith.constant 0 : index
    %get3A_12 = arith.constant 0 : index
    %get3A_13 = arith.constant 0 : index
    %get3A_14 = vector.load %arg3[%get3A_11, %get3A_12, %get3A_13] : memref<1x10x1024xf32, #tpu.memory_space<vmem>>, vector<1x10x1024xf32>
    %get3A_15 = vector.shape_cast %get3A_14 : vector<1x10x1024xf32> to vector<10x1024xf32>
    %broadcast_in_dim3A_16 = vector.shape_cast %get3A_15 : vector<10x1024xf32> to vector<10x1x1024xf32>
    %concatenate3A = tpu.concatenate %get3A_10, %broadcast_in_dim3A_16 in 1 : vector<10x4x1024xf32>, vector<10x1x1024xf32> -> vector<10x5x1024xf32>
    %get3A_17 = arith.constant 0 : index
    %get3A_18 = arith.constant 0 : index
    %get3A_19 = vector.load %arg6[%get3A_17, %get3A_18] : memref<128x5xf32, #tpu.memory_space<vmem>>, vector<128x5xf32>
    %broadcast_in_dim3A_20 = vector.shape_cast %get3A_19 : vector<128x5xf32> to vector<1x128x5xf32>
    %broadcast_in_dim3A_21 = vector.shape_cast %broadcast_in_dim3A_20 : vector<1x128x5xf32> to vector<1x128x5xf32>
    %broadcast_in_dim3A_22 = vector.broadcast %broadcast_in_dim3A_21 : vector<1x128x5xf32> to vector<10x128x5xf32>
    %dot_general3A = arith.constant dense<0.000000e+00> : vector<10x128x1024xf32>
    %dot_general3A_23 = tpu.matmul %broadcast_in_dim3A_22, %concatenate3A, %dot_general3A {dimension_numbers = #tpu.dot_dimension_numbers<[2], [1], [1], [2], [0, 0, 0, 1, 1, 2], [0], [0]>, transpose_lhs_hint = false} : vector<10x128x5xf32>, vector<10x5x1024xf32>, vector<10x128x1024xf32> -> vector<10x128x1024xf32>
    %transpose3A = tpu.transpose %dot_general3A_23, [0, 2, 1] : vector<10x128x1024xf32> -> vector<10x1024x128xf32>
    %add3A_24 = arith.addf %add3A_6, %transpose3A : vector<10x1024x128xf32>
    %get3A_25 = arith.constant 0 : index
    %get3A_26 = arith.constant 0 : index
    %get3A_27 = vector.load %arg7[%get3A_25, %get3A_26] : memref<1x128xf32, #tpu.memory_space<vmem>>, vector<1x128xf32>
    %get3A_28 = vector.shape_cast %get3A_27 : vector<1x128xf32> to vector<128xf32>
    %broadcast_in_dim3A_29 = vector.shape_cast %get3A_28 : vector<128xf32> to vector<1x1x128xf32>
    %add3A_30 = vector.broadcast %broadcast_in_dim3A_29 : vector<1x1x128xf32> to vector<10x1024x128xf32>
    %add3A_31 = arith.addf %add3A_24, %add3A_30 : vector<10x1024x128xf32>
    %reduce_sum3A = arith.constant dense<0.000000e+00> : vector<10x1024xf32>
    %reduce_sum3A_32 = vector.multi_reduction <add>, %add3A_31, %reduce_sum3A [2] : vector<10x1024x128xf32> to vector<10x1024xf32>
    %broadcast_in_dim3A_33 = vector.shape_cast %reduce_sum3A_32 : vector<10x1024xf32> to vector<10x1024x1xf32>
    %div3A = arith.constant 1.280000e+02 : f32
    %div3A_34 = vector.broadcast %div3A : f32 to vector<10x1024x1xf32>
    %div3A_35 = arith.divf %broadcast_in_dim3A_33, %div3A_34 : vector<10x1024x1xf32>
    %sub3A = vector.broadcast %div3A_35 : vector<10x1024x1xf32> to vector<10x1024x128xf32>
    %sub3A_36 = arith.subf %add3A_31, %sub3A : vector<10x1024x128xf32>
    %mul3A = arith.mulf %sub3A_36, %sub3A_36 : vector<10x1024x128xf32>
    %reduce_sum3A_37 = arith.constant dense<0.000000e+00> : vector<10x1024xf32>
    %reduce_sum3A_38 = vector.multi_reduction <add>, %mul3A, %reduce_sum3A_37 [2] : vector<10x1024x128xf32> to vector<10x1024xf32>
    %broadcast_in_dim3A_39 = vector.shape_cast %reduce_sum3A_38 : vector<10x1024xf32> to vector<10x1024x1xf32>
    %div3A_40 = arith.constant 1.280000e+02 : f32
    %div3A_41 = vector.broadcast %div3A_40 : f32 to vector<10x1024x1xf32>
    %div3A_42 = arith.divf %broadcast_in_dim3A_39, %div3A_41 : vector<10x1024x1xf32>
    %add3A_43 = arith.constant 9.99999996E-13 : f32
    %add3A_44 = vector.broadcast %add3A_43 : f32 to vector<10x1024x1xf32>
    %add3A_45 = arith.addf %div3A_42, %add3A_44 : vector<10x1024x1xf32>
    %rsqrt3A = math.rsqrt %add3A_45 : vector<10x1024x1xf32>
    %mul3A_46 = vector.broadcast %rsqrt3A : vector<10x1024x1xf32> to vector<10x1024x128xf32>
    %mul3A_47 = arith.mulf %sub3A_36, %mul3A_46 : vector<10x1024x128xf32>
    %get3A_48 = arith.constant 0 : index
    %get3A_49 = arith.constant 0 : index
    %get3A_50 = vector.load %arg8[%get3A_48, %get3A_49] : memref<1x128xf32, #tpu.memory_space<vmem>>, vector<1x128xf32>
    %get3A_51 = vector.shape_cast %get3A_50 : vector<1x128xf32> to vector<128xf32>
    %broadcast_in_dim3A_52 = vector.shape_cast %get3A_51 : vector<128xf32> to vector<1x1x128xf32>
    %mul3A_53 = vector.broadcast %broadcast_in_dim3A_52 : vector<1x1x128xf32> to vector<10x1024x128xf32>
    %mul3A_54 = arith.mulf %mul3A_47, %mul3A_53 : vector<10x1024x128xf32>
    %get3A_55 = arith.constant 0 : index
    %get3A_56 = arith.constant 0 : index
    %get3A_57 = vector.load %arg9[%get3A_55, %get3A_56] : memref<1x128xf32, #tpu.memory_space<vmem>>, vector<1x128xf32>
    %get3A_58 = vector.shape_cast %get3A_57 : vector<1x128xf32> to vector<128xf32>
    %broadcast_in_dim3A_59 = vector.shape_cast %get3A_58 : vector<128xf32> to vector<1x1x128xf32>
    %add3A_60 = vector.broadcast %broadcast_in_dim3A_59 : vector<1x1x128xf32> to vector<10x1024x128xf32>
    %add3A_61 = arith.addf %mul3A_54, %add3A_60 : vector<10x1024x128xf32>
    %swap3A = arith.constant 0 : index
    %swap3A_62 = arith.constant 0 : index
    %swap3A_63 = arith.constant 0 : index
    %swap3A_64 = vector.load %arg10[%swap3A, %swap3A_62, %swap3A_63] : memref<10x1024x128xf32, #tpu.memory_space<vmem>>, vector<10x1024x128xf32>
    tpu.vector_store %arg10[%swap3A, %swap3A_62, %swap3A_63], %add3A_61 {strides = array<i32>} : memref<10x1024x128xf32, #tpu.memory_space<vmem>>, vector<10x1024x128xf32>,
    return
  }
  func.func @transform_1(%arg0: i32) -> (i32, i32, i32) {
    %c0_i32 = arith.constant 0 : i32
    %c0_i32_0 = arith.constant 0 : i32
    %c0_i32_1 = arith.constant 0 : i32
    return %c0_i32, %arg0, %c0_i32_0 : i32, i32, i32
  }
  func.func @transform_2(%arg0: i32) -> (i32, i32, i32) {
    %c1_i32 = arith.constant 1 : i32
    %c0_i32 = arith.constant 0 : i32
    %c0_i32_0 = arith.constant 0 : i32
    return %c1_i32, %c0_i32, %arg0 : i32, i32, i32
  }
  func.func @transform_3(%arg0: i32) -> (i32, i32, i32) {
    %c1_i32 = arith.constant 1 : i32
    %c0_i32 = arith.constant 0 : i32
    %c0_i32_0 = arith.constant 0 : i32
    return %c1_i32, %c0_i32, %arg0 : i32, i32, i32
  }
  func.func @transform_4(%arg0: i32) -> (i32, i32) {
    %c0_i32 = arith.constant 0 : i32
    %c0_i32_0 = arith.constant 0 : i32
    %c0_i32_1 = arith.constant 0 : i32
    return %c0_i32, %c0_i32_0 : i32, i32
  }
  func.func @transform_5(%arg0: i32) -> (i32, i32) {
    %c0_i32 = arith.constant 0 : i32
    %c0_i32_0 = arith.constant 0 : i32
    %c0_i32_1 = arith.constant 0 : i32
    return %c0_i32, %c0_i32_0 : i32, i32
  }
  func.func @transform_6(%arg0: i32) -> (i32, i32) {
    %c0_i32 = arith.constant 0 : i32
    %c0_i32_0 = arith.constant 0 : i32
    %c0_i32_1 = arith.constant 0 : i32
    return %c0_i32, %c0_i32_0 : i32, i32
  }
  func.func @transform_7(%arg0: i32) -> (i32, i32) {
    %c0_i32 = arith.constant 0 : i32
    %c0_i32_0 = arith.constant 0 : i32
    %c0_i32_1 = arith.constant 0 : i32
    return %c0_i32, %c0_i32_0 : i32, i32
  }
  func.func @transform_8(%arg0: i32) -> (i32, i32) {
    %c0_i32 = arith.constant 0 : i32
    %c0_i32_0 = arith.constant 0 : i32
    %c0_i32_1 = arith.constant 0 : i32
    return %c0_i32, %c0_i32_0 : i32, i32
  }
  func.func @transform_9(%arg0: i32) -> (i32, i32, i32) {
    %c1_i32 = arith.constant 1 : i32
    %c0_i32 = arith.constant 0 : i32
    %c0_i32_0 = arith.constant 0 : i32
    return %c1_i32, %arg0, %c0_i32 : i32, i32, i32
  }
}

module attributes {stable_mosaic.version = 14 : i64} {
  func.func @_tc_body_acc(%arg0: i32, %arg1: memref<50x4096x128xf32, #tpu.memory_space<any>>, %arg2: memref<10x1024x128xf32, #tpu.memory_space<vmem>>, %arg3: memref<1x10x1024xf32, #tpu.memory_space<vmem>>, %arg4: memref<10x4x1024xf32, #tpu.memory_space<vmem>>, %arg5: memref<10x128xf32, #tpu.memory_space<vmem>>, %arg6: memref<128x5xf32, #tpu.memory_space<vmem>>, %arg7: memref<1x128xf32, #tpu.memory_space<vmem>>, %arg8: memref<1x128xf32, #tpu.memory_space<vmem>>, %arg9: memref<1x128xf32, #tpu.memory_space<vmem>>, %arg10: memref<10x1024x128xf32, #tpu.memory_space<vmem>>) attributes {dimension_semantics = [#tpu.dimension_semantics<arbitrary>], iteration_bounds = array<i64: 4>, scalar_prefetch = 0 : i64, scratch_operands = 0 : i64, tpu.core_type = #tpu.core_type<tc>, window_params = [{}, {transform_indices = @transform_1, window_bounds = array<i64: 10, 1024, 128>}, {transform_indices = @transform_2, window_bounds = array<i64: 1, 10, 1024>}, {transform_indices = @transform_3, window_bounds = array<i64: 10, 4, 1024>}, {pipeline_mode = #tpu.pipeline_mode<synchronous>, transform_indices = @transform_4, window_bounds = array<i64: 10, 128>}, {pipeline_mode = #tpu.pipeline_mode<synchronous>, transform_indices = @transform_5, window_bounds = array<i64: 128, 5>}, {pipeline_mode = #tpu.pipeline_mode<synchronous>, transform_indices = @transform_6, window_bounds = array<i64: 1, 128>}, {pipeline_mode = #tpu.pipeline_mode<synchronous>, transform_indices = @transform_7, window_bounds = array<i64: 1, 128>}, {pipeline_mode = #tpu.pipeline_mode<synchronous>, transform_indices = @transform_8, window_bounds = array<i64: 1, 128>}, {transform_indices = @transform_9, window_bounds = array<i64: 10, 1024, 128>}]} {
    %get3A = arith.constant 0 : index
    %get3A_0 = arith.constant 0 : index
    %get3A_1 = arith.constant 0 : index
    %get3A_2 = vector.load %arg2[%get3A, %get3A_0, %get3A_1] : memref<10x1024x128xf32, #tpu.memory_space<vmem>>, vector<10x1024x128xf32>
    %get3A_3 = arith.constant 0 : index
    %get3A_4 = arith.constant 0 : index
    %get3A_5 = vector.load %arg5[%get3A_3, %get3A_4] : memref<10x128xf32, #tpu.memory_space<vmem>>, vector<10x128xf32>
    %broadcast_in_dim3A = vector.shape_cast %get3A_5 : vector<10x128xf32> to vector<10x1x128xf32>
    %add3A = vector.broadcast %broadcast_in_dim3A : vector<10x1x128xf32> to vector<10x1024x128xf32>
    %add3A_6 = arith.addf %get3A_2, %add3A : vector<10x1024x128xf32>
    %get3A_7 = arith.constant 0 : index
    %get3A_8 = arith.constant 0 : index
    %get3A_9 = arith.constant 0 : index
    %get3A_10 = vector.load %arg4[%get3A_7, %get3A_8, %get3A_9] : memref<10x4x1024xf32, #tpu.memory_space<vmem>>, vector<10x4x1024xf32>
    %get3A_11 = arith.constant 0 : index
    %get3A_12 = arith.constant 0 : index
    %get3A_13 = arith.constant 0 : index
    %get3A_14 = vector.load %arg3[%get3A_11, %get3A_12, %get3A_13] : memref<1x10x1024xf32, #tpu.memory_space<vmem>>, vector<1x10x1024xf32>
    %get3A_15 = vector.shape_cast %get3A_14 : vector<1x10x1024xf32> to vector<10x1024xf32>
    %broadcast_in_dim3A_16 = vector.shape_cast %get3A_15 : vector<10x1024xf32> to vector<10x1x1024xf32>
    %concatenate3A = tpu.concatenate %get3A_10, %broadcast_in_dim3A_16 in 1 : vector<10x4x1024xf32>, vector<10x1x1024xf32> -> vector<10x5x1024xf32>
    %get3A_17 = arith.constant 0 : index
    %get3A_18 = arith.constant 0 : index
    %get3A_19 = vector.load %arg6[%get3A_17, %get3A_18] : memref<128x5xf32, #tpu.memory_space<vmem>>, vector<128x5xf32>
    %broadcast_in_dim3A_20 = vector.shape_cast %get3A_19 : vector<128x5xf32> to vector<1x128x5xf32>
    %broadcast_in_dim3A_21 = vector.shape_cast %broadcast_in_dim3A_20 : vector<1x128x5xf32> to vector<1x128x5xf32>
    %broadcast_in_dim3A_22 = vector.broadcast %broadcast_in_dim3A_21 : vector<1x128x5xf32> to vector<10x128x5xf32>
    %dot_general3A = arith.constant dense<0.000000e+00> : vector<10x128x1024xf32>
    %dot_general3A_23 = tpu.matmul %broadcast_in_dim3A_22, %concatenate3A, %dot_general3A {dimension_numbers = #tpu.dot_dimension_numbers<[2], [1], [1], [2], [0, 0, 0, 1, 1, 2], [0], [0]>, transpose_lhs_hint = false} : vector<10x128x5xf32>, vector<10x5x1024xf32>, vector<10x128x1024xf32> -> vector<10x128x1024xf32>
    %transpose3A = tpu.transpose %dot_general3A_23, [0, 2, 1] : vector<10x128x1024xf32> -> vector<10x1024x128xf32>
    %add3A_24 = arith.addf %add3A_6, %transpose3A : vector<10x1024x128xf32>
    %get3A_25 = arith.constant 0 : index
    %get3A_26 = arith.constant 0 : index
    %get3A_27 = vector.load %arg7[%get3A_25, %get3A_26] : memref<1x128xf32, #tpu.memory_space<vmem>>, vector<1x128xf32>
    %get3A_28 = vector.shape_cast %get3A_27 : vector<1x128xf32> to vector<128xf32>
    %broadcast_in_dim3A_29 = vector.shape_cast %get3A_28 : vector<128xf32> to vector<1x1x128xf32>
    %add3A_30 = vector.broadcast %broadcast_in_dim3A_29 : vector<1x1x128xf32> to vector<10x1024x128xf32>
    %add3A_31 = arith.addf %add3A_24, %add3A_30 : vector<10x1024x128xf32>
    %reduce_sum3A = arith.constant dense<0.000000e+00> : vector<10x1024xf32>
    %reduce_sum3A_32 = vector.multi_reduction <add>, %add3A_31, %reduce_sum3A [2] : vector<10x1024x128xf32> to vector<10x1024xf32>
    %broadcast_in_dim3A_33 = vector.shape_cast %reduce_sum3A_32 : vector<10x1024xf32> to vector<10x1024x1xf32>
    %div3A = arith.constant 1.280000e+02 : f32
    %div3A_34 = vector.broadcast %div3A : f32 to vector<10x1024x1xf32>
    %div3A_35 = arith.divf %broadcast_in_dim3A_33, %div3A_34 : vector<10x1024x1xf32>
    %sub3A = vector.broadcast %div3A_35 : vector<10x1024x1xf32> to vector<10x1024x128xf32>
    %sub3A_36 = arith.subf %add3A_31, %sub3A : vector<10x1024x128xf32>
    %mul3A = arith.mulf %sub3A_36, %sub3A_36 : vector<10x1024x128xf32>
    %reduce_sum3A_37 = arith.constant dense<0.000000e+00> : vector<10x1024xf32>
    %reduce_sum3A_38 = vector.multi_reduction <add>, %mul3A, %reduce_sum3A_37 [2] : vector<10x1024x128xf32> to vector<10x1024xf32>
    %broadcast_in_dim3A_39 = vector.shape_cast %reduce_sum3A_38 : vector<10x1024xf32> to vector<10x1024x1xf32>
    %div3A_40 = arith.constant 1.280000e+02 : f32
    %div3A_41 = vector.broadcast %div3A_40 : f32 to vector<10x1024x1xf32>
    %div3A_42 = arith.divf %broadcast_in_dim3A_39, %div3A_41 : vector<10x1024x1xf32>
    %add3A_43 = arith.constant 9.99999996E-13 : f32
    %add3A_44 = vector.broadcast %add3A_43 : f32 to vector<10x1024x1xf32>
    %add3A_45 = arith.addf %div3A_42, %add3A_44 : vector<10x1024x1xf32>
    %rsqrt3A = math.rsqrt %add3A_45 : vector<10x1024x1xf32>
    %mul3A_46 = vector.broadcast %rsqrt3A : vector<10x1024x1xf32> to vector<10x1024x128xf32>
    %mul3A_47 = arith.mulf %sub3A_36, %mul3A_46 : vector<10x1024x128xf32>
    %get3A_48 = arith.constant 0 : index
    %get3A_49 = arith.constant 0 : index
    %get3A_50 = vector.load %arg8[%get3A_48, %get3A_49] : memref<1x128xf32, #tpu.memory_space<vmem>>, vector<1x128xf32>
    %get3A_51 = vector.shape_cast %get3A_50 : vector<1x128xf32> to vector<128xf32>
    %broadcast_in_dim3A_52 = vector.shape_cast %get3A_51 : vector<128xf32> to vector<1x1x128xf32>
    %mul3A_53 = vector.broadcast %broadcast_in_dim3A_52 : vector<1x1x128xf32> to vector<10x1024x128xf32>
    %mul3A_54 = arith.mulf %mul3A_47, %mul3A_53 : vector<10x1024x128xf32>
    %get3A_55 = arith.constant 0 : index
    %get3A_56 = arith.constant 0 : index
    %get3A_57 = vector.load %arg9[%get3A_55, %get3A_56] : memref<1x128xf32, #tpu.memory_space<vmem>>, vector<1x128xf32>
    %get3A_58 = vector.shape_cast %get3A_57 : vector<1x128xf32> to vector<128xf32>
    %broadcast_in_dim3A_59 = vector.shape_cast %get3A_58 : vector<128xf32> to vector<1x1x128xf32>
    %add3A_60 = vector.broadcast %broadcast_in_dim3A_59 : vector<1x1x128xf32> to vector<10x1024x128xf32>
    %add3A_61 = arith.addf %mul3A_54, %add3A_60 : vector<10x1024x128xf32>
    %swap3A = arith.constant 0 : index
    %swap3A_62 = arith.constant 0 : index
    %swap3A_63 = arith.constant 0 : index
    %swap3A_64 = vector.load %arg10[%swap3A, %swap3A_62, %swap3A_63] : memref<10x1024x128xf32, #tpu.memory_space<vmem>>, vector<10x1024x128xf32>
    tpu.vector_store %arg10[%swap3A, %swap3A_62, %swap3A_63], %add3A_61 {strides = array<i32>} : memref<10x1024x128xf32, #tpu.memory_space<vmem>>, vector<10x1024x128xf32>,
    return
  }
  func.func @transform_1(%arg0: i32) -> (i32, i32, i32) {
    %c0_i32 = arith.constant 0 : i32
    %c0_i32_0 = arith.constant 0 : i32
    %c0_i32_1 = arith.constant 0 : i32
    return %c0_i32, %arg0, %c0_i32_0 : i32, i32, i32
  }
  func.func @transform_2(%arg0: i32) -> (i32, i32, i32) {
    %c2_i32 = arith.constant 2 : i32
    %c0_i32 = arith.constant 0 : i32
    %c0_i32_0 = arith.constant 0 : i32
    return %c2_i32, %c0_i32, %arg0 : i32, i32, i32
  }
  func.func @transform_3(%arg0: i32) -> (i32, i32, i32) {
    %c2_i32 = arith.constant 2 : i32
    %c0_i32 = arith.constant 0 : i32
    %c0_i32_0 = arith.constant 0 : i32
    return %c2_i32, %c0_i32, %arg0 : i32, i32, i32
  }
  func.func @transform_4(%arg0: i32) -> (i32, i32) {
    %c0_i32 = arith.constant 0 : i32
    %c0_i32_0 = arith.constant 0 : i32
    %c0_i32_1 = arith.constant 0 : i32
    return %c0_i32, %c0_i32_0 : i32, i32
  }
  func.func @transform_5(%arg0: i32) -> (i32, i32) {
    %c0_i32 = arith.constant 0 : i32
    %c0_i32_0 = arith.constant 0 : i32
    %c0_i32_1 = arith.constant 0 : i32
    return %c0_i32, %c0_i32_0 : i32, i32
  }
  func.func @transform_6(%arg0: i32) -> (i32, i32) {
    %c0_i32 = arith.constant 0 : i32
    %c0_i32_0 = arith.constant 0 : i32
    %c0_i32_1 = arith.constant 0 : i32
    return %c0_i32, %c0_i32_0 : i32, i32
  }
  func.func @transform_7(%arg0: i32) -> (i32, i32) {
    %c0_i32 = arith.constant 0 : i32
    %c0_i32_0 = arith.constant 0 : i32
    %c0_i32_1 = arith.constant 0 : i32
    return %c0_i32, %c0_i32_0 : i32, i32
  }
  func.func @transform_8(%arg0: i32) -> (i32, i32) {
    %c0_i32 = arith.constant 0 : i32
    %c0_i32_0 = arith.constant 0 : i32
    %c0_i32_1 = arith.constant 0 : i32
    return %c0_i32, %c0_i32_0 : i32, i32
  }
  func.func @transform_9(%arg0: i32) -> (i32, i32, i32) {
    %c2_i32 = arith.constant 2 : i32
    %c0_i32 = arith.constant 0 : i32
    %c0_i32_0 = arith.constant 0 : i32
    return %c2_i32, %arg0, %c0_i32 : i32, i32, i32
  }
}

module attributes {stable_mosaic.version = 14 : i64} {
  func.func @_tc_body_acc(%arg0: i32, %arg1: memref<50x4096x128xf32, #tpu.memory_space<any>>, %arg2: memref<10x1024x128xf32, #tpu.memory_space<vmem>>, %arg3: memref<1x10x1024xf32, #tpu.memory_space<vmem>>, %arg4: memref<10x4x1024xf32, #tpu.memory_space<vmem>>, %arg5: memref<10x128xf32, #tpu.memory_space<vmem>>, %arg6: memref<128x5xf32, #tpu.memory_space<vmem>>, %arg7: memref<1x128xf32, #tpu.memory_space<vmem>>, %arg8: memref<1x128xf32, #tpu.memory_space<vmem>>, %arg9: memref<1x128xf32, #tpu.memory_space<vmem>>, %arg10: memref<10x1024x128xf32, #tpu.memory_space<vmem>>) attributes {dimension_semantics = [#tpu.dimension_semantics<arbitrary>], iteration_bounds = array<i64: 4>, scalar_prefetch = 0 : i64, scratch_operands = 0 : i64, tpu.core_type = #tpu.core_type<tc>, window_params = [{}, {transform_indices = @transform_1, window_bounds = array<i64: 10, 1024, 128>}, {transform_indices = @transform_2, window_bounds = array<i64: 1, 10, 1024>}, {transform_indices = @transform_3, window_bounds = array<i64: 10, 4, 1024>}, {pipeline_mode = #tpu.pipeline_mode<synchronous>, transform_indices = @transform_4, window_bounds = array<i64: 10, 128>}, {pipeline_mode = #tpu.pipeline_mode<synchronous>, transform_indices = @transform_5, window_bounds = array<i64: 128, 5>}, {pipeline_mode = #tpu.pipeline_mode<synchronous>, transform_indices = @transform_6, window_bounds = array<i64: 1, 128>}, {pipeline_mode = #tpu.pipeline_mode<synchronous>, transform_indices = @transform_7, window_bounds = array<i64: 1, 128>}, {pipeline_mode = #tpu.pipeline_mode<synchronous>, transform_indices = @transform_8, window_bounds = array<i64: 1, 128>}, {transform_indices = @transform_9, window_bounds = array<i64: 10, 1024, 128>}]} {
    %get3A = arith.constant 0 : index
    %get3A_0 = arith.constant 0 : index
    %get3A_1 = arith.constant 0 : index
    %get3A_2 = vector.load %arg2[%get3A, %get3A_0, %get3A_1] : memref<10x1024x128xf32, #tpu.memory_space<vmem>>, vector<10x1024x128xf32>
    %get3A_3 = arith.constant 0 : index
    %get3A_4 = arith.constant 0 : index
    %get3A_5 = vector.load %arg5[%get3A_3, %get3A_4] : memref<10x128xf32, #tpu.memory_space<vmem>>, vector<10x128xf32>
    %broadcast_in_dim3A = vector.shape_cast %get3A_5 : vector<10x128xf32> to vector<10x1x128xf32>
    %add3A = vector.broadcast %broadcast_in_dim3A : vector<10x1x128xf32> to vector<10x1024x128xf32>
    %add3A_6 = arith.addf %get3A_2, %add3A : vector<10x1024x128xf32>
    %get3A_7 = arith.constant 0 : index
    %get3A_8 = arith.constant 0 : index
    %get3A_9 = arith.constant 0 : index
    %get3A_10 = vector.load %arg4[%get3A_7, %get3A_8, %get3A_9] : memref<10x4x1024xf32, #tpu.memory_space<vmem>>, vector<10x4x1024xf32>
    %get3A_11 = arith.constant 0 : index
    %get3A_12 = arith.constant 0 : index
    %get3A_13 = arith.constant 0 : index
    %get3A_14 = vector.load %arg3[%get3A_11, %get3A_12, %get3A_13] : memref<1x10x1024xf32, #tpu.memory_space<vmem>>, vector<1x10x1024xf32>
    %get3A_15 = vector.shape_cast %get3A_14 : vector<1x10x1024xf32> to vector<10x1024xf32>
    %broadcast_in_dim3A_16 = vector.shape_cast %get3A_15 : vector<10x1024xf32> to vector<10x1x1024xf32>
    %concatenate3A = tpu.concatenate %get3A_10, %broadcast_in_dim3A_16 in 1 : vector<10x4x1024xf32>, vector<10x1x1024xf32> -> vector<10x5x1024xf32>
    %get3A_17 = arith.constant 0 : index
    %get3A_18 = arith.constant 0 : index
    %get3A_19 = vector.load %arg6[%get3A_17, %get3A_18] : memref<128x5xf32, #tpu.memory_space<vmem>>, vector<128x5xf32>
    %broadcast_in_dim3A_20 = vector.shape_cast %get3A_19 : vector<128x5xf32> to vector<1x128x5xf32>
    %broadcast_in_dim3A_21 = vector.shape_cast %broadcast_in_dim3A_20 : vector<1x128x5xf32> to vector<1x128x5xf32>
    %broadcast_in_dim3A_22 = vector.broadcast %broadcast_in_dim3A_21 : vector<1x128x5xf32> to vector<10x128x5xf32>
    %dot_general3A = arith.constant dense<0.000000e+00> : vector<10x128x1024xf32>
    %dot_general3A_23 = tpu.matmul %broadcast_in_dim3A_22, %concatenate3A, %dot_general3A {dimension_numbers = #tpu.dot_dimension_numbers<[2], [1], [1], [2], [0, 0, 0, 1, 1, 2], [0], [0]>, transpose_lhs_hint = false} : vector<10x128x5xf32>, vector<10x5x1024xf32>, vector<10x128x1024xf32> -> vector<10x128x1024xf32>
    %transpose3A = tpu.transpose %dot_general3A_23, [0, 2, 1] : vector<10x128x1024xf32> -> vector<10x1024x128xf32>
    %add3A_24 = arith.addf %add3A_6, %transpose3A : vector<10x1024x128xf32>
    %get3A_25 = arith.constant 0 : index
    %get3A_26 = arith.constant 0 : index
    %get3A_27 = vector.load %arg7[%get3A_25, %get3A_26] : memref<1x128xf32, #tpu.memory_space<vmem>>, vector<1x128xf32>
    %get3A_28 = vector.shape_cast %get3A_27 : vector<1x128xf32> to vector<128xf32>
    %broadcast_in_dim3A_29 = vector.shape_cast %get3A_28 : vector<128xf32> to vector<1x1x128xf32>
    %add3A_30 = vector.broadcast %broadcast_in_dim3A_29 : vector<1x1x128xf32> to vector<10x1024x128xf32>
    %add3A_31 = arith.addf %add3A_24, %add3A_30 : vector<10x1024x128xf32>
    %reduce_sum3A = arith.constant dense<0.000000e+00> : vector<10x1024xf32>
    %reduce_sum3A_32 = vector.multi_reduction <add>, %add3A_31, %reduce_sum3A [2] : vector<10x1024x128xf32> to vector<10x1024xf32>
    %broadcast_in_dim3A_33 = vector.shape_cast %reduce_sum3A_32 : vector<10x1024xf32> to vector<10x1024x1xf32>
    %div3A = arith.constant 1.280000e+02 : f32
    %div3A_34 = vector.broadcast %div3A : f32 to vector<10x1024x1xf32>
    %div3A_35 = arith.divf %broadcast_in_dim3A_33, %div3A_34 : vector<10x1024x1xf32>
    %sub3A = vector.broadcast %div3A_35 : vector<10x1024x1xf32> to vector<10x1024x128xf32>
    %sub3A_36 = arith.subf %add3A_31, %sub3A : vector<10x1024x128xf32>
    %mul3A = arith.mulf %sub3A_36, %sub3A_36 : vector<10x1024x128xf32>
    %reduce_sum3A_37 = arith.constant dense<0.000000e+00> : vector<10x1024xf32>
    %reduce_sum3A_38 = vector.multi_reduction <add>, %mul3A, %reduce_sum3A_37 [2] : vector<10x1024x128xf32> to vector<10x1024xf32>
    %broadcast_in_dim3A_39 = vector.shape_cast %reduce_sum3A_38 : vector<10x1024xf32> to vector<10x1024x1xf32>
    %div3A_40 = arith.constant 1.280000e+02 : f32
    %div3A_41 = vector.broadcast %div3A_40 : f32 to vector<10x1024x1xf32>
    %div3A_42 = arith.divf %broadcast_in_dim3A_39, %div3A_41 : vector<10x1024x1xf32>
    %add3A_43 = arith.constant 9.99999996E-13 : f32
    %add3A_44 = vector.broadcast %add3A_43 : f32 to vector<10x1024x1xf32>
    %add3A_45 = arith.addf %div3A_42, %add3A_44 : vector<10x1024x1xf32>
    %rsqrt3A = math.rsqrt %add3A_45 : vector<10x1024x1xf32>
    %mul3A_46 = vector.broadcast %rsqrt3A : vector<10x1024x1xf32> to vector<10x1024x128xf32>
    %mul3A_47 = arith.mulf %sub3A_36, %mul3A_46 : vector<10x1024x128xf32>
    %get3A_48 = arith.constant 0 : index
    %get3A_49 = arith.constant 0 : index
    %get3A_50 = vector.load %arg8[%get3A_48, %get3A_49] : memref<1x128xf32, #tpu.memory_space<vmem>>, vector<1x128xf32>
    %get3A_51 = vector.shape_cast %get3A_50 : vector<1x128xf32> to vector<128xf32>
    %broadcast_in_dim3A_52 = vector.shape_cast %get3A_51 : vector<128xf32> to vector<1x1x128xf32>
    %mul3A_53 = vector.broadcast %broadcast_in_dim3A_52 : vector<1x1x128xf32> to vector<10x1024x128xf32>
    %mul3A_54 = arith.mulf %mul3A_47, %mul3A_53 : vector<10x1024x128xf32>
    %get3A_55 = arith.constant 0 : index
    %get3A_56 = arith.constant 0 : index
    %get3A_57 = vector.load %arg9[%get3A_55, %get3A_56] : memref<1x128xf32, #tpu.memory_space<vmem>>, vector<1x128xf32>
    %get3A_58 = vector.shape_cast %get3A_57 : vector<1x128xf32> to vector<128xf32>
    %broadcast_in_dim3A_59 = vector.shape_cast %get3A_58 : vector<128xf32> to vector<1x1x128xf32>
    %add3A_60 = vector.broadcast %broadcast_in_dim3A_59 : vector<1x1x128xf32> to vector<10x1024x128xf32>
    %add3A_61 = arith.addf %mul3A_54, %add3A_60 : vector<10x1024x128xf32>
    %swap3A = arith.constant 0 : index
    %swap3A_62 = arith.constant 0 : index
    %swap3A_63 = arith.constant 0 : index
    %swap3A_64 = vector.load %arg10[%swap3A, %swap3A_62, %swap3A_63] : memref<10x1024x128xf32, #tpu.memory_space<vmem>>, vector<10x1024x128xf32>
    tpu.vector_store %arg10[%swap3A, %swap3A_62, %swap3A_63], %add3A_61 {strides = array<i32>} : memref<10x1024x128xf32, #tpu.memory_space<vmem>>, vector<10x1024x128xf32>,
    return
  }
  func.func @transform_1(%arg0: i32) -> (i32, i32, i32) {
    %c0_i32 = arith.constant 0 : i32
    %c0_i32_0 = arith.constant 0 : i32
    %c0_i32_1 = arith.constant 0 : i32
    return %c0_i32, %arg0, %c0_i32_0 : i32, i32, i32
  }
  func.func @transform_2(%arg0: i32) -> (i32, i32, i32) {
    %c3_i32 = arith.constant 3 : i32
    %c0_i32 = arith.constant 0 : i32
    %c0_i32_0 = arith.constant 0 : i32
    return %c3_i32, %c0_i32, %arg0 : i32, i32, i32
  }
  func.func @transform_3(%arg0: i32) -> (i32, i32, i32) {
    %c3_i32 = arith.constant 3 : i32
    %c0_i32 = arith.constant 0 : i32
    %c0_i32_0 = arith.constant 0 : i32
    return %c3_i32, %c0_i32, %arg0 : i32, i32, i32
  }
  func.func @transform_4(%arg0: i32) -> (i32, i32) {
    %c0_i32 = arith.constant 0 : i32
    %c0_i32_0 = arith.constant 0 : i32
    %c0_i32_1 = arith.constant 0 : i32
    return %c0_i32, %c0_i32_0 : i32, i32
  }
  func.func @transform_5(%arg0: i32) -> (i32, i32) {
    %c0_i32 = arith.constant 0 : i32
    %c0_i32_0 = arith.constant 0 : i32
    %c0_i32_1 = arith.constant 0 : i32
    return %c0_i32, %c0_i32_0 : i32, i32
  }
  func.func @transform_6(%arg0: i32) -> (i32, i32) {
    %c0_i32 = arith.constant 0 : i32
    %c0_i32_0 = arith.constant 0 : i32
    %c0_i32_1 = arith.constant 0 : i32
    return %c0_i32, %c0_i32_0 : i32, i32
  }
  func.func @transform_7(%arg0: i32) -> (i32, i32) {
    %c0_i32 = arith.constant 0 : i32
    %c0_i32_0 = arith.constant 0 : i32
    %c0_i32_1 = arith.constant 0 : i32
    return %c0_i32, %c0_i32_0 : i32, i32
  }
  func.func @transform_8(%arg0: i32) -> (i32, i32) {
    %c0_i32 = arith.constant 0 : i32
    %c0_i32_0 = arith.constant 0 : i32
    %c0_i32_1 = arith.constant 0 : i32
    return %c0_i32, %c0_i32_0 : i32, i32
  }
  func.func @transform_9(%arg0: i32) -> (i32, i32, i32) {
    %c3_i32 = arith.constant 3 : i32
    %c0_i32 = arith.constant 0 : i32
    %c0_i32_0 = arith.constant 0 : i32
    return %c3_i32, %arg0, %c0_i32 : i32, i32, i32
  }
}

module attributes {stable_mosaic.version = 14 : i64} {
  func.func @_tc_body_acc(%arg0: i32, %arg1: memref<50x4096x128xf32, #tpu.memory_space<any>>, %arg2: memref<10x1024x128xf32, #tpu.memory_space<vmem>>, %arg3: memref<1x10x1024xf32, #tpu.memory_space<vmem>>, %arg4: memref<10x4x1024xf32, #tpu.memory_space<vmem>>, %arg5: memref<10x128xf32, #tpu.memory_space<vmem>>, %arg6: memref<128x5xf32, #tpu.memory_space<vmem>>, %arg7: memref<1x128xf32, #tpu.memory_space<vmem>>, %arg8: memref<1x128xf32, #tpu.memory_space<vmem>>, %arg9: memref<1x128xf32, #tpu.memory_space<vmem>>, %arg10: memref<10x1024x128xf32, #tpu.memory_space<vmem>>) attributes {dimension_semantics = [#tpu.dimension_semantics<arbitrary>], iteration_bounds = array<i64: 4>, scalar_prefetch = 0 : i64, scratch_operands = 0 : i64, tpu.core_type = #tpu.core_type<tc>, window_params = [{}, {transform_indices = @transform_1, window_bounds = array<i64: 10, 1024, 128>}, {transform_indices = @transform_2, window_bounds = array<i64: 1, 10, 1024>}, {transform_indices = @transform_3, window_bounds = array<i64: 10, 4, 1024>}, {pipeline_mode = #tpu.pipeline_mode<synchronous>, transform_indices = @transform_4, window_bounds = array<i64: 10, 128>}, {pipeline_mode = #tpu.pipeline_mode<synchronous>, transform_indices = @transform_5, window_bounds = array<i64: 128, 5>}, {pipeline_mode = #tpu.pipeline_mode<synchronous>, transform_indices = @transform_6, window_bounds = array<i64: 1, 128>}, {pipeline_mode = #tpu.pipeline_mode<synchronous>, transform_indices = @transform_7, window_bounds = array<i64: 1, 128>}, {pipeline_mode = #tpu.pipeline_mode<synchronous>, transform_indices = @transform_8, window_bounds = array<i64: 1, 128>}, {transform_indices = @transform_9, window_bounds = array<i64: 10, 1024, 128>}]} {
    %get3A = arith.constant 0 : index
    %get3A_0 = arith.constant 0 : index
    %get3A_1 = arith.constant 0 : index
    %get3A_2 = vector.load %arg2[%get3A, %get3A_0, %get3A_1] : memref<10x1024x128xf32, #tpu.memory_space<vmem>>, vector<10x1024x128xf32>
    %get3A_3 = arith.constant 0 : index
    %get3A_4 = arith.constant 0 : index
    %get3A_5 = vector.load %arg5[%get3A_3, %get3A_4] : memref<10x128xf32, #tpu.memory_space<vmem>>, vector<10x128xf32>
    %broadcast_in_dim3A = vector.shape_cast %get3A_5 : vector<10x128xf32> to vector<10x1x128xf32>
    %add3A = vector.broadcast %broadcast_in_dim3A : vector<10x1x128xf32> to vector<10x1024x128xf32>
    %add3A_6 = arith.addf %get3A_2, %add3A : vector<10x1024x128xf32>
    %get3A_7 = arith.constant 0 : index
    %get3A_8 = arith.constant 0 : index
    %get3A_9 = arith.constant 0 : index
    %get3A_10 = vector.load %arg4[%get3A_7, %get3A_8, %get3A_9] : memref<10x4x1024xf32, #tpu.memory_space<vmem>>, vector<10x4x1024xf32>
    %get3A_11 = arith.constant 0 : index
    %get3A_12 = arith.constant 0 : index
    %get3A_13 = arith.constant 0 : index
    %get3A_14 = vector.load %arg3[%get3A_11, %get3A_12, %get3A_13] : memref<1x10x1024xf32, #tpu.memory_space<vmem>>, vector<1x10x1024xf32>
    %get3A_15 = vector.shape_cast %get3A_14 : vector<1x10x1024xf32> to vector<10x1024xf32>
    %broadcast_in_dim3A_16 = vector.shape_cast %get3A_15 : vector<10x1024xf32> to vector<10x1x1024xf32>
    %concatenate3A = tpu.concatenate %get3A_10, %broadcast_in_dim3A_16 in 1 : vector<10x4x1024xf32>, vector<10x1x1024xf32> -> vector<10x5x1024xf32>
    %get3A_17 = arith.constant 0 : index
    %get3A_18 = arith.constant 0 : index
    %get3A_19 = vector.load %arg6[%get3A_17, %get3A_18] : memref<128x5xf32, #tpu.memory_space<vmem>>, vector<128x5xf32>
    %broadcast_in_dim3A_20 = vector.shape_cast %get3A_19 : vector<128x5xf32> to vector<1x128x5xf32>
    %broadcast_in_dim3A_21 = vector.shape_cast %broadcast_in_dim3A_20 : vector<1x128x5xf32> to vector<1x128x5xf32>
    %broadcast_in_dim3A_22 = vector.broadcast %broadcast_in_dim3A_21 : vector<1x128x5xf32> to vector<10x128x5xf32>
    %dot_general3A = arith.constant dense<0.000000e+00> : vector<10x128x1024xf32>
    %dot_general3A_23 = tpu.matmul %broadcast_in_dim3A_22, %concatenate3A, %dot_general3A {dimension_numbers = #tpu.dot_dimension_numbers<[2], [1], [1], [2], [0, 0, 0, 1, 1, 2], [0], [0]>, transpose_lhs_hint = false} : vector<10x128x5xf32>, vector<10x5x1024xf32>, vector<10x128x1024xf32> -> vector<10x128x1024xf32>
    %transpose3A = tpu.transpose %dot_general3A_23, [0, 2, 1] : vector<10x128x1024xf32> -> vector<10x1024x128xf32>
    %add3A_24 = arith.addf %add3A_6, %transpose3A : vector<10x1024x128xf32>
    %get3A_25 = arith.constant 0 : index
    %get3A_26 = arith.constant 0 : index
    %get3A_27 = vector.load %arg7[%get3A_25, %get3A_26] : memref<1x128xf32, #tpu.memory_space<vmem>>, vector<1x128xf32>
    %get3A_28 = vector.shape_cast %get3A_27 : vector<1x128xf32> to vector<128xf32>
    %broadcast_in_dim3A_29 = vector.shape_cast %get3A_28 : vector<128xf32> to vector<1x1x128xf32>
    %add3A_30 = vector.broadcast %broadcast_in_dim3A_29 : vector<1x1x128xf32> to vector<10x1024x128xf32>
    %add3A_31 = arith.addf %add3A_24, %add3A_30 : vector<10x1024x128xf32>
    %reduce_sum3A = arith.constant dense<0.000000e+00> : vector<10x1024xf32>
    %reduce_sum3A_32 = vector.multi_reduction <add>, %add3A_31, %reduce_sum3A [2] : vector<10x1024x128xf32> to vector<10x1024xf32>
    %broadcast_in_dim3A_33 = vector.shape_cast %reduce_sum3A_32 : vector<10x1024xf32> to vector<10x1024x1xf32>
    %div3A = arith.constant 1.280000e+02 : f32
    %div3A_34 = vector.broadcast %div3A : f32 to vector<10x1024x1xf32>
    %div3A_35 = arith.divf %broadcast_in_dim3A_33, %div3A_34 : vector<10x1024x1xf32>
    %sub3A = vector.broadcast %div3A_35 : vector<10x1024x1xf32> to vector<10x1024x128xf32>
    %sub3A_36 = arith.subf %add3A_31, %sub3A : vector<10x1024x128xf32>
    %mul3A = arith.mulf %sub3A_36, %sub3A_36 : vector<10x1024x128xf32>
    %reduce_sum3A_37 = arith.constant dense<0.000000e+00> : vector<10x1024xf32>
    %reduce_sum3A_38 = vector.multi_reduction <add>, %mul3A, %reduce_sum3A_37 [2] : vector<10x1024x128xf32> to vector<10x1024xf32>
    %broadcast_in_dim3A_39 = vector.shape_cast %reduce_sum3A_38 : vector<10x1024xf32> to vector<10x1024x1xf32>
    %div3A_40 = arith.constant 1.280000e+02 : f32
    %div3A_41 = vector.broadcast %div3A_40 : f32 to vector<10x1024x1xf32>
    %div3A_42 = arith.divf %broadcast_in_dim3A_39, %div3A_41 : vector<10x1024x1xf32>
    %add3A_43 = arith.constant 9.99999996E-13 : f32
    %add3A_44 = vector.broadcast %add3A_43 : f32 to vector<10x1024x1xf32>
    %add3A_45 = arith.addf %div3A_42, %add3A_44 : vector<10x1024x1xf32>
    %rsqrt3A = math.rsqrt %add3A_45 : vector<10x1024x1xf32>
    %mul3A_46 = vector.broadcast %rsqrt3A : vector<10x1024x1xf32> to vector<10x1024x128xf32>
    %mul3A_47 = arith.mulf %sub3A_36, %mul3A_46 : vector<10x1024x128xf32>
    %get3A_48 = arith.constant 0 : index
    %get3A_49 = arith.constant 0 : index
    %get3A_50 = vector.load %arg8[%get3A_48, %get3A_49] : memref<1x128xf32, #tpu.memory_space<vmem>>, vector<1x128xf32>
    %get3A_51 = vector.shape_cast %get3A_50 : vector<1x128xf32> to vector<128xf32>
    %broadcast_in_dim3A_52 = vector.shape_cast %get3A_51 : vector<128xf32> to vector<1x1x128xf32>
    %mul3A_53 = vector.broadcast %broadcast_in_dim3A_52 : vector<1x1x128xf32> to vector<10x1024x128xf32>
    %mul3A_54 = arith.mulf %mul3A_47, %mul3A_53 : vector<10x1024x128xf32>
    %get3A_55 = arith.constant 0 : index
    %get3A_56 = arith.constant 0 : index
    %get3A_57 = vector.load %arg9[%get3A_55, %get3A_56] : memref<1x128xf32, #tpu.memory_space<vmem>>, vector<1x128xf32>
    %get3A_58 = vector.shape_cast %get3A_57 : vector<1x128xf32> to vector<128xf32>
    %broadcast_in_dim3A_59 = vector.shape_cast %get3A_58 : vector<128xf32> to vector<1x1x128xf32>
    %add3A_60 = vector.broadcast %broadcast_in_dim3A_59 : vector<1x1x128xf32> to vector<10x1024x128xf32>
    %add3A_61 = arith.addf %mul3A_54, %add3A_60 : vector<10x1024x128xf32>
    %swap3A = arith.constant 0 : index
    %swap3A_62 = arith.constant 0 : index
    %swap3A_63 = arith.constant 0 : index
    %swap3A_64 = vector.load %arg10[%swap3A, %swap3A_62, %swap3A_63] : memref<10x1024x128xf32, #tpu.memory_space<vmem>>, vector<10x1024x128xf32>
    tpu.vector_store %arg10[%swap3A, %swap3A_62, %swap3A_63], %add3A_61 {strides = array<i32>} : memref<10x1024x128xf32, #tpu.memory_space<vmem>>, vector<10x1024x128xf32>,
    return
  }
  func.func @transform_1(%arg0: i32) -> (i32, i32, i32) {
    %c0_i32 = arith.constant 0 : i32
    %c0_i32_0 = arith.constant 0 : i32
    %c0_i32_1 = arith.constant 0 : i32
    return %c0_i32, %arg0, %c0_i32_0 : i32, i32, i32
  }
  func.func @transform_2(%arg0: i32) -> (i32, i32, i32) {
    %c4_i32 = arith.constant 4 : i32
    %c0_i32 = arith.constant 0 : i32
    %c0_i32_0 = arith.constant 0 : i32
    return %c4_i32, %c0_i32, %arg0 : i32, i32, i32
  }
  func.func @transform_3(%arg0: i32) -> (i32, i32, i32) {
    %c4_i32 = arith.constant 4 : i32
    %c0_i32 = arith.constant 0 : i32
    %c0_i32_0 = arith.constant 0 : i32
    return %c4_i32, %c0_i32, %arg0 : i32, i32, i32
  }
  func.func @transform_4(%arg0: i32) -> (i32, i32) {
    %c0_i32 = arith.constant 0 : i32
    %c0_i32_0 = arith.constant 0 : i32
    %c0_i32_1 = arith.constant 0 : i32
    return %c0_i32, %c0_i32_0 : i32, i32
  }
  func.func @transform_5(%arg0: i32) -> (i32, i32) {
    %c0_i32 = arith.constant 0 : i32
    %c0_i32_0 = arith.constant 0 : i32
    %c0_i32_1 = arith.constant 0 : i32
    return %c0_i32, %c0_i32_0 : i32, i32
  }
  func.func @transform_6(%arg0: i32) -> (i32, i32) {
    %c0_i32 = arith.constant 0 : i32
    %c0_i32_0 = arith.constant 0 : i32
    %c0_i32_1 = arith.constant 0 : i32
    return %c0_i32, %c0_i32_0 : i32, i32
  }
  func.func @transform_7(%arg0: i32) -> (i32, i32) {
    %c0_i32 = arith.constant 0 : i32
    %c0_i32_0 = arith.constant 0 : i32
    %c0_i32_1 = arith.constant 0 : i32
    return %c0_i32, %c0_i32_0 : i32, i32
  }
  func.func @transform_8(%arg0: i32) -> (i32, i32) {
    %c0_i32 = arith.constant 0 : i32
    %c0_i32_0 = arith.constant 0 : i32
    %c0_i32_1 = arith.constant 0 : i32
    return %c0_i32, %c0_i32_0 : i32, i32
  }
  func.func @transform_9(%arg0: i32) -> (i32, i32, i32) {
    %c4_i32 = arith.constant 4 : i32
    %c0_i32 = arith.constant 0 : i32
    %c0_i32_0 = arith.constant 0 : i32
    return %c4_i32, %arg0, %c0_i32 : i32, i32, i32
  }
}

</mosaic_0001>

<sc_bundles>
// kernel: kernel.12.cloned.1.call-start
scs
__scs_entry_jumppad:
0x0: {  	(pc) =	sbr.rel $0x88, $3  }
0x1: {  	(tag) =	ssettag $0x0;
	lr =	simm.s32 $0x1  }
0x2: {  	[smem:$0x3F97] =	sst lr;
	_ =	strace $0xD0000000  }
0x3: {  	_ = 	snop  }
0x4: {  	_ = 	snop  }
0x5: {  	_ = 	snop  }
0x6: {  	_ = 	snop  }
0x7: {  	_ = 	snop  }
__scs_overlays_trampoline_lowered:
0x8: {  	[smem:$0x3FA6] =	sst s0  }
0x9: {  	[smem:$0x3FA7] =	sst s1  }
0xa: {  	[smem:$0x3FA8] =	sst s2  }
0xb: {  	[smem:$0x3FA9] =	sst s3  }
0xc: {  	[smem:$0x3FAA] =	sst s4  }
0xd: {  	[smem:$0x3FAB] =	sst s5  }
0xe: {  	[smem:$0x3FAC] =	sst s6  }
0xf: {  	[smem:$0x3FAD] =	sst s7  }
0x10: {  	[smem:$0x3FAE] =	sst s8  }
0x11: {  	[smem:$0x3FAF] =	sst s9;
	s0 =	simm.s32 @!p0 $0x0  }
0x12: {  	s1 =	sld [smem:$0x3F95];
	s0 =	simm.s32 @p0 $0x1  }
0x13: {  	[smem:$0x3FB0] =	sst s0;
	s0 =	simm.s32 @!p1 $0x0  }
0x14: {  	s2 =	sld [smem:$0x3F94];
	s0 =	simm.s32 @p1 $0x1  }
0x15: {  	[smem:$0x3FB1] =	sst s0;
	s0 =	simm.s32 @!p2 $0x0  }
0x16: {  	s3 =	sld [smem:$0x3FDB];
	s0 =	simm.s32 @p2 $0x1  }
0x17: {  	s4 =	simm.s32 $0x1BF5;
	[smem:$0x3FB3] =	sst s0  }
0x18: {  	s0 =	sld [smem:$0x3F96];
	_ =	swait.ge [sflag:s4], $0x0  }
0x19: {  	s7 =	sld [smem:$0x3F97]  }
0x1a: {  	s8 =	sadd.s32 $0xFFFFE003, lr  }
0x1b: {  	s9 =	sadd.s32 $0xFFFFFEF7, lr;
	s5 =	simm.s32 $0xFFFFFFFF;
	p2 =	slt.u32 s8, $0xFFFFF086  }
0x1c: {  	p1 =	slt.u32 s9, $0xF7A;
	s5 =	simm.s32 @!p2 $0x0  }
0x1d: {  	s5 =	simm.s32 @p1 $0x1;
	p0 =	seq.s32 s7, s2  }
0x1e: {  	s7 =	smul.u32 @!p0 $0xF7A, s2;
	p2 =	seq.s32 @!p0 s5, $0x0  }
0x1f: {  	s9 =	smul.u32 $0xF7A, s1;
	s8 =	simm.s32 @!p0 $0x1BF5;
	p2 =	por !p2, p0  }
0x20: {  	[sflag:s8] =	ssyncset.s32 @!p0 $0xFFFFF086;
	s6 =	sadd.s32 @!p0 s3, s7;
	s7 =	simm.s32 @!p0 $0x108  }
0x21: {  	s3 =	sadd.s32 s3, s9;
	s6 =	sadd.s32 @!p0 $0x88, s6;
	s7 =	simm.s32 @p2 $0x1082  }
0x22: {  	[simem:s7], [sflag:s8] =	dma.local @!p0 [hbm:s6], $0xF7A  }
0x23: {  	s9 =	sor.u32 $0xD0000000, s2;
	s6 =	simm.s32 $0x108;
	_ =	swait.ge @!p0 [sflag:s8], $0x0  }
0x24: {  	s3 =	sadd.s32 $0x88, s3;
	s6 =	simm.s32 @!p1 $0x1082;
	[sflag:s4] =	ssyncset.s32 $0xFFFFF086  }
0x25: {  	[simem:s6], [sflag:s4] =	dma.local [hbm:s3], $0xF7A  }
0x26: {  	[smem:$0x3F97] =	sst s1;
	(tag) =	ssettag s2;
	_ =	strace s9  }
0x27: {  	s1 =	sld [smem:$0x3FA7]  }
0x28: {  	s2 =	sld [smem:$0x3FA8]  }
0x29: {  	s4 =	sld [smem:$0x3FAA]  }
0x2a: {  	p0 =	seq.s32 s5, $0x0;
	s5 =	sld [smem:$0x3FAB]  }
0x2b: {  	s6 =	sld [smem:$0x3FAC]  }
0x2c: {  	s7 =	sld [smem:$0x3FAD]  }
0x2d: {  	s3 =	simm.s32 $0x108;
	s8 =	sld [smem:$0x3FAE]  }
0x2e: {  	s3 =	simm.s32 @!p0 $0x1082;
	s9 =	sld [smem:$0x3FAF]  }
0x2f: {  	lr =	sadd.s32 s0, s3;
	s0 =	sld [smem:$0x3FA6]  }
0x30: {  	s3 =	sld [smem:$0x3FA9]  }
0x31: {  	[smem:$0x3FB2] =	sst s10  }
0x32: {  	s10 =	sld [smem:$0x3FB0];
	_ =	sdelay $0x3  }
0x33: {  	p0 =	seq.s32 s10, $0x1;
	s10 =	sld [smem:$0x3FB2];
	_ =	sdelay $0x3  }
0x34: {  	[smem:$0x3FB2] =	sst s10  }
0x35: {  	s10 =	sld [smem:$0x3FB1];
	_ =	sdelay $0x3  }
0x36: {  	p1 =	seq.s32 s10, $0x1;
	s10 =	sld [smem:$0x3FB2];
	_ =	sdelay $0x3  }
0x37: {  	[smem:$0x3FB2] =	sst s10  }
0x38: {  	s10 =	sld [smem:$0x3FB3]  }
0x39: {  	_ = 	snop;
	(pc) =	sbr.ind lr, $3  }
0x3a: {  	_ = 	snop  }
0x3b: {  	_ = 	snop  }
0x3c: {  	p2 =	seq.s32 s10, $0x1;
	s10 =	sld [smem:$0x3FB2]  }
0x3d: {  	_ =	shalt  }
0x3e: {  	_ =	shalt  }
0x3f: {  	_ =	shalt  }
0x40: {  	_ =	shalt  }
0x41: {  	_ =	shalt  }
0x42: {  	_ =	shalt  }
0x43: {  	_ =	shalt  }
0x44: {  	_ =	shalt  }
0x45: {  	_ =	shalt  }
0x46: {  	_ =	shalt  }
0x47: {  	_ =	shalt  }
0x48: {  	_ =	shalt  }
0x49: {  	_ =	shalt  }
0x4a: {  	_ =	shalt  }
0x4b: {  	_ =	shalt  }
0x4c: {  	_ =	shalt  }
0x4d: {  	_ =	shalt  }
0x4e: {  	_ =	shalt  }
0x4f: {  	_ =	shalt  }
0x50: {  	_ =	shalt  }
0x51: {  	_ =	shalt  }
0x52: {  	_ =	shalt  }
0x53: {  	_ =	shalt  }
0x54: {  	_ =	shalt  }
0x55: {  	_ =	shalt  }
0x56: {  	_ =	shalt  }
0x57: {  	_ =	shalt  }
0x58: {  	_ =	shalt  }
0x59: {  	_ =	shalt  }
0x5a: {  	_ =	shalt  }
0x5b: {  	_ =	shalt  }
0x5c: {  	_ =	shalt  }
0x5d: {  	_ =	shalt  }
0x5e: {  	_ =	shalt  }
0x5f: {  	_ =	shalt  }
0x60: {  	_ =	shalt  }
0x61: {  	_ =	shalt  }
0x62: {  	_ =	shalt  }
0x63: {  	_ =	shalt  }
0x64: {  	_ =	shalt  }
0x65: {  	_ =	shalt  }
0x66: {  	_ =	shalt  }
0x67: {  	_ =	shalt  }
0x68: {  	_ =	shalt  }
0x69: {  	_ =	shalt  }
0x6a: {  	_ =	shalt  }
0x6b: {  	_ =	shalt  }
0x6c: {  	_ =	shalt  }
0x6d: {  	_ =	shalt  }
0x6e: {  	_ =	shalt  }
0x6f: {  	_ =	shalt  }
0x70: {  	_ =	shalt  }
0x71: {  	_ =	shalt  }
0x72: {  	_ =	shalt  }
0x73: {  	_ =	shalt  }
0x74: {  	_ =	shalt  }
0x75: {  	_ =	shalt  }
0x76: {  	_ =	shalt  }
0x77: {  	_ =	shalt  }
0x78: {  	_ =	shalt  }
0x79: {  	_ =	shalt  }
0x7a: {  	_ =	shalt  }
0x7b: {  	_ =	shalt  }
0x7c: {  	_ =	shalt  }
0x7d: {  	_ =	shalt  }
0x7e: {  	_ =	shalt  }
0x7f: {  	_ =	shalt  }
0x80: {  	_ =	shalt  }
0x81: {  	_ =	shalt  }
0x82: {  	_ =	shalt  }
0x83: {  	_ =	shalt  }
0x84: {  	_ =	shalt  }
0x85: {  	_ =	shalt  }
0x86: {  	_ =	shalt  }
0x87: {  	_ =	shalt  }
.Lfunc_end0:
.L_simem_size_0:
called_computation_lowered:
.L_overlay_start_0:
0x88: {  	s2 =	sld [smem:$0x3FD9]  }
0x89: {  	s3 =	sld [smem:$0x3FFE];
	_ =	sdelay $0x1  }
0x8a: {  	s1 =	srdreg.scid  }
0x8b: {  	s0 =	sand.u32 $0x1, s1  }
0x8c: {  	s17 =	sshll.u32 s0, $0xA;
	s2 =	sadd.s32 s3, s2  }
0x8d: {  	s2 =	sadd.s32 s2, s17  }
0x8e: {  	[smem:$0x3FBE] =	sst s2  }
0x8f: {  	_ = 	snop  }
0x90: {  	s2 =	sld [smem:$0x3FC6]  }
0x91: {  	s18 =	sld [smem:$0x3FD0];
	(tm) =	ssettm $0x1  }
0x92: {  	s4 =	sld [smem:$0x3FFB];
	_ =	sdelay $0x3  }
0x93: {  	_ =	strace s4  }
0x94: {  	s4 =	sld [smem:$0x3FFC];
	_ =	sdelay $0x3  }
0x95: {  	_ =	strace s4  }
0x96: {  	s4 =	sld [smem:$0x3FFD];
	_ =	sdelay $0x3  }
0x97: {  	_ =	strace s4  }
0x98: {  	_ =	strace $0x8FFFFFFF  }
0x99: {  	s19 =	sld [smem:$0x3FDB];
	_ =	sdelay $0x1  }
0x9a: {  	s5 =	simm.s32 $_scs_section_size  }
0x9b: {  	s6 =	simm.s32 $_size__tile_overlayer_lowered;
	s7 =	simm.s32 $_tile_overlayer_lowered  }
0x9c: {  	s22 =	simm.s32 $0x1BFF;
	s21 =	sshll.u32 s7, $0x1;
	s4 =	sadd.s32 s5, s19  }
0x9d: {  	s8 =	simm.s32 $0x0;
	s20 =	sshll.u32 s6, $0x1;
	s6 =	sadd.s32 s21, s4  }
0x9e: {  	[timem:s8], [sflag:s22] =	dma.local [hbm:s6], s20  }
0x9f: {  	_ =	swait.ge [sflag:s22], s20  }
0xa0: {  	s5 =	ssub.s32 $0x0, s20;
	[sflag:s22] =	ssyncset.done $0x0  }
0xa1: {  	[sflag:s22] =	ssyncadd.s32 s5;
	_ =	sdelay $0x1  }
0xa2: {  	s23 =	simm.s32 $0x1B8B  }
0xa3: {  	_ =	swait.ge [sflag:s23], $0x1  }
0xa4: {  	[sflag:s23] =	ssyncset.done $0x0  }
0xa5: {  	s25 =	simm.s32 $0x1B8E;
	s24 =	sld [smem:$0x3FFE];
	[sflag:s23] =	ssyncadd.s32 $0xFFFFFFFF  }
0xa6: {  	s26 =	simm.s32 $execute0_lowered;
	[smem:$0x3FD2] =	sst s25  }
0xa7: {  	s6 =	sshll.u32 s26, $0x1;
	_ =	strace $0x80000046;
	[dreg:$0x1] =	wrdreg $0xFFFFFFFF  }
0xa8: {  	s28 =	simm.s32 $_size_execute0_lowered;
	s4 =	sadd.s32 s4, s6;
	[dreg:$0x0] =	wrdreg $0x0  }
0xa9: {  	s6 =	sshll.u32 s28, $0x1;
	[dreg:$0x2] =	wrdreg s4  }
0xaa: {  	[dreg:$0x3] =	wrdreg s6  }
0xab: {  	[dreg:$0x4] =	wrdreg $0xC0  }
0xac: {  	_ =	task [dreg:s8], $0x5FFFF  }
0xad: {  	[dreg:$0x1] =	wrdreg $0xFFFFFFFF  }
0xae: {  	[dreg:$0x0] =	wrdreg $0x60  }
0xaf: {  	[dreg:$0x2] =	wrdreg s18  }
0xb0: {  	[dreg:$0x3] =	wrdreg s2  }
0xb1: {  	[dreg:$0x4] =	wrdreg s24  }
0xb2: {  	[dreg:$0x5] =	wrdreg $0x9  }
0xb3: {  	_ =	task.clear_ibuf [dreg:s8], $0x6FFFF;
	_ =	strace $0x90000046  }
0xb4: {  	s29 =	simm.s32 $0x9;
	_ =	strace $0x80000048  }
0xb5: {  	_ =	swait.ge [sflag:s29], $0x1  }
0xb6: {  	[sflag:s29] =	ssyncadd.s32 $0xFFFFFFFF  }
0xb7: {  	_ =	strace $0x90000048  }
0xb8: {  	_ =	sfence  }
0xb9: {  	s30 =	sld [smem:$0x0];
	_ =	sdelay $0x2  }
0xba: {  	s31 =	sshll.u32 s1, $0xD;
	s1 =	sshrl.u32 s1, $0x2  }
0xbb: {  	s3 =	sand.u32 $0x4000, s31;
	s1 =	sadd.s32 s1, s30  }
0xbc: {  	s0 =	sor.u32 s3, s0;
	s1 =	sshll.u32 s1, $0x11  }
0xbd: {  	s0 =	sor.u32 s1, s0  }
0xbe: {  	s0 =	sadd.s32 $0x8F2B, s0  }
0xbf: {  	[sflag:s0] =	ssyncadd.remote.s32 $0x1  }
0xc0: {  	_ =	sfence.sel $0xFFFF  }
0xc1: {  	[dreg:$0x0] =	wrdreg $0xFFFFFFFF;
	(pc) =	sbr.abs _section_cstart, $3  }
0xc2: {  	[dreg:$0x1] =	wrdreg $0xFFFFFFFF  }
0xc3: {  	_ =	task.clear_ibuf [dreg:s8], $0x2FFFF;
	_ =	strace $0x9FFFFFFF  }
0xc4: {  	(tm) =	ssettm $0x7FFFFFFF  }
0xc5: {  	_ =	shalt  }
tec
execute0_lowered:
.L_overlay_start_1:
0x0: {  	(tag) =	ssettag $0x1  }
0x1: {  	s4 =	rddreg [dreg:$0x0]  }
0x2: {  	s2 =	rddreg [dreg:$0x1]  }
0x3: {  	s1 =	srdreg.scid;
	s0 =	stileid.u32  }
0x4: {  	s10 =	rddreg [dreg:$0x2];
	s29 =	sand.u32 $0x1, s1;
	s5 =	sshll.u32 s0, $0x1  }
0x5: {  	s3 =	simm.s32 $0x0;
	s1 =	rddreg [dreg:$0x3];
	s11 =	sor.u32 s29, s5  }
0x6: {  	[smem:$0x7FF] =	sst s3;
	s5 =	sshll.u32 s11, $0x8  }
0x7: {  	_ =	strace $0x80000047;
	s5 =	sadd.s32 s4, s5;
	s4 =	simm.s32 $0x3  }
0x8: {  	[tilespmem:s3], [sflag:$0x3] =	stream.linear.gather [hbm4b:s5+s3], $0x500, $0x38;
	[tilespmem:$0x8800] =	vst v63  }
0x9: {  	_ =	swait.ge [sflag:s4], $0x500  }
0xa: {  	[sflag:s4] =	ssyncset.done $0x0  }
0xb: {  	s6 =	simm.s32 $0x80;
	s7 =	simm.s32 $0x800;
	[sflag:s4] =	ssyncadd.s32 $0xFFFFFB00  }
0xc: {  	[tilespmem:s7], [sflag:$0x1] =	stream.indirect.gather [hbm4b:s2+s6], $0x80, s3, s6, $0xb8;
	[tilespmem:$0x8800] =	vst v63  }
0xd: {  	s8 =	simm.s32 $0x4800;
	s9 =	simm.s32 $0x1;
	s12 =	smul.u32 $0x28000, s11  }
0xe: {  	[tilespmem:s8], [sflag:$0x2] =	stream.indirect.gather [hbm4b:s2+s6], $0x80, s6, s6, $0xb8;
	[tilespmem:$0x8800] =	vst v63  }
0xf: {  	_ =	swait.ge [sflag:s9], $0x4000  }
0x10: {  	s13 =	sadd.s32 $0x2C00, s10;
	s31 =	sshrl.u32 s12, $0x3;
	[sflag:s9] =	ssyncset.done $0x0  }
0x11: {  	s10 =	sadd.s32 s13, s31;
	[sflag:s9] =	ssyncadd.s32 $0xFFFFC000  }
0x12: {  	[hbm4b:s10+s3] =	stream.linear.scatter [tilespmem:s7], [sflag:$0x3], $0x4000, $0x38;
	[tilespmem:$0x8800] =	vst v63  }
0x13: {  	_ =	swait.ge [sflag:s4], $0x4000  }
0x14: {  	s14 =	smul.u32 $0x5000, s11;
	[sflag:s4] =	ssyncset.done $0x0  }
0x15: {  	s11 =	simm.s32 $0x100;
	s12 =	simm.s32 $0x2;
	[sflag:s4] =	ssyncadd.s32 $0xFFFFC000  }
0x16: {  	[tilespmem:s7], [sflag:$0x1] =	stream.indirect.gather [hbm4b:s2+s6], $0x80, s11, s6, $0xb8;
	[tilespmem:$0x8800] =	vst v63  }
0x17: {  	_ =	swait.ge [sflag:s12], $0x4000  }
0x18: {  	s30 =	sadd.s32 s13, s14;
	[sflag:s12] =	ssyncset.done $0x0  }
0x19: {  	s13 =	sadd.s32 $0x800, s30;
	[sflag:s12] =	ssyncadd.s32 $0xFFFFC000  }
0x1a: {  	[hbm4b:s13+s3] =	stream.linear.scatter [tilespmem:s8], [sflag:$0x3], $0x4000, $0x38;
	[tilespmem:$0x8800] =	vst v63  }
0x1b: {  	_ =	swait.ge [sflag:s4], $0x4000  }
0x1c: {  	[sflag:s4] =	ssyncset.done $0x0  }
0x1d: {  	s14 =	simm.s32 $0x180;
	[sflag:s4] =	ssyncadd.s32 $0xFFFFC000  }
0x1e: {  	[tilespmem:s8], [sflag:$0x2] =	stream.indirect.gather [hbm4b:s2+s6], $0x80, s14, s6, $0xb8;
	[tilespmem:$0x8800] =	vst v63  }
0x1f: {  	_ =	swait.ge [sflag:s9], $0x4000  }
0x20: {  	[sflag:s9] =	ssyncset.done $0x0  }
0x21: {  	s15 =	sadd.s32 $0x1000, s10;
	[sflag:s9] =	ssyncadd.s32 $0xFFFFC000  }
0x22: {  	[hbm4b:s15+s3] =	stream.linear.scatter [tilespmem:s7], [sflag:$0x3], $0x4000, $0x38;
	[tilespmem:$0x8800] =	vst v63  }
0x23: {  	_ =	swait.ge [sflag:s4], $0x4000  }
0x24: {  	[sflag:s4] =	ssyncset.done $0x0  }
0x25: {  	s16 =	simm.s32 $0x200;
	[sflag:s4] =	ssyncadd.s32 $0xFFFFC000  }
0x26: {  	[tilespmem:s7], [sflag:$0x1] =	stream.indirect.gather [hbm4b:s2+s6], $0x80, s16, s6, $0xb8;
	[tilespmem:$0x8800] =	vst v63  }
0x27: {  	_ =	swait.ge [sflag:s12], $0x4000  }
0x28: {  	[sflag:s12] =	ssyncset.done $0x0  }
0x29: {  	s17 =	sadd.s32 $0x1800, s30;
	[sflag:s12] =	ssyncadd.s32 $0xFFFFC000  }
0x2a: {  	[hbm4b:s17+s3] =	stream.linear.scatter [tilespmem:s8], [sflag:$0x3], $0x4000, $0x38;
	[tilespmem:$0x8800] =	vst v63  }
0x2b: {  	_ =	swait.ge [sflag:s4], $0x4000  }
0x2c: {  	[sflag:s4] =	ssyncset.done $0x0  }
0x2d: {  	s18 =	simm.s32 $0x280;
	[sflag:s4] =	ssyncadd.s32 $0xFFFFC000  }
0x2e: {  	[tilespmem:s8], [sflag:$0x2] =	stream.indirect.gather [hbm4b:s2+s6], $0x80, s18, s6, $0xb8;
	[tilespmem:$0x8800] =	vst v63  }
0x2f: {  	_ =	swait.ge [sflag:s9], $0x4000  }
0x30: {  	[sflag:s9] =	ssyncset.done $0x0  }
0x31: {  	s19 =	sadd.s32 $0x2000, s10;
	[sflag:s9] =	ssyncadd.s32 $0xFFFFC000  }
0x32: {  	[hbm4b:s19+s3] =	stream.linear.scatter [tilespmem:s7], [sflag:$0x3], $0x4000, $0x38;
	[tilespmem:$0x8800] =	vst v63  }
0x33: {  	_ =	swait.ge [sflag:s4], $0x4000  }
0x34: {  	[sflag:s4] =	ssyncset.done $0x0  }
0x35: {  	s20 =	simm.s32 $0x300;
	[sflag:s4] =	ssyncadd.s32 $0xFFFFC000  }
0x36: {  	[tilespmem:s7], [sflag:$0x1] =	stream.indirect.gather [hbm4b:s2+s6], $0x80, s20, s6, $0xb8;
	[tilespmem:$0x8800] =	vst v63  }
0x37: {  	_ =	swait.ge [sflag:s12], $0x4000  }
0x38: {  	[sflag:s12] =	ssyncset.done $0x0  }
0x39: {  	s21 =	sadd.s32 $0x2800, s30;
	[sflag:s12] =	ssyncadd.s32 $0xFFFFC000  }
0x3a: {  	[hbm4b:s21+s3] =	stream.linear.scatter [tilespmem:s8], [sflag:$0x3], $0x4000, $0x38;
	[tilespmem:$0x8800] =	vst v63  }
0x3b: {  	_ =	swait.ge [sflag:s4], $0x4000  }
0x3c: {  	[sflag:s4] =	ssyncset.done $0x0  }
0x3d: {  	s22 =	simm.s32 $0x380;
	[sflag:s4] =	ssyncadd.s32 $0xFFFFC000  }
0x3e: {  	[tilespmem:s8], [sflag:$0x2] =	stream.indirect.gather [hbm4b:s2+s6], $0x80, s22, s6, $0xb8;
	[tilespmem:$0x8800] =	vst v63  }
0x3f: {  	_ =	swait.ge [sflag:s9], $0x4000  }
0x40: {  	[sflag:s9] =	ssyncset.done $0x0  }
0x41: {  	s23 =	sadd.s32 $0x3000, s10;
	[sflag:s9] =	ssyncadd.s32 $0xFFFFC000  }
0x42: {  	[hbm4b:s23+s3] =	stream.linear.scatter [tilespmem:s7], [sflag:$0x3], $0x4000, $0x38;
	[tilespmem:$0x8800] =	vst v63  }
0x43: {  	_ =	swait.ge [sflag:s4], $0x4000  }
0x44: {  	[sflag:s4] =	ssyncset.done $0x0  }
0x45: {  	s24 =	simm.s32 $0x400;
	[sflag:s4] =	ssyncadd.s32 $0xFFFFC000  }
0x46: {  	[tilespmem:s7], [sflag:$0x1] =	stream.indirect.gather [hbm4b:s2+s6], $0x80, s24, s6, $0xb8;
	[tilespmem:$0x8800] =	vst v63  }
0x47: {  	_ =	swait.ge [sflag:s12], $0x4000  }
0x48: {  	[sflag:s12] =	ssyncset.done $0x0  }
0x49: {  	s25 =	sadd.s32 $0x3800, s30;
	[sflag:s12] =	ssyncadd.s32 $0xFFFFC000  }
0x4a: {  	[hbm4b:s25+s3] =	stream.linear.scatter [tilespmem:s8], [sflag:$0x3], $0x4000, $0x38;
	[tilespmem:$0x8800] =	vst v63  }
0x4b: {  	_ =	swait.ge [sflag:s4], $0x4000  }
0x4c: {  	[sflag:s4] =	ssyncset.done $0x0  }
0x4d: {  	s26 =	simm.s32 $0x480;
	[sflag:s4] =	ssyncadd.s32 $0xFFFFC000  }
0x4e: {  	[tilespmem:s8], [sflag:$0x2] =	stream.indirect.gather [hbm4b:s2+s6], $0x80, s26, s6, $0xb8;
	[tilespmem:$0x8800] =	vst v63  }
0x4f: {  	_ =	swait.ge [sflag:s9], $0x4000  }
0x50: {  	[sflag:s9] =	ssyncset.done $0x0  }
0x51: {  	s29 =	ssub.s32 $0x2, s29;
	s28 =	sadd.s32 $0x4000, s10;
	[sflag:s9] =	ssyncadd.s32 $0xFFFFC000  }
0x52: {  	[hbm4b:s28+s3] =	stream.linear.scatter [tilespmem:s7], [sflag:$0x3], $0x4000, $0x38;
	[tilespmem:$0x8800] =	vst v63  }
0x53: {  	s31 =	sshrl.u32 s29, $0x1;
	_ =	swait.ge [sflag:s4], $0x4000  }
0x54: {  	s29 =	ssub.s32 s29, s31;
	[sflag:s4] =	ssyncset.done $0x0  }
0x55: {  	s31 =	smax.u32 s29, $0x1;
	[sflag:s4] =	ssyncadd.s32 $0xFFFFC000  }
0x56: {  	p0 =	sne.s32 s31, $0x1;
	_ =	swait.ge [sflag:s12], $0x4000  }
.Ltmp0:
0x57: {  	[sflag:s12] =	ssyncset.done $0x0;
	(pc) =	sbr.rel @!p0 .LBB2_2-.Ltmp0, $4  }
0x58: {  	s29 =	sadd.s32 $0x4800, s30;
	[sflag:s12] =	ssyncadd.s32 $0xFFFFC000  }
0x59: {  	[hbm4b:s29+s3] =	stream.linear.scatter [tilespmem:s8], [sflag:$0x3], $0x4000, $0x38;
	[tilespmem:$0x8800] =	vst v63  }
0x5a: {  	_ =	swait.ge [sflag:s4], $0x4000  }
0x5b: {  	s30 =	sadd.s32 $0xFFFFFFFF, s31;
	[sflag:s4] =	ssyncset.done $0x0  }
.LBB2_1:
0x5c: {  	p0 =	sne.s32 s30, $0x1;
	s30 =	sadd.s32 $0xFFFFFFFF, s30;
	[sflag:s4] =	ssyncadd.s32 $0xFFFFC000  }
0x5d: {  	[tilespmem:s3], [sflag:$0x3] =	stream.linear.gather [hbm4b:s5+s3], $0x500, $0x38;
	[tilespmem:$0x8800] =	vst v63  }
0x5e: {  	_ =	swait.ge [sflag:s4], $0x500  }
0x5f: {  	[sflag:s4] =	ssyncset.done $0x0  }
0x60: {  	[sflag:s4] =	ssyncadd.s32 $0xFFFFFB00  }
0x61: {  	[tilespmem:s7], [sflag:$0x1] =	stream.indirect.gather [hbm4b:s2+s6], $0x80, s3, s6, $0xb8;
	[tilespmem:$0x8800] =	vst v63  }
0x62: {  	_ = 	snop  }
0x63: {  	[tilespmem:s8], [sflag:$0x2] =	stream.indirect.gather [hbm4b:s2+s6], $0x80, s6, s6, $0xb8;
	[tilespmem:$0x8800] =	vst v63  }
0x64: {  	_ =	swait.ge [sflag:s9], $0x4000  }
0x65: {  	[sflag:s9] =	ssyncset.done $0x0  }
0x66: {  	[sflag:s9] =	ssyncadd.s32 $0xFFFFC000  }
0x67: {  	[hbm4b:s10+s3] =	stream.linear.scatter [tilespmem:s7], [sflag:$0x3], $0x4000, $0x38;
	[tilespmem:$0x8800] =	vst v63  }
0x68: {  	_ =	swait.ge [sflag:s4], $0x4000  }
0x69: {  	[sflag:s4] =	ssyncset.done $0x0  }
0x6a: {  	[sflag:s4] =	ssyncadd.s32 $0xFFFFC000  }
0x6b: {  	[tilespmem:s7], [sflag:$0x1] =	stream.indirect.gather [hbm4b:s2+s6], $0x80, s11, s6, $0xb8;
	[tilespmem:$0x8800] =	vst v63  }
0x6c: {  	_ =	swait.ge [sflag:s12], $0x4000  }
0x6d: {  	[sflag:s12] =	ssyncset.done $0x0  }
0x6e: {  	[sflag:s12] =	ssyncadd.s32 $0xFFFFC000  }
0x6f: {  	[hbm4b:s13+s3] =	stream.linear.scatter [tilespmem:s8], [sflag:$0x3], $0x4000, $0x38;
	[tilespmem:$0x8800] =	vst v63  }
0x70: {  	_ =	swait.ge [sflag:s4], $0x4000  }
0x71: {  	[sflag:s4] =	ssyncset.done $0x0  }
0x72: {  	[sflag:s4] =	ssyncadd.s32 $0xFFFFC000  }
0x73: {  	[tilespmem:s8], [sflag:$0x2] =	stream.indirect.gather [hbm4b:s2+s6], $0x80, s14, s6, $0xb8;
	[tilespmem:$0x8800] =	vst v63  }
0x74: {  	_ =	swait.ge [sflag:s9], $0x4000  }
0x75: {  	[sflag:s9] =	ssyncset.done $0x0  }
0x76: {  	[sflag:s9] =	ssyncadd.s32 $0xFFFFC000  }
0x77: {  	[hbm4b:s15+s3] =	stream.linear.scatter [tilespmem:s7], [sflag:$0x3], $0x4000, $0x38;
	[tilespmem:$0x8800] =	vst v63  }
0x78: {  	_ =	swait.ge [sflag:s4], $0x4000  }
0x79: {  	[sflag:s4] =	ssyncset.done $0x0  }
0x7a: {  	[sflag:s4] =	ssyncadd.s32 $0xFFFFC000  }
0x7b: {  	[tilespmem:s7], [sflag:$0x1] =	stream.indirect.gather [hbm4b:s2+s6], $0x80, s16, s6, $0xb8;
	[tilespmem:$0x8800] =	vst v63  }
0x7c: {  	_ =	swait.ge [sflag:s12], $0x4000  }
0x7d: {  	[sflag:s12] =	ssyncset.done $0x0  }
0x7e: {  	[sflag:s12] =	ssyncadd.s32 $0xFFFFC000  }
0x7f: {  	[hbm4b:s17+s3] =	stream.linear.scatter [tilespmem:s8], [sflag:$0x3], $0x4000, $0x38;
	[tilespmem:$0x8800] =	vst v63  }
0x80: {  	_ =	swait.ge [sflag:s4], $0x4000  }
0x81: {  	[sflag:s4] =	ssyncset.done $0x0  }
0x82: {  	[sflag:s4] =	ssyncadd.s32 $0xFFFFC000  }
0x83: {  	[tilespmem:s8], [sflag:$0x2] =	stream.indirect.gather [hbm4b:s2+s6], $0x80, s18, s6, $0xb8;
	[tilespmem:$0x8800] =	vst v63  }
0x84: {  	_ =	swait.ge [sflag:s9], $0x4000  }
0x85: {  	[sflag:s9] =	ssyncset.done $0x0  }
0x86: {  	[sflag:s9] =	ssyncadd.s32 $0xFFFFC000  }
0x87: {  	[hbm4b:s19+s3] =	stream.linear.scatter [tilespmem:s7], [sflag:$0x3], $0x4000, $0x38;
	[tilespmem:$0x8800] =	vst v63  }
0x88: {  	_ =	swait.ge [sflag:s4], $0x4000  }
0x89: {  	[sflag:s4] =	ssyncset.done $0x0  }
0x8a: {  	[sflag:s4] =	ssyncadd.s32 $0xFFFFC000  }
0x8b: {  	[tilespmem:s7], [sflag:$0x1] =	stream.indirect.gather [hbm4b:s2+s6], $0x80, s20, s6, $0xb8;
	[tilespmem:$0x8800] =	vst v63  }
0x8c: {  	_ =	swait.ge [sflag:s12], $0x4000  }
0x8d: {  	[sflag:s12] =	ssyncset.done $0x0  }
0x8e: {  	[sflag:s12] =	ssyncadd.s32 $0xFFFFC000  }
0x8f: {  	[hbm4b:s21+s3] =	stream.linear.scatter [tilespmem:s8], [sflag:$0x3], $0x4000, $0x38;
	[tilespmem:$0x8800] =	vst v63  }
0x90: {  	_ =	swait.ge [sflag:s4], $0x4000  }
0x91: {  	[sflag:s4] =	ssyncset.done $0x0  }
0x92: {  	[sflag:s4] =	ssyncadd.s32 $0xFFFFC000  }
0x93: {  	[tilespmem:s8], [sflag:$0x2] =	stream.indirect.gather [hbm4b:s2+s6], $0x80, s22, s6, $0xb8;
	[tilespmem:$0x8800] =	vst v63  }
0x94: {  	_ =	swait.ge [sflag:s9], $0x4000  }
0x95: {  	[sflag:s9] =	ssyncset.done $0x0  }
0x96: {  	[sflag:s9] =	ssyncadd.s32 $0xFFFFC000  }
0x97: {  	[hbm4b:s23+s3] =	stream.linear.scatter [tilespmem:s7], [sflag:$0x3], $0x4000, $0x38;
	[tilespmem:$0x8800] =	vst v63  }
0x98: {  	_ =	swait.ge [sflag:s4], $0x4000  }
0x99: {  	[sflag:s4] =	ssyncset.done $0x0  }
0x9a: {  	[sflag:s4] =	ssyncadd.s32 $0xFFFFC000  }
0x9b: {  	[tilespmem:s7], [sflag:$0x1] =	stream.indirect.gather [hbm4b:s2+s6], $0x80, s24, s6, $0xb8;
	[tilespmem:$0x8800] =	vst v63  }
0x9c: {  	_ =	swait.ge [sflag:s12], $0x4000  }
0x9d: {  	[sflag:s12] =	ssyncset.done $0x0  }
0x9e: {  	[sflag:s12] =	ssyncadd.s32 $0xFFFFC000  }
0x9f: {  	[hbm4b:s25+s3] =	stream.linear.scatter [tilespmem:s8], [sflag:$0x3], $0x4000, $0x38;
	[tilespmem:$0x8800] =	vst v63  }
0xa0: {  	_ =	swait.ge [sflag:s4], $0x4000  }
0xa1: {  	[sflag:s4] =	ssyncset.done $0x0  }
0xa2: {  	[sflag:s4] =	ssyncadd.s32 $0xFFFFC000  }
0xa3: {  	[tilespmem:s8], [sflag:$0x2] =	stream.indirect.gather [hbm4b:s2+s6], $0x80, s26, s6, $0xb8;
	[tilespmem:$0x8800] =	vst v63  }
0xa4: {  	_ =	swait.ge [sflag:s9], $0x4000  }
0xa5: {  	[sflag:s9] =	ssyncset.done $0x0  }
0xa6: {  	[sflag:s9] =	ssyncadd.s32 $0xFFFFC000  }
0xa7: {  	[hbm4b:s28+s3] =	stream.linear.scatter [tilespmem:s7], [sflag:$0x3], $0x4000, $0x38;
	[tilespmem:$0x8800] =	vst v63  }
0xa8: {  	_ =	swait.ge [sflag:s4], $0x4000  }
0xa9: {  	[sflag:s4] =	ssyncset.done $0x0  }
0xaa: {  	[sflag:s4] =	ssyncadd.s32 $0xFFFFC000  }
0xab: {  	_ =	swait.ge [sflag:s12], $0x4000  }
.Ltmp1:
0xac: {  	[sflag:s12] =	ssyncset.done $0x0;
	(pc) =	sbr.rel @p0 .LBB2_1-.Ltmp1, $4  }
0xad: {  	[sflag:s12] =	ssyncadd.s32 $0xFFFFC000  }
0xae: {  	[hbm4b:s29+s3] =	stream.linear.scatter [tilespmem:s8], [sflag:$0x3], $0x4000, $0x38;
	[tilespmem:$0x8800] =	vst v63  }
0xaf: {  	_ =	swait.ge [sflag:s4], $0x4000  }
0xb0: {  	[sflag:s4] =	ssyncset.done $0x0  }
.LBB2_2:
0xb1: {  	[sflag:s4] =	ssyncadd.s32 $0xFFFFC000  }
0xb2: {  	_ =	sfence.sel $0x180000  }
0xb3: {  	[bflag:$0x0] =	sbarrier.arrive $0xFFFF  }
0xb4: {  	p0 =	sne.s32 s0, $0x0;
	_ =	strace $0x90000047  }
0xb5: {  	s0 =	sadd.s32 @!p0 $0x100000, s1;
	[bflag:$0x2] =	sbarrier.arrive $0xFFFF  }
0xb6: {  	[sflag:s0] =	ssyncadd.tile.s32 @!p0 $0x1;
	_ =	shalt  }
.Lfunc_end2:
_tile_overlayer_lowered:
.L_overlay_start_2:
0xb7: {  	(tag) =	ssettag $0x2  }
0xb8: {  	s0 =	rddreg [dreg:$0x0];
	s2 =	stileid.u32  }
0xb9: {  	s1 =	rddreg [dreg:$0x1];
	p0 =	sne.s32 s2, $0x0  }
0xba: {  	s3 =	rddreg [dreg:$0x2];
	[bflag:$0x3] =	sbarrier.arrive $0xFFFF;
	s2 =	simm.s32 @!p0 $0x1C03  }
0xbb: {  	[timem:s3], [sflag:s2] =	dma.local @!p0 [hbm:s0], s1  }
0xbc: {  	s0 =	simm.s32 @!p0 $0x3  }
0xbd: {  	_ =	swait.ge @!p0 [sflag:s0], s1  }
0xbe: {  	s1 =	ssub.s32 @!p0 $0x0, s1;
	[sflag:s0] =	ssyncset.done @!p0 $0x0  }
0xbf: {  	[sflag:s0] =	ssyncadd.s32 @!p0 s1  }
0xc0: {  	[bflag:$0x3] =	sbarrier.arrive $0xFFFF  }
0xc1: {  	_ =	shalt  }

// kernel: kernel.15.cloned.1.call-start
scs
__scs_entry_jumppad:
0x0: {  	(pc) =	sbr.rel $0x88, $3  }
0x1: {  	(tag) =	ssettag $0x0;
	lr =	simm.s32 $0x1  }
0x2: {  	[smem:$0x3F97] =	sst lr;
	_ =	strace $0xD0000000  }
0x3: {  	_ = 	snop  }
0x4: {  	_ = 	snop  }
0x5: {  	_ = 	snop  }
0x6: {  	_ = 	snop  }
0x7: {  	_ = 	snop  }
__scs_overlays_trampoline_lowered:
0x8: {  	[smem:$0x3FA6] =	sst s0  }
0x9: {  	[smem:$0x3FA7] =	sst s1  }
0xa: {  	[smem:$0x3FA8] =	sst s2  }
0xb: {  	[smem:$0x3FA9] =	sst s3  }
0xc: {  	[smem:$0x3FAA] =	sst s4  }
0xd: {  	[smem:$0x3FAB] =	sst s5  }
0xe: {  	[smem:$0x3FAC] =	sst s6  }
0xf: {  	[smem:$0x3FAD] =	sst s7  }
0x10: {  	[smem:$0x3FAE] =	sst s8  }
0x11: {  	[smem:$0x3FAF] =	sst s9;
	s0 =	simm.s32 @!p0 $0x0  }
0x12: {  	s1 =	sld [smem:$0x3F95];
	s0 =	simm.s32 @p0 $0x1  }
0x13: {  	[smem:$0x3FB0] =	sst s0;
	s0 =	simm.s32 @!p1 $0x0  }
0x14: {  	s2 =	sld [smem:$0x3F94];
	s0 =	simm.s32 @p1 $0x1  }
0x15: {  	[smem:$0x3FB1] =	sst s0;
	s0 =	simm.s32 @!p2 $0x0  }
0x16: {  	s3 =	sld [smem:$0x3FDB];
	s0 =	simm.s32 @p2 $0x1  }
0x17: {  	s4 =	simm.s32 $0x1BF5;
	[smem:$0x3FB3] =	sst s0  }
0x18: {  	s0 =	sld [smem:$0x3F96];
	_ =	swait.ge [sflag:s4], $0x0  }
0x19: {  	s7 =	sld [smem:$0x3F97]  }
0x1a: {  	s8 =	sadd.s32 $0xFFFFE003, lr  }
0x1b: {  	s9 =	sadd.s32 $0xFFFFFEF7, lr;
	s5 =	simm.s32 $0xFFFFFFFF;
	p2 =	slt.u32 s8, $0xFFFFF086  }
0x1c: {  	p1 =	slt.u32 s9, $0xF7A;
	s5 =	simm.s32 @!p2 $0x0  }
0x1d: {  	s5 =	simm.s32 @p1 $0x1;
	p0 =	seq.s32 s7, s2  }
0x1e: {  	s7 =	smul.u32 @!p0 $0xF7A, s2;
	p2 =	seq.s32 @!p0 s5, $0x0  }
0x1f: {  	s9 =	smul.u32 $0xF7A, s1;
	s8 =	simm.s32 @!p0 $0x1BF5;
	p2 =	por !p2, p0  }
0x20: {  	[sflag:s8] =	ssyncset.s32 @!p0 $0xFFFFF086;
	s6 =	sadd.s32 @!p0 s3, s7;
	s7 =	simm.s32 @!p0 $0x108  }
0x21: {  	s3 =	sadd.s32 s3, s9;
	s6 =	sadd.s32 @!p0 $0x88, s6;
	s7 =	simm.s32 @p2 $0x1082  }
0x22: {  	[simem:s7], [sflag:s8] =	dma.local @!p0 [hbm:s6], $0xF7A  }
0x23: {  	s9 =	sor.u32 $0xD0000000, s2;
	s6 =	simm.s32 $0x108;
	_ =	swait.ge @!p0 [sflag:s8], $0x0  }
0x24: {  	s3 =	sadd.s32 $0x88, s3;
	s6 =	simm.s32 @!p1 $0x1082;
	[sflag:s4] =	ssyncset.s32 $0xFFFFF086  }
0x25: {  	[simem:s6], [sflag:s4] =	dma.local [hbm:s3], $0xF7A  }
0x26: {  	[smem:$0x3F97] =	sst s1;
	(tag) =	ssettag s2;
	_ =	strace s9  }
0x27: {  	s1 =	sld [smem:$0x3FA7]  }
0x28: {  	s2 =	sld [smem:$0x3FA8]  }
0x29: {  	s4 =	sld [smem:$0x3FAA]  }
0x2a: {  	p0 =	seq.s32 s5, $0x0;
	s5 =	sld [smem:$0x3FAB]  }
0x2b: {  	s6 =	sld [smem:$0x3FAC]  }
0x2c: {  	s7 =	sld [smem:$0x3FAD]  }
0x2d: {  	s3 =	simm.s32 $0x108;
	s8 =	sld [smem:$0x3FAE]  }
0x2e: {  	s3 =	simm.s32 @!p0 $0x1082;
	s9 =	sld [smem:$0x3FAF]  }
0x2f: {  	lr =	sadd.s32 s0, s3;
	s0 =	sld [smem:$0x3FA6]  }
0x30: {  	s3 =	sld [smem:$0x3FA9]  }
0x31: {  	[smem:$0x3FB2] =	sst s10  }
0x32: {  	s10 =	sld [smem:$0x3FB0];
	_ =	sdelay $0x3  }
0x33: {  	p0 =	seq.s32 s10, $0x1;
	s10 =	sld [smem:$0x3FB2];
	_ =	sdelay $0x3  }
0x34: {  	[smem:$0x3FB2] =	sst s10  }
0x35: {  	s10 =	sld [smem:$0x3FB1];
	_ =	sdelay $0x3  }
0x36: {  	p1 =	seq.s32 s10, $0x1;
	s10 =	sld [smem:$0x3FB2];
	_ =	sdelay $0x3  }
0x37: {  	[smem:$0x3FB2] =	sst s10  }
0x38: {  	s10 =	sld [smem:$0x3FB3]  }
0x39: {  	_ = 	snop;
	(pc) =	sbr.ind lr, $3  }
0x3a: {  	_ = 	snop  }
0x3b: {  	_ = 	snop  }
0x3c: {  	p2 =	seq.s32 s10, $0x1;
	s10 =	sld [smem:$0x3FB2]  }
0x3d: {  	_ =	shalt  }
0x3e: {  	_ =	shalt  }
0x3f: {  	_ =	shalt  }
0x40: {  	_ =	shalt  }
0x41: {  	_ =	shalt  }
0x42: {  	_ =	shalt  }
0x43: {  	_ =	shalt  }
0x44: {  	_ =	shalt  }
0x45: {  	_ =	shalt  }
0x46: {  	_ =	shalt  }
0x47: {  	_ =	shalt  }
0x48: {  	_ =	shalt  }
0x49: {  	_ =	shalt  }
0x4a: {  	_ =	shalt  }
0x4b: {  	_ =	shalt  }
0x4c: {  	_ =	shalt  }
0x4d: {  	_ =	shalt  }
0x4e: {  	_ =	shalt  }
0x4f: {  	_ =	shalt  }
0x50: {  	_ =	shalt  }
0x51: {  	_ =	shalt  }
0x52: {  	_ =	shalt  }
0x53: {  	_ =	shalt  }
0x54: {  	_ =	shalt  }
0x55: {  	_ =	shalt  }
0x56: {  	_ =	shalt  }
0x57: {  	_ =	shalt  }
0x58: {  	_ =	shalt  }
0x59: {  	_ =	shalt  }
0x5a: {  	_ =	shalt  }
0x5b: {  	_ =	shalt  }
0x5c: {  	_ =	shalt  }
0x5d: {  	_ =	shalt  }
0x5e: {  	_ =	shalt  }
0x5f: {  	_ =	shalt  }
0x60: {  	_ =	shalt  }
0x61: {  	_ =	shalt  }
0x62: {  	_ =	shalt  }
0x63: {  	_ =	shalt  }
0x64: {  	_ =	shalt  }
0x65: {  	_ =	shalt  }
0x66: {  	_ =	shalt  }
0x67: {  	_ =	shalt  }
0x68: {  	_ =	shalt  }
0x69: {  	_ =	shalt  }
0x6a: {  	_ =	shalt  }
0x6b: {  	_ =	shalt  }
0x6c: {  	_ =	shalt  }
0x6d: {  	_ =	shalt  }
0x6e: {  	_ =	shalt  }
0x6f: {  	_ =	shalt  }
0x70: {  	_ =	shalt  }
0x71: {  	_ =	shalt  }
0x72: {  	_ =	shalt  }
0x73: {  	_ =	shalt  }
0x74: {  	_ =	shalt  }
0x75: {  	_ =	shalt  }
0x76: {  	_ =	shalt  }
0x77: {  	_ =	shalt  }
0x78: {  	_ =	shalt  }
0x79: {  	_ =	shalt  }
0x7a: {  	_ =	shalt  }
0x7b: {  	_ =	shalt  }
0x7c: {  	_ =	shalt  }
0x7d: {  	_ =	shalt  }
0x7e: {  	_ =	shalt  }
0x7f: {  	_ =	shalt  }
0x80: {  	_ =	shalt  }
0x81: {  	_ =	shalt  }
0x82: {  	_ =	shalt  }
0x83: {  	_ =	shalt  }
0x84: {  	_ =	shalt  }
0x85: {  	_ =	shalt  }
0x86: {  	_ =	shalt  }
0x87: {  	_ =	shalt  }
.Lfunc_end0:
.L_simem_size_0:
called_computation.1_lowered:
.L_overlay_start_0:
0x88: {  	s2 =	sld [smem:$0x3FD9]  }
0x89: {  	s3 =	sld [smem:$0x3FFE];
	_ =	sdelay $0x1  }
0x8a: {  	s1 =	srdreg.scid  }
0x8b: {  	s0 =	sand.u32 $0x1, s1  }
0x8c: {  	s17 =	sshll.u32 s0, $0xA;
	s2 =	sadd.s32 s3, s2  }
0x8d: {  	s2 =	sadd.s32 s2, s17  }
0x8e: {  	[smem:$0x3FBE] =	sst s2  }
0x8f: {  	_ = 	snop  }
0x90: {  	s18 =	sld [smem:$0x3FC6];
	(tm) =	ssettm $0x1  }
0x91: {  	s19 =	sld [smem:$0x3FFB];
	_ =	sdelay $0x3  }
0x92: {  	_ =	strace s19  }
0x93: {  	s2 =	sld [smem:$0x3FFC];
	_ =	sdelay $0x3  }
0x94: {  	_ =	strace s2  }
0x95: {  	s2 =	sld [smem:$0x3FFD];
	_ =	sdelay $0x3  }
0x96: {  	_ =	strace s2  }
0x97: {  	_ =	strace $0x8FFFFFFF  }
0x98: {  	s20 =	sld [smem:$0x3FDB];
	_ =	sdelay $0x1  }
0x99: {  	s4 =	simm.s32 $_scs_section_size  }
0x9a: {  	s5 =	simm.s32 $_size__tile_overlayer_lowered;
	s6 =	simm.s32 $_tile_overlayer_lowered  }
0x9b: {  	s7 =	simm.s32 $0x1BFF;
	s21 =	sshll.u32 s6, $0x1;
	s4 =	sadd.s32 s4, s20  }
0x9c: {  	s22 =	simm.s32 $0x0;
	s5 =	sshll.u32 s5, $0x1;
	s6 =	sadd.s32 s21, s4  }
0x9d: {  	[timem:s22], [sflag:s7] =	dma.local [hbm:s6], s5  }
0x9e: {  	_ =	swait.ge [sflag:s7], s5  }
0x9f: {  	s5 =	ssub.s32 $0x0, s5;
	[sflag:s7] =	ssyncset.done $0x0  }
0xa0: {  	[sflag:s7] =	ssyncadd.s32 s5;
	_ =	sdelay $0x1  }
0xa1: {  	s23 =	simm.s32 $0x1B8B  }
0xa2: {  	_ =	swait.ge [sflag:s23], $0x1  }
0xa3: {  	[sflag:s23] =	ssyncset.done $0x0  }
0xa4: {  	[sflag:s23] =	ssyncadd.s32 $0xFFFFFFFF  }
0xa5: {  	s5 =	sld [smem:$0x0]  }
0xa6: {  	s6 =	sand.u32 $0xFFFFFFFE, s1  }
0xa7: {  	p0 =	sne.s32 s1, s6  }
0xa8: {  	s6 =	sshll.u32 @p0 s6, $0xE  }
0xa9: {  	s6 =	sadd.s32 @p0 $0x11B8D, s6;
	s7 =	sshll.u32 @p0 s5, $0x11  }
0xaa: {  	s6 =	sor.u32 @p0 s7, s6  }
0xab: {  	[sflag:s6] =	ssyncadd.remote.s32 @p0 $0x1;
	_ =	sdelay $0x1  }
0xac: {  	s6 =	simm.s32 @p0 $0x1B8D  }
0xad: {  	_ =	swait.eq @p0 [sflag:s6], $0x1  }
0xae: {  	[sflag:s6] =	ssyncadd.s32 @p0 $0xFFFFFFFF  }
0xaf: {  	s7 =	sshll.u32 @!p0 s1, $0xE  }
0xb0: {  	s7 =	sor.u32 @!p0 $0x4000, s7;
	s6 =	simm.s32 @!p0 $0x1B8D  }
0xb1: {  	s5 =	sshll.u32 @!p0 s5, $0x11;
	s7 =	sadd.s32 @!p0 $0x11B8D, s7;
	_ =	swait.eq @!p0 [sflag:s6], $0x1  }
0xb2: {  	s5 =	sor.u32 @!p0 s5, s7;
	[sflag:s6] =	ssyncadd.s32 @!p0 $0xFFFFFFFF  }
0xb3: {  	s25 =	simm.s32 $0x1B8E;
	s24 =	sld [smem:$0x3FFE];
	[sflag:s5] =	ssyncadd.remote.s32 @!p0 $0x1  }
0xb4: {  	s26 =	simm.s32 $execute0_lowered;
	[smem:$0x3FD2] =	sst s25  }
0xb5: {  	s6 =	sshll.u32 s26, $0x1;
	_ =	strace $0x80000049;
	[dreg:$0x1] =	wrdreg $0xFFFFFFFF  }
0xb6: {  	s28 =	simm.s32 $_size_execute0_lowered;
	s4 =	sadd.s32 s4, s6;
	[dreg:$0x0] =	wrdreg $0x0  }
0xb7: {  	s6 =	sshll.u32 s28, $0x1;
	[dreg:$0x2] =	wrdreg s4  }
0xb8: {  	[dreg:$0x3] =	wrdreg s6  }
0xb9: {  	[dreg:$0x4] =	wrdreg $0xC0  }
0xba: {  	_ =	task [dreg:s22], $0x5FFFF  }
0xbb: {  	[dreg:$0x1] =	wrdreg $0xFFFFFFFF  }
0xbc: {  	[dreg:$0x0] =	wrdreg $0x60  }
0xbd: {  	[dreg:$0x2] =	wrdreg s24  }
0xbe: {  	[dreg:$0x3] =	wrdreg s18  }
0xbf: {  	[dreg:$0x4] =	wrdreg $0xA  }
0xc0: {  	_ =	task.clear_ibuf [dreg:s22], $0x5FFFF;
	_ =	strace $0x90000049  }
0xc1: {  	s29 =	simm.s32 $0xA;
	_ =	strace $0x8000004B  }
0xc2: {  	_ =	swait.ge [sflag:s29], $0x1  }
0xc3: {  	[sflag:s29] =	ssyncadd.s32 $0xFFFFFFFF  }
0xc4: {  	_ =	strace $0x9000004B  }
0xc5: {  	_ =	sfence  }
0xc6: {  	s30 =	sld [smem:$0x0];
	_ =	sdelay $0x2  }
0xc7: {  	s31 =	sshll.u32 s1, $0xD;
	s1 =	sshrl.u32 s1, $0x2  }
0xc8: {  	s4 =	sand.u32 $0x4000, s31;
	s1 =	sadd.s32 s1, s30  }
0xc9: {  	s0 =	sor.u32 s4, s0;
	s1 =	sshll.u32 s1, $0x11  }
0xca: {  	s0 =	sor.u32 s1, s0  }
0xcb: {  	s0 =	sadd.s32 $0x8F2B, s0  }
0xcc: {  	[sflag:s0] =	ssyncadd.remote.s32 $0x1  }
0xcd: {  	_ =	sfence.sel $0xFFFF  }
0xce: {  	[dreg:$0x0] =	wrdreg $0xFFFFFFFF;
	(pc) =	sbr.abs _section_cstart, $3  }
0xcf: {  	[dreg:$0x1] =	wrdreg $0xFFFFFFFF  }
0xd0: {  	_ =	task.clear_ibuf [dreg:s22], $0x2FFFF;
	_ =	strace $0x9FFFFFFF  }
0xd1: {  	(tm) =	ssettm $0x7FFFFFFF  }
tec
execute0_lowered:
.L_overlay_start_1:
0x0: {  	(tag) =	ssettag $0x1  }
0x1: {  	s1 =	srdreg.scid;
	s0 =	stileid.u32  }
0x2: {  	s10 =	rddreg [dreg:$0x0];
	s29 =	sand.u32 $0x1, s1;
	s26 =	sshll.u32 s0, $0x1  }
0x3: {  	s2 =	rddreg [dreg:$0x1];
	s11 =	sor.u32 s29, s26  }
0x4: {  	s3 =	simm.s32 $0x0;
	s1 =	rddreg [dreg:$0x2];
	s4 =	sshll.u32 s11, $0x8  }
0x5: {  	[smem:$0x7FF] =	sst s3;
	s4 =	sadd.s32 s4, s10  }
0x6: {  	_ =	strace $0x8000004A;
	s5 =	sadd.s32 $0xA2C00, s4;
	s4 =	simm.s32 $0x3  }
0x7: {  	[tilespmem:s3], [sflag:$0x3] =	stream.linear.gather [hbm4b:s5+s3], $0x500, $0x38;
	[tilespmem:$0x8800] =	vst v63  }
0x8: {  	_ =	swait.ge [sflag:s4], $0x500  }
0x9: {  	[sflag:s4] =	ssyncset.done $0x0  }
0xa: {  	s6 =	simm.s32 $0x80;
	s7 =	simm.s32 $0x800;
	[sflag:s4] =	ssyncadd.s32 $0xFFFFFB00  }
0xb: {  	[tilespmem:s7], [sflag:$0x1] =	stream.indirect.gather [hbm4b:s2+s6], $0x80, s3, s6, $0xb8;
	[tilespmem:$0x8800] =	vst v63  }
0xc: {  	s8 =	simm.s32 $0x4800;
	s9 =	simm.s32 $0x1;
	s12 =	smul.u32 $0x28000, s11  }
0xd: {  	[tilespmem:s8], [sflag:$0x2] =	stream.indirect.gather [hbm4b:s2+s6], $0x80, s6, s6, $0xb8;
	[tilespmem:$0x8800] =	vst v63  }
0xe: {  	_ =	swait.ge [sflag:s9], $0x4000  }
0xf: {  	s13 =	sadd.s32 $0xAAC00, s10;
	s31 =	sshrl.u32 s12, $0x3;
	[sflag:s9] =	ssyncset.done $0x0  }
0x10: {  	s10 =	sadd.s32 s13, s31;
	[sflag:s9] =	ssyncadd.s32 $0xFFFFC000  }
0x11: {  	[hbm4b:s10+s3] =	stream.linear.scatter [tilespmem:s7], [sflag:$0x3], $0x4000, $0x38;
	[tilespmem:$0x8800] =	vst v63  }
0x12: {  	_ =	swait.ge [sflag:s4], $0x4000  }
0x13: {  	s14 =	smul.u32 $0x5000, s11;
	[sflag:s4] =	ssyncset.done $0x0  }
0x14: {  	s11 =	simm.s32 $0x100;
	s12 =	simm.s32 $0x2;
	[sflag:s4] =	ssyncadd.s32 $0xFFFFC000  }
0x15: {  	[tilespmem:s7], [sflag:$0x1] =	stream.indirect.gather [hbm4b:s2+s6], $0x80, s11, s6, $0xb8;
	[tilespmem:$0x8800] =	vst v63  }
0x16: {  	_ =	swait.ge [sflag:s12], $0x4000  }
0x17: {  	s30 =	sadd.s32 s13, s14;
	[sflag:s12] =	ssyncset.done $0x0  }
0x18: {  	s13 =	sadd.s32 $0x800, s30;
	[sflag:s12] =	ssyncadd.s32 $0xFFFFC000  }
0x19: {  	[hbm4b:s13+s3] =	stream.linear.scatter [tilespmem:s8], [sflag:$0x3], $0x4000, $0x38;
	[tilespmem:$0x8800] =	vst v63  }
0x1a: {  	_ =	swait.ge [sflag:s4], $0x4000  }
0x1b: {  	[sflag:s4] =	ssyncset.done $0x0  }
0x1c: {  	s14 =	simm.s32 $0x180;
	[sflag:s4] =	ssyncadd.s32 $0xFFFFC000  }
0x1d: {  	[tilespmem:s8], [sflag:$0x2] =	stream.indirect.gather [hbm4b:s2+s6], $0x80, s14, s6, $0xb8;
	[tilespmem:$0x8800] =	vst v63  }
0x1e: {  	_ =	swait.ge [sflag:s9], $0x4000  }
0x1f: {  	[sflag:s9] =	ssyncset.done $0x0  }
0x20: {  	s15 =	sadd.s32 $0x1000, s10;
	[sflag:s9] =	ssyncadd.s32 $0xFFFFC000  }
0x21: {  	[hbm4b:s15+s3] =	stream.linear.scatter [tilespmem:s7], [sflag:$0x3], $0x4000, $0x38;
	[tilespmem:$0x8800] =	vst v63  }
0x22: {  	_ =	swait.ge [sflag:s4], $0x4000  }
0x23: {  	[sflag:s4] =	ssyncset.done $0x0  }
0x24: {  	s16 =	simm.s32 $0x200;
	[sflag:s4] =	ssyncadd.s32 $0xFFFFC000  }
0x25: {  	[tilespmem:s7], [sflag:$0x1] =	stream.indirect.gather [hbm4b:s2+s6], $0x80, s16, s6, $0xb8;
	[tilespmem:$0x8800] =	vst v63  }
0x26: {  	_ =	swait.ge [sflag:s12], $0x4000  }
0x27: {  	[sflag:s12] =	ssyncset.done $0x0  }
0x28: {  	s17 =	sadd.s32 $0x1800, s30;
	[sflag:s12] =	ssyncadd.s32 $0xFFFFC000  }
0x29: {  	[hbm4b:s17+s3] =	stream.linear.scatter [tilespmem:s8], [sflag:$0x3], $0x4000, $0x38;
	[tilespmem:$0x8800] =	vst v63  }
0x2a: {  	_ =	swait.ge [sflag:s4], $0x4000  }
0x2b: {  	[sflag:s4] =	ssyncset.done $0x0  }
0x2c: {  	s18 =	simm.s32 $0x280;
	[sflag:s4] =	ssyncadd.s32 $0xFFFFC000  }
0x2d: {  	[tilespmem:s8], [sflag:$0x2] =	stream.indirect.gather [hbm4b:s2+s6], $0x80, s18, s6, $0xb8;
	[tilespmem:$0x8800] =	vst v63  }
0x2e: {  	_ =	swait.ge [sflag:s9], $0x4000  }
0x2f: {  	[sflag:s9] =	ssyncset.done $0x0  }
0x30: {  	s19 =	sadd.s32 $0x2000, s10;
	[sflag:s9] =	ssyncadd.s32 $0xFFFFC000  }
0x31: {  	[hbm4b:s19+s3] =	stream.linear.scatter [tilespmem:s7], [sflag:$0x3], $0x4000, $0x38;
	[tilespmem:$0x8800] =	vst v63  }
0x32: {  	_ =	swait.ge [sflag:s4], $0x4000  }
0x33: {  	[sflag:s4] =	ssyncset.done $0x0  }
0x34: {  	s20 =	simm.s32 $0x300;
	[sflag:s4] =	ssyncadd.s32 $0xFFFFC000  }
0x35: {  	[tilespmem:s7], [sflag:$0x1] =	stream.indirect.gather [hbm4b:s2+s6], $0x80, s20, s6, $0xb8;
	[tilespmem:$0x8800] =	vst v63  }
0x36: {  	_ =	swait.ge [sflag:s12], $0x4000  }
0x37: {  	[sflag:s12] =	ssyncset.done $0x0  }
0x38: {  	s21 =	sadd.s32 $0x2800, s30;
	[sflag:s12] =	ssyncadd.s32 $0xFFFFC000  }
0x39: {  	[hbm4b:s21+s3] =	stream.linear.scatter [tilespmem:s8], [sflag:$0x3], $0x4000, $0x38;
	[tilespmem:$0x8800] =	vst v63  }
0x3a: {  	_ =	swait.ge [sflag:s4], $0x4000  }
0x3b: {  	[sflag:s4] =	ssyncset.done $0x0  }
0x3c: {  	s22 =	simm.s32 $0x380;
	[sflag:s4] =	ssyncadd.s32 $0xFFFFC000  }
0x3d: {  	[tilespmem:s8], [sflag:$0x2] =	stream.indirect.gather [hbm4b:s2+s6], $0x80, s22, s6, $0xb8;
	[tilespmem:$0x8800] =	vst v63  }
0x3e: {  	_ =	swait.ge [sflag:s9], $0x4000  }
0x3f: {  	[sflag:s9] =	ssyncset.done $0x0  }
0x40: {  	s23 =	sadd.s32 $0x3000, s10;
	[sflag:s9] =	ssyncadd.s32 $0xFFFFC000  }
0x41: {  	[hbm4b:s23+s3] =	stream.linear.scatter [tilespmem:s7], [sflag:$0x3], $0x4000, $0x38;
	[tilespmem:$0x8800] =	vst v63  }
0x42: {  	_ =	swait.ge [sflag:s4], $0x4000  }
0x43: {  	[sflag:s4] =	ssyncset.done $0x0  }
0x44: {  	s24 =	simm.s32 $0x400;
	[sflag:s4] =	ssyncadd.s32 $0xFFFFC000  }
0x45: {  	[tilespmem:s7], [sflag:$0x1] =	stream.indirect.gather [hbm4b:s2+s6], $0x80, s24, s6, $0xb8;
	[tilespmem:$0x8800] =	vst v63  }
0x46: {  	_ =	swait.ge [sflag:s12], $0x4000  }
0x47: {  	[sflag:s12] =	ssyncset.done $0x0  }
0x48: {  	s25 =	sadd.s32 $0x3800, s30;
	[sflag:s12] =	ssyncadd.s32 $0xFFFFC000  }
0x49: {  	[hbm4b:s25+s3] =	stream.linear.scatter [tilespmem:s8], [sflag:$0x3], $0x4000, $0x38;
	[tilespmem:$0x8800] =	vst v63  }
0x4a: {  	_ =	swait.ge [sflag:s4], $0x4000  }
0x4b: {  	[sflag:s4] =	ssyncset.done $0x0  }
0x4c: {  	s26 =	simm.s32 $0x480;
	[sflag:s4] =	ssyncadd.s32 $0xFFFFC000  }
0x4d: {  	[tilespmem:s8], [sflag:$0x2] =	stream.indirect.gather [hbm4b:s2+s6], $0x80, s26, s6, $0xb8;
	[tilespmem:$0x8800] =	vst v63  }
0x4e: {  	_ =	swait.ge [sflag:s9], $0x4000  }
0x4f: {  	[sflag:s9] =	ssyncset.done $0x0  }
0x50: {  	s29 =	ssub.s32 $0x2, s29;
	s28 =	sadd.s32 $0x4000, s10;
	[sflag:s9] =	ssyncadd.s32 $0xFFFFC000  }
0x51: {  	[hbm4b:s28+s3] =	stream.linear.scatter [tilespmem:s7], [sflag:$0x3], $0x4000, $0x38;
	[tilespmem:$0x8800] =	vst v63  }
0x52: {  	s31 =	sshrl.u32 s29, $0x1;
	_ =	swait.ge [sflag:s4], $0x4000  }
0x53: {  	s29 =	ssub.s32 s29, s31;
	[sflag:s4] =	ssyncset.done $0x0  }
0x54: {  	s31 =	smax.u32 s29, $0x1;
	[sflag:s4] =	ssyncadd.s32 $0xFFFFC000  }
0x55: {  	p0 =	sne.s32 s31, $0x1;
	_ =	swait.ge [sflag:s12], $0x4000  }
.Ltmp0:
0x56: {  	[sflag:s12] =	ssyncset.done $0x0;
	(pc) =	sbr.rel @!p0 .LBB2_2-.Ltmp0, $4  }
0x57: {  	s29 =	sadd.s32 $0x4800, s30;
	[sflag:s12] =	ssyncadd.s32 $0xFFFFC000  }
0x58: {  	[hbm4b:s29+s3] =	stream.linear.scatter [tilespmem:s8], [sflag:$0x3], $0x4000, $0x38;
	[tilespmem:$0x8800] =	vst v63  }
0x59: {  	_ =	swait.ge [sflag:s4], $0x4000  }
0x5a: {  	s30 =	sadd.s32 $0xFFFFFFFF, s31;
	[sflag:s4] =	ssyncset.done $0x0  }
.LBB2_1:
0x5b: {  	p0 =	sne.s32 s30, $0x1;
	s30 =	sadd.s32 $0xFFFFFFFF, s30;
	[sflag:s4] =	ssyncadd.s32 $0xFFFFC000  }
0x5c: {  	[tilespmem:s3], [sflag:$0x3] =	stream.linear.gather [hbm4b:s5+s3], $0x500, $0x38;
	[tilespmem:$0x8800] =	vst v63  }
0x5d: {  	_ =	swait.ge [sflag:s4], $0x500  }
0x5e: {  	[sflag:s4] =	ssyncset.done $0x0  }
0x5f: {  	[sflag:s4] =	ssyncadd.s32 $0xFFFFFB00  }
0x60: {  	[tilespmem:s7], [sflag:$0x1] =	stream.indirect.gather [hbm4b:s2+s6], $0x80, s3, s6, $0xb8;
	[tilespmem:$0x8800] =	vst v63  }
0x61: {  	_ = 	snop  }
0x62: {  	[tilespmem:s8], [sflag:$0x2] =	stream.indirect.gather [hbm4b:s2+s6], $0x80, s6, s6, $0xb8;
	[tilespmem:$0x8800] =	vst v63  }
0x63: {  	_ =	swait.ge [sflag:s9], $0x4000  }
0x64: {  	[sflag:s9] =	ssyncset.done $0x0  }
0x65: {  	[sflag:s9] =	ssyncadd.s32 $0xFFFFC000  }
0x66: {  	[hbm4b:s10+s3] =	stream.linear.scatter [tilespmem:s7], [sflag:$0x3], $0x4000, $0x38;
	[tilespmem:$0x8800] =	vst v63  }
0x67: {  	_ =	swait.ge [sflag:s4], $0x4000  }
0x68: {  	[sflag:s4] =	ssyncset.done $0x0  }
0x69: {  	[sflag:s4] =	ssyncadd.s32 $0xFFFFC000  }
0x6a: {  	[tilespmem:s7], [sflag:$0x1] =	stream.indirect.gather [hbm4b:s2+s6], $0x80, s11, s6, $0xb8;
	[tilespmem:$0x8800] =	vst v63  }
0x6b: {  	_ =	swait.ge [sflag:s12], $0x4000  }
0x6c: {  	[sflag:s12] =	ssyncset.done $0x0  }
0x6d: {  	[sflag:s12] =	ssyncadd.s32 $0xFFFFC000  }
0x6e: {  	[hbm4b:s13+s3] =	stream.linear.scatter [tilespmem:s8], [sflag:$0x3], $0x4000, $0x38;
	[tilespmem:$0x8800] =	vst v63  }
0x6f: {  	_ =	swait.ge [sflag:s4], $0x4000  }
0x70: {  	[sflag:s4] =	ssyncset.done $0x0  }
0x71: {  	[sflag:s4] =	ssyncadd.s32 $0xFFFFC000  }
0x72: {  	[tilespmem:s8], [sflag:$0x2] =	stream.indirect.gather [hbm4b:s2+s6], $0x80, s14, s6, $0xb8;
	[tilespmem:$0x8800] =	vst v63  }
0x73: {  	_ =	swait.ge [sflag:s9], $0x4000  }
0x74: {  	[sflag:s9] =	ssyncset.done $0x0  }
0x75: {  	[sflag:s9] =	ssyncadd.s32 $0xFFFFC000  }
0x76: {  	[hbm4b:s15+s3] =	stream.linear.scatter [tilespmem:s7], [sflag:$0x3], $0x4000, $0x38;
	[tilespmem:$0x8800] =	vst v63  }
0x77: {  	_ =	swait.ge [sflag:s4], $0x4000  }
0x78: {  	[sflag:s4] =	ssyncset.done $0x0  }
0x79: {  	[sflag:s4] =	ssyncadd.s32 $0xFFFFC000  }
0x7a: {  	[tilespmem:s7], [sflag:$0x1] =	stream.indirect.gather [hbm4b:s2+s6], $0x80, s16, s6, $0xb8;
	[tilespmem:$0x8800] =	vst v63  }
0x7b: {  	_ =	swait.ge [sflag:s12], $0x4000  }
0x7c: {  	[sflag:s12] =	ssyncset.done $0x0  }
0x7d: {  	[sflag:s12] =	ssyncadd.s32 $0xFFFFC000  }
0x7e: {  	[hbm4b:s17+s3] =	stream.linear.scatter [tilespmem:s8], [sflag:$0x3], $0x4000, $0x38;
	[tilespmem:$0x8800] =	vst v63  }
0x7f: {  	_ =	swait.ge [sflag:s4], $0x4000  }
0x80: {  	[sflag:s4] =	ssyncset.done $0x0  }
0x81: {  	[sflag:s4] =	ssyncadd.s32 $0xFFFFC000  }
0x82: {  	[tilespmem:s8], [sflag:$0x2] =	stream.indirect.gather [hbm4b:s2+s6], $0x80, s18, s6, $0xb8;
	[tilespmem:$0x8800] =	vst v63  }
0x83: {  	_ =	swait.ge [sflag:s9], $0x4000  }
0x84: {  	[sflag:s9] =	ssyncset.done $0x0  }
0x85: {  	[sflag:s9] =	ssyncadd.s32 $0xFFFFC000  }
0x86: {  	[hbm4b:s19+s3] =	stream.linear.scatter [tilespmem:s7], [sflag:$0x3], $0x4000, $0x38;
	[tilespmem:$0x8800] =	vst v63  }
0x87: {  	_ =	swait.ge [sflag:s4], $0x4000  }
0x88: {  	[sflag:s4] =	ssyncset.done $0x0  }
0x89: {  	[sflag:s4] =	ssyncadd.s32 $0xFFFFC000  }
0x8a: {  	[tilespmem:s7], [sflag:$0x1] =	stream.indirect.gather [hbm4b:s2+s6], $0x80, s20, s6, $0xb8;
	[tilespmem:$0x8800] =	vst v63  }
0x8b: {  	_ =	swait.ge [sflag:s12], $0x4000  }
0x8c: {  	[sflag:s12] =	ssyncset.done $0x0  }
0x8d: {  	[sflag:s12] =	ssyncadd.s32 $0xFFFFC000  }
0x8e: {  	[hbm4b:s21+s3] =	stream.linear.scatter [tilespmem:s8], [sflag:$0x3], $0x4000, $0x38;
	[tilespmem:$0x8800] =	vst v63  }
0x8f: {  	_ =	swait.ge [sflag:s4], $0x4000  }
0x90: {  	[sflag:s4] =	ssyncset.done $0x0  }
0x91: {  	[sflag:s4] =	ssyncadd.s32 $0xFFFFC000  }
0x92: {  	[tilespmem:s8], [sflag:$0x2] =	stream.indirect.gather [hbm4b:s2+s6], $0x80, s22, s6, $0xb8;
	[tilespmem:$0x8800] =	vst v63  }
0x93: {  	_ =	swait.ge [sflag:s9], $0x4000  }
0x94: {  	[sflag:s9] =	ssyncset.done $0x0  }
0x95: {  	[sflag:s9] =	ssyncadd.s32 $0xFFFFC000  }
0x96: {  	[hbm4b:s23+s3] =	stream.linear.scatter [tilespmem:s7], [sflag:$0x3], $0x4000, $0x38;
	[tilespmem:$0x8800] =	vst v63  }
0x97: {  	_ =	swait.ge [sflag:s4], $0x4000  }
0x98: {  	[sflag:s4] =	ssyncset.done $0x0  }
0x99: {  	[sflag:s4] =	ssyncadd.s32 $0xFFFFC000  }
0x9a: {  	[tilespmem:s7], [sflag:$0x1] =	stream.indirect.gather [hbm4b:s2+s6], $0x80, s24, s6, $0xb8;
	[tilespmem:$0x8800] =	vst v63  }
0x9b: {  	_ =	swait.ge [sflag:s12], $0x4000  }
0x9c: {  	[sflag:s12] =	ssyncset.done $0x0  }
0x9d: {  	[sflag:s12] =	ssyncadd.s32 $0xFFFFC000  }
0x9e: {  	[hbm4b:s25+s3] =	stream.linear.scatter [tilespmem:s8], [sflag:$0x3], $0x4000, $0x38;
	[tilespmem:$0x8800] =	vst v63  }
0x9f: {  	_ =	swait.ge [sflag:s4], $0x4000  }
0xa0: {  	[sflag:s4] =	ssyncset.done $0x0  }
0xa1: {  	[sflag:s4] =	ssyncadd.s32 $0xFFFFC000  }
0xa2: {  	[tilespmem:s8], [sflag:$0x2] =	stream.indirect.gather [hbm4b:s2+s6], $0x80, s26, s6, $0xb8;
	[tilespmem:$0x8800] =	vst v63  }
0xa3: {  	_ =	swait.ge [sflag:s9], $0x4000  }
0xa4: {  	[sflag:s9] =	ssyncset.done $0x0  }
0xa5: {  	[sflag:s9] =	ssyncadd.s32 $0xFFFFC000  }
0xa6: {  	[hbm4b:s28+s3] =	stream.linear.scatter [tilespmem:s7], [sflag:$0x3], $0x4000, $0x38;
	[tilespmem:$0x8800] =	vst v63  }
0xa7: {  	_ =	swait.ge [sflag:s4], $0x4000  }
0xa8: {  	[sflag:s4] =	ssyncset.done $0x0  }
0xa9: {  	[sflag:s4] =	ssyncadd.s32 $0xFFFFC000  }
0xaa: {  	_ =	swait.ge [sflag:s12], $0x4000  }
.Ltmp1:
0xab: {  	[sflag:s12] =	ssyncset.done $0x0;
	(pc) =	sbr.rel @p0 .LBB2_1-.Ltmp1, $4  }
0xac: {  	[sflag:s12] =	ssyncadd.s32 $0xFFFFC000  }
0xad: {  	[hbm4b:s29+s3] =	stream.linear.scatter [tilespmem:s8], [sflag:$0x3], $0x4000, $0x38;
	[tilespmem:$0x8800] =	vst v63  }
0xae: {  	_ =	swait.ge [sflag:s4], $0x4000  }
0xaf: {  	[sflag:s4] =	ssyncset.done $0x0  }
.LBB2_2:
0xb0: {  	[sflag:s4] =	ssyncadd.s32 $0xFFFFC000  }
0xb1: {  	_ =	sfence.sel $0x180000  }
0xb2: {  	[bflag:$0x0] =	sbarrier.arrive $0xFFFF  }
0xb3: {  	p0 =	sne.s32 s0, $0x0;
	_ =	strace $0x9000004A  }
0xb4: {  	s0 =	sadd.s32 @!p0 $0x100000, s1;
	[bflag:$0x2] =	sbarrier.arrive $0xFFFF  }
0xb5: {  	[sflag:s0] =	ssyncadd.tile.s32 @!p0 $0x1;
	_ =	shalt  }
.Lfunc_end2:
_tile_overlayer_lowered:
.L_overlay_start_2:
0xb6: {  	(tag) =	ssettag $0x2  }
0xb7: {  	s0 =	rddreg [dreg:$0x0];
	s2 =	stileid.u32  }
0xb8: {  	s1 =	rddreg [dreg:$0x1];
	p0 =	sne.s32 s2, $0x0  }
0xb9: {  	s3 =	rddreg [dreg:$0x2];
	[bflag:$0x3] =	sbarrier.arrive $0xFFFF;
	s2 =	simm.s32 @!p0 $0x1C03  }
0xba: {  	[timem:s3], [sflag:s2] =	dma.local @!p0 [hbm:s0], s1  }
0xbb: {  	s0 =	simm.s32 @!p0 $0x3  }
0xbc: {  	_ =	swait.ge @!p0 [sflag:s0], s1  }
0xbd: {  	s1 =	ssub.s32 @!p0 $0x0, s1;
	[sflag:s0] =	ssyncset.done @!p0 $0x0  }
0xbe: {  	[sflag:s0] =	ssyncadd.s32 @!p0 s1  }
0xbf: {  	[bflag:$0x3] =	sbarrier.arrive $0xFFFF  }
0xc0: {  	_ =	shalt  }

// kernel: kernel.18.cloned.1.call-start
scs
__scs_entry_jumppad:
0x0: {  	(pc) =	sbr.rel $0x88, $3  }
0x1: {  	(tag) =	ssettag $0x0;
	lr =	simm.s32 $0x1  }
0x2: {  	[smem:$0x3F97] =	sst lr;
	_ =	strace $0xD0000000  }
0x3: {  	_ = 	snop  }
0x4: {  	_ = 	snop  }
0x5: {  	_ = 	snop  }
0x6: {  	_ = 	snop  }
0x7: {  	_ = 	snop  }
__scs_overlays_trampoline_lowered:
0x8: {  	[smem:$0x3FA6] =	sst s0  }
0x9: {  	[smem:$0x3FA7] =	sst s1  }
0xa: {  	[smem:$0x3FA8] =	sst s2  }
0xb: {  	[smem:$0x3FA9] =	sst s3  }
0xc: {  	[smem:$0x3FAA] =	sst s4  }
0xd: {  	[smem:$0x3FAB] =	sst s5  }
0xe: {  	[smem:$0x3FAC] =	sst s6  }
0xf: {  	[smem:$0x3FAD] =	sst s7  }
0x10: {  	[smem:$0x3FAE] =	sst s8  }
0x11: {  	[smem:$0x3FAF] =	sst s9;
	s0 =	simm.s32 @!p0 $0x0  }
0x12: {  	s1 =	sld [smem:$0x3F95];
	s0 =	simm.s32 @p0 $0x1  }
0x13: {  	[smem:$0x3FB0] =	sst s0;
	s0 =	simm.s32 @!p1 $0x0  }
0x14: {  	s2 =	sld [smem:$0x3F94];
	s0 =	simm.s32 @p1 $0x1  }
0x15: {  	[smem:$0x3FB1] =	sst s0;
	s0 =	simm.s32 @!p2 $0x0  }
0x16: {  	s3 =	sld [smem:$0x3FDB];
	s0 =	simm.s32 @p2 $0x1  }
0x17: {  	s4 =	simm.s32 $0x1BF5;
	[smem:$0x3FB3] =	sst s0  }
0x18: {  	s0 =	sld [smem:$0x3F96];
	_ =	swait.ge [sflag:s4], $0x0  }
0x19: {  	s7 =	sld [smem:$0x3F97]  }
0x1a: {  	s8 =	sadd.s32 $0xFFFFE003, lr  }
0x1b: {  	s9 =	sadd.s32 $0xFFFFFEF7, lr;
	s5 =	simm.s32 $0xFFFFFFFF;
	p2 =	slt.u32 s8, $0xFFFFF086  }
0x1c: {  	p1 =	slt.u32 s9, $0xF7A;
	s5 =	simm.s32 @!p2 $0x0  }
0x1d: {  	s5 =	simm.s32 @p1 $0x1;
	p0 =	seq.s32 s7, s2  }
0x1e: {  	s7 =	smul.u32 @!p0 $0xF7A, s2;
	p2 =	seq.s32 @!p0 s5, $0x0  }
0x1f: {  	s9 =	smul.u32 $0xF7A, s1;
	s8 =	simm.s32 @!p0 $0x1BF5;
	p2 =	por !p2, p0  }
0x20: {  	[sflag:s8] =	ssyncset.s32 @!p0 $0xFFFFF086;
	s6 =	sadd.s32 @!p0 s3, s7;
	s7 =	simm.s32 @!p0 $0x108  }
0x21: {  	s3 =	sadd.s32 s3, s9;
	s6 =	sadd.s32 @!p0 $0x88, s6;
	s7 =	simm.s32 @p2 $0x1082  }
0x22: {  	[simem:s7], [sflag:s8] =	dma.local @!p0 [hbm:s6], $0xF7A  }
0x23: {  	s9 =	sor.u32 $0xD0000000, s2;
	s6 =	simm.s32 $0x108;
	_ =	swait.ge @!p0 [sflag:s8], $0x0  }
0x24: {  	s3 =	sadd.s32 $0x88, s3;
	s6 =	simm.s32 @!p1 $0x1082;
	[sflag:s4] =	ssyncset.s32 $0xFFFFF086  }
0x25: {  	[simem:s6], [sflag:s4] =	dma.local [hbm:s3], $0xF7A  }
0x26: {  	[smem:$0x3F97] =	sst s1;
	(tag) =	ssettag s2;
	_ =	strace s9  }
0x27: {  	s1 =	sld [smem:$0x3FA7]  }
0x28: {  	s2 =	sld [smem:$0x3FA8]  }
0x29: {  	s4 =	sld [smem:$0x3FAA]  }
0x2a: {  	p0 =	seq.s32 s5, $0x0;
	s5 =	sld [smem:$0x3FAB]  }
0x2b: {  	s6 =	sld [smem:$0x3FAC]  }
0x2c: {  	s7 =	sld [smem:$0x3FAD]  }
0x2d: {  	s3 =	simm.s32 $0x108;
	s8 =	sld [smem:$0x3FAE]  }
0x2e: {  	s3 =	simm.s32 @!p0 $0x1082;
	s9 =	sld [smem:$0x3FAF]  }
0x2f: {  	lr =	sadd.s32 s0, s3;
	s0 =	sld [smem:$0x3FA6]  }
0x30: {  	s3 =	sld [smem:$0x3FA9]  }
0x31: {  	[smem:$0x3FB2] =	sst s10  }
0x32: {  	s10 =	sld [smem:$0x3FB0];
	_ =	sdelay $0x3  }
0x33: {  	p0 =	seq.s32 s10, $0x1;
	s10 =	sld [smem:$0x3FB2];
	_ =	sdelay $0x3  }
0x34: {  	[smem:$0x3FB2] =	sst s10  }
0x35: {  	s10 =	sld [smem:$0x3FB1];
	_ =	sdelay $0x3  }
0x36: {  	p1 =	seq.s32 s10, $0x1;
	s10 =	sld [smem:$0x3FB2];
	_ =	sdelay $0x3  }
0x37: {  	[smem:$0x3FB2] =	sst s10  }
0x38: {  	s10 =	sld [smem:$0x3FB3]  }
0x39: {  	_ = 	snop;
	(pc) =	sbr.ind lr, $3  }
0x3a: {  	_ = 	snop  }
0x3b: {  	_ = 	snop  }
0x3c: {  	p2 =	seq.s32 s10, $0x1;
	s10 =	sld [smem:$0x3FB2]  }
0x3d: {  	_ =	shalt  }
0x3e: {  	_ =	shalt  }
0x3f: {  	_ =	shalt  }
0x40: {  	_ =	shalt  }
0x41: {  	_ =	shalt  }
0x42: {  	_ =	shalt  }
0x43: {  	_ =	shalt  }
0x44: {  	_ =	shalt  }
0x45: {  	_ =	shalt  }
0x46: {  	_ =	shalt  }
0x47: {  	_ =	shalt  }
0x48: {  	_ =	shalt  }
0x49: {  	_ =	shalt  }
0x4a: {  	_ =	shalt  }
0x4b: {  	_ =	shalt  }
0x4c: {  	_ =	shalt  }
0x4d: {  	_ =	shalt  }
0x4e: {  	_ =	shalt  }
0x4f: {  	_ =	shalt  }
0x50: {  	_ =	shalt  }
0x51: {  	_ =	shalt  }
0x52: {  	_ =	shalt  }
0x53: {  	_ =	shalt  }
0x54: {  	_ =	shalt  }
0x55: {  	_ =	shalt  }
0x56: {  	_ =	shalt  }
0x57: {  	_ =	shalt  }
0x58: {  	_ =	shalt  }
0x59: {  	_ =	shalt  }
0x5a: {  	_ =	shalt  }
0x5b: {  	_ =	shalt  }
0x5c: {  	_ =	shalt  }
0x5d: {  	_ =	shalt  }
0x5e: {  	_ =	shalt  }
0x5f: {  	_ =	shalt  }
0x60: {  	_ =	shalt  }
0x61: {  	_ =	shalt  }
0x62: {  	_ =	shalt  }
0x63: {  	_ =	shalt  }
0x64: {  	_ =	shalt  }
0x65: {  	_ =	shalt  }
0x66: {  	_ =	shalt  }
0x67: {  	_ =	shalt  }
0x68: {  	_ =	shalt  }
0x69: {  	_ =	shalt  }
0x6a: {  	_ =	shalt  }
0x6b: {  	_ =	shalt  }
0x6c: {  	_ =	shalt  }
0x6d: {  	_ =	shalt  }
0x6e: {  	_ =	shalt  }
0x6f: {  	_ =	shalt  }
0x70: {  	_ =	shalt  }
0x71: {  	_ =	shalt  }
0x72: {  	_ =	shalt  }
0x73: {  	_ =	shalt  }
0x74: {  	_ =	shalt  }
0x75: {  	_ =	shalt  }
0x76: {  	_ =	shalt  }
0x77: {  	_ =	shalt  }
0x78: {  	_ =	shalt  }
0x79: {  	_ =	shalt  }
0x7a: {  	_ =	shalt  }
0x7b: {  	_ =	shalt  }
0x7c: {  	_ =	shalt  }
0x7d: {  	_ =	shalt  }
0x7e: {  	_ =	shalt  }
0x7f: {  	_ =	shalt  }
0x80: {  	_ =	shalt  }
0x81: {  	_ =	shalt  }
0x82: {  	_ =	shalt  }
0x83: {  	_ =	shalt  }
0x84: {  	_ =	shalt  }
0x85: {  	_ =	shalt  }
0x86: {  	_ =	shalt  }
0x87: {  	_ =	shalt  }
.Lfunc_end0:
.L_simem_size_0:
called_computation.2_lowered:
.L_overlay_start_0:
0x88: {  	s2 =	sld [smem:$0x3FD9]  }
0x89: {  	s3 =	sld [smem:$0x3FFE];
	_ =	sdelay $0x1  }
0x8a: {  	s1 =	srdreg.scid  }
0x8b: {  	s0 =	sand.u32 $0x1, s1  }
0x8c: {  	s17 =	sshll.u32 s0, $0xA;
	s2 =	sadd.s32 s3, s2  }
0x8d: {  	s2 =	sadd.s32 s2, s17  }
0x8e: {  	[smem:$0x3FBE] =	sst s2  }
0x8f: {  	_ = 	snop  }
0x90: {  	s18 =	sld [smem:$0x3FC6];
	(tm) =	ssettm $0x1  }
0x91: {  	s19 =	sld [smem:$0x3FFB];
	_ =	sdelay $0x3  }
0x92: {  	_ =	strace s19  }
0x93: {  	s2 =	sld [smem:$0x3FFC];
	_ =	sdelay $0x3  }
0x94: {  	_ =	strace s2  }
0x95: {  	s2 =	sld [smem:$0x3FFD];
	_ =	sdelay $0x3  }
0x96: {  	_ =	strace s2  }
0x97: {  	_ =	strace $0x8FFFFFFF  }
0x98: {  	s20 =	sld [smem:$0x3FDB];
	_ =	sdelay $0x1  }
0x99: {  	s4 =	simm.s32 $_scs_section_size  }
0x9a: {  	s5 =	simm.s32 $_size__tile_overlayer_lowered;
	s6 =	simm.s32 $_tile_overlayer_lowered  }
0x9b: {  	s7 =	simm.s32 $0x1BFF;
	s21 =	sshll.u32 s6, $0x1;
	s4 =	sadd.s32 s4, s20  }
0x9c: {  	s22 =	simm.s32 $0x0;
	s5 =	sshll.u32 s5, $0x1;
	s6 =	sadd.s32 s21, s4  }
0x9d: {  	[timem:s22], [sflag:s7] =	dma.local [hbm:s6], s5  }
0x9e: {  	_ =	swait.ge [sflag:s7], s5  }
0x9f: {  	s5 =	ssub.s32 $0x0, s5;
	[sflag:s7] =	ssyncset.done $0x0  }
0xa0: {  	[sflag:s7] =	ssyncadd.s32 s5;
	_ =	sdelay $0x1  }
0xa1: {  	s23 =	simm.s32 $0x1B8B  }
0xa2: {  	_ =	swait.ge [sflag:s23], $0x1  }
0xa3: {  	[sflag:s23] =	ssyncset.done $0x0  }
0xa4: {  	[sflag:s23] =	ssyncadd.s32 $0xFFFFFFFF  }
0xa5: {  	s5 =	sld [smem:$0x0]  }
0xa6: {  	s6 =	sand.u32 $0xFFFFFFFE, s1  }
0xa7: {  	p0 =	sne.s32 s1, s6  }
0xa8: {  	s6 =	sshll.u32 @p0 s6, $0xE  }
0xa9: {  	s6 =	sadd.s32 @p0 $0x11B8D, s6;
	s7 =	sshll.u32 @p0 s5, $0x11  }
0xaa: {  	s6 =	sor.u32 @p0 s7, s6  }
0xab: {  	[sflag:s6] =	ssyncadd.remote.s32 @p0 $0x1;
	_ =	sdelay $0x1  }
0xac: {  	s6 =	simm.s32 @p0 $0x1B8D  }
0xad: {  	_ =	swait.eq @p0 [sflag:s6], $0x1  }
0xae: {  	[sflag:s6] =	ssyncadd.s32 @p0 $0xFFFFFFFF  }
0xaf: {  	s7 =	sshll.u32 @!p0 s1, $0xE  }
0xb0: {  	s7 =	sor.u32 @!p0 $0x4000, s7;
	s6 =	simm.s32 @!p0 $0x1B8D  }
0xb1: {  	s5 =	sshll.u32 @!p0 s5, $0x11;
	s7 =	sadd.s32 @!p0 $0x11B8D, s7;
	_ =	swait.eq @!p0 [sflag:s6], $0x1  }
0xb2: {  	s5 =	sor.u32 @!p0 s5, s7;
	[sflag:s6] =	ssyncadd.s32 @!p0 $0xFFFFFFFF  }
0xb3: {  	s25 =	simm.s32 $0x1B8E;
	s24 =	sld [smem:$0x3FFE];
	[sflag:s5] =	ssyncadd.remote.s32 @!p0 $0x1  }
0xb4: {  	s26 =	simm.s32 $execute0_lowered;
	[smem:$0x3FD2] =	sst s25  }
0xb5: {  	s6 =	sshll.u32 s26, $0x1;
	_ =	strace $0x8000004C;
	[dreg:$0x1] =	wrdreg $0xFFFFFFFF  }
0xb6: {  	s28 =	simm.s32 $_size_execute0_lowered;
	s4 =	sadd.s32 s4, s6;
	[dreg:$0x0] =	wrdreg $0x0  }
0xb7: {  	s6 =	sshll.u32 s28, $0x1;
	[dreg:$0x2] =	wrdreg s4  }
0xb8: {  	[dreg:$0x3] =	wrdreg s6  }
0xb9: {  	[dreg:$0x4] =	wrdreg $0xC0  }
0xba: {  	_ =	task [dreg:s22], $0x5FFFF  }
0xbb: {  	[dreg:$0x1] =	wrdreg $0xFFFFFFFF  }
0xbc: {  	[dreg:$0x0] =	wrdreg $0x60  }
0xbd: {  	[dreg:$0x2] =	wrdreg s24  }
0xbe: {  	[dreg:$0x3] =	wrdreg s18  }
0xbf: {  	[dreg:$0x4] =	wrdreg $0xB  }
0xc0: {  	_ =	task.clear_ibuf [dreg:s22], $0x5FFFF;
	_ =	strace $0x9000004C  }
0xc1: {  	s29 =	simm.s32 $0xB;
	_ =	strace $0x8000004E  }
0xc2: {  	_ =	swait.ge [sflag:s29], $0x1  }
0xc3: {  	[sflag:s29] =	ssyncadd.s32 $0xFFFFFFFF  }
0xc4: {  	_ =	strace $0x9000004E  }
0xc5: {  	_ =	sfence  }
0xc6: {  	s30 =	sld [smem:$0x0];
	_ =	sdelay $0x2  }
0xc7: {  	s31 =	sshll.u32 s1, $0xD;
	s1 =	sshrl.u32 s1, $0x2  }
0xc8: {  	s4 =	sand.u32 $0x4000, s31;
	s1 =	sadd.s32 s1, s30  }
0xc9: {  	s0 =	sor.u32 s4, s0;
	s1 =	sshll.u32 s1, $0x11  }
0xca: {  	s0 =	sor.u32 s1, s0  }
0xcb: {  	s0 =	sadd.s32 $0x8F2B, s0  }
0xcc: {  	[sflag:s0] =	ssyncadd.remote.s32 $0x1  }
0xcd: {  	_ =	sfence.sel $0xFFFF  }
0xce: {  	[dreg:$0x0] =	wrdreg $0xFFFFFFFF;
	(pc) =	sbr.abs _section_cstart, $3  }
0xcf: {  	[dreg:$0x1] =	wrdreg $0xFFFFFFFF  }
0xd0: {  	_ =	task.clear_ibuf [dreg:s22], $0x2FFFF;
	_ =	strace $0x9FFFFFFF  }
0xd1: {  	(tm) =	ssettm $0x7FFFFFFF  }
tec
execute0_lowered:
.L_overlay_start_1:
0x0: {  	(tag) =	ssettag $0x1  }
0x1: {  	s1 =	srdreg.scid;
	s0 =	stileid.u32  }
0x2: {  	s10 =	rddreg [dreg:$0x0];
	s29 =	sand.u32 $0x1, s1;
	s26 =	sshll.u32 s0, $0x1  }
0x3: {  	s2 =	rddreg [dreg:$0x1];
	s11 =	sor.u32 s29, s26  }
0x4: {  	s3 =	simm.s32 $0x0;
	s1 =	rddreg [dreg:$0x2];
	s4 =	sshll.u32 s11, $0x8  }
0x5: {  	[smem:$0x7FF] =	sst s3;
	s4 =	sadd.s32 s4, s10  }
0x6: {  	_ =	strace $0x8000004D;
	s5 =	sadd.s32 $0xA4C00, s4;
	s4 =	simm.s32 $0x3  }
0x7: {  	[tilespmem:s3], [sflag:$0x3] =	stream.linear.gather [hbm4b:s5+s3], $0x500, $0x38;
	[tilespmem:$0x8800] =	vst v63  }
0x8: {  	_ =	swait.ge [sflag:s4], $0x500  }
0x9: {  	[sflag:s4] =	ssyncset.done $0x0  }
0xa: {  	s6 =	simm.s32 $0x80;
	s7 =	simm.s32 $0x800;
	[sflag:s4] =	ssyncadd.s32 $0xFFFFFB00  }
0xb: {  	[tilespmem:s7], [sflag:$0x1] =	stream.indirect.gather [hbm4b:s2+s6], $0x80, s3, s6, $0xb8;
	[tilespmem:$0x8800] =	vst v63  }
0xc: {  	s8 =	simm.s32 $0x4800;
	s9 =	simm.s32 $0x1;
	s12 =	smul.u32 $0x28000, s11  }
0xd: {  	[tilespmem:s8], [sflag:$0x2] =	stream.indirect.gather [hbm4b:s2+s6], $0x80, s6, s6, $0xb8;
	[tilespmem:$0x8800] =	vst v63  }
0xe: {  	_ =	swait.ge [sflag:s9], $0x4000  }
0xf: {  	s13 =	sadd.s32 $0x14AC00, s10;
	s31 =	sshrl.u32 s12, $0x3;
	[sflag:s9] =	ssyncset.done $0x0  }
0x10: {  	s10 =	sadd.s32 s13, s31;
	[sflag:s9] =	ssyncadd.s32 $0xFFFFC000  }
0x11: {  	[hbm4b:s10+s3] =	stream.linear.scatter [tilespmem:s7], [sflag:$0x3], $0x4000, $0x38;
	[tilespmem:$0x8800] =	vst v63  }
0x12: {  	_ =	swait.ge [sflag:s4], $0x4000  }
0x13: {  	s14 =	smul.u32 $0x5000, s11;
	[sflag:s4] =	ssyncset.done $0x0  }
0x14: {  	s11 =	simm.s32 $0x100;
	s12 =	simm.s32 $0x2;
	[sflag:s4] =	ssyncadd.s32 $0xFFFFC000  }
0x15: {  	[tilespmem:s7], [sflag:$0x1] =	stream.indirect.gather [hbm4b:s2+s6], $0x80, s11, s6, $0xb8;
	[tilespmem:$0x8800] =	vst v63  }
0x16: {  	_ =	swait.ge [sflag:s12], $0x4000  }
0x17: {  	s30 =	sadd.s32 s13, s14;
	[sflag:s12] =	ssyncset.done $0x0  }
0x18: {  	s13 =	sadd.s32 $0x800, s30;
	[sflag:s12] =	ssyncadd.s32 $0xFFFFC000  }
0x19: {  	[hbm4b:s13+s3] =	stream.linear.scatter [tilespmem:s8], [sflag:$0x3], $0x4000, $0x38;
	[tilespmem:$0x8800] =	vst v63  }
0x1a: {  	_ =	swait.ge [sflag:s4], $0x4000  }
0x1b: {  	[sflag:s4] =	ssyncset.done $0x0  }
0x1c: {  	s14 =	simm.s32 $0x180;
	[sflag:s4] =	ssyncadd.s32 $0xFFFFC000  }
0x1d: {  	[tilespmem:s8], [sflag:$0x2] =	stream.indirect.gather [hbm4b:s2+s6], $0x80, s14, s6, $0xb8;
	[tilespmem:$0x8800] =	vst v63  }
0x1e: {  	_ =	swait.ge [sflag:s9], $0x4000  }
0x1f: {  	[sflag:s9] =	ssyncset.done $0x0  }
0x20: {  	s15 =	sadd.s32 $0x1000, s10;
	[sflag:s9] =	ssyncadd.s32 $0xFFFFC000  }
0x21: {  	[hbm4b:s15+s3] =	stream.linear.scatter [tilespmem:s7], [sflag:$0x3], $0x4000, $0x38;
	[tilespmem:$0x8800] =	vst v63  }
0x22: {  	_ =	swait.ge [sflag:s4], $0x4000  }
0x23: {  	[sflag:s4] =	ssyncset.done $0x0  }
0x24: {  	s16 =	simm.s32 $0x200;
	[sflag:s4] =	ssyncadd.s32 $0xFFFFC000  }
0x25: {  	[tilespmem:s7], [sflag:$0x1] =	stream.indirect.gather [hbm4b:s2+s6], $0x80, s16, s6, $0xb8;
	[tilespmem:$0x8800] =	vst v63  }
0x26: {  	_ =	swait.ge [sflag:s12], $0x4000  }
0x27: {  	[sflag:s12] =	ssyncset.done $0x0  }
0x28: {  	s17 =	sadd.s32 $0x1800, s30;
	[sflag:s12] =	ssyncadd.s32 $0xFFFFC000  }
0x29: {  	[hbm4b:s17+s3] =	stream.linear.scatter [tilespmem:s8], [sflag:$0x3], $0x4000, $0x38;
	[tilespmem:$0x8800] =	vst v63  }
0x2a: {  	_ =	swait.ge [sflag:s4], $0x4000  }
0x2b: {  	[sflag:s4] =	ssyncset.done $0x0  }
0x2c: {  	s18 =	simm.s32 $0x280;
	[sflag:s4] =	ssyncadd.s32 $0xFFFFC000  }
0x2d: {  	[tilespmem:s8], [sflag:$0x2] =	stream.indirect.gather [hbm4b:s2+s6], $0x80, s18, s6, $0xb8;
	[tilespmem:$0x8800] =	vst v63  }
0x2e: {  	_ =	swait.ge [sflag:s9], $0x4000  }
0x2f: {  	[sflag:s9] =	ssyncset.done $0x0  }
0x30: {  	s19 =	sadd.s32 $0x2000, s10;
	[sflag:s9] =	ssyncadd.s32 $0xFFFFC000  }
0x31: {  	[hbm4b:s19+s3] =	stream.linear.scatter [tilespmem:s7], [sflag:$0x3], $0x4000, $0x38;
	[tilespmem:$0x8800] =	vst v63  }
0x32: {  	_ =	swait.ge [sflag:s4], $0x4000  }
0x33: {  	[sflag:s4] =	ssyncset.done $0x0  }
0x34: {  	s20 =	simm.s32 $0x300;
	[sflag:s4] =	ssyncadd.s32 $0xFFFFC000  }
0x35: {  	[tilespmem:s7], [sflag:$0x1] =	stream.indirect.gather [hbm4b:s2+s6], $0x80, s20, s6, $0xb8;
	[tilespmem:$0x8800] =	vst v63  }
0x36: {  	_ =	swait.ge [sflag:s12], $0x4000  }
0x37: {  	[sflag:s12] =	ssyncset.done $0x0  }
0x38: {  	s21 =	sadd.s32 $0x2800, s30;
	[sflag:s12] =	ssyncadd.s32 $0xFFFFC000  }
0x39: {  	[hbm4b:s21+s3] =	stream.linear.scatter [tilespmem:s8], [sflag:$0x3], $0x4000, $0x38;
	[tilespmem:$0x8800] =	vst v63  }
0x3a: {  	_ =	swait.ge [sflag:s4], $0x4000  }
0x3b: {  	[sflag:s4] =	ssyncset.done $0x0  }
0x3c: {  	s22 =	simm.s32 $0x380;
	[sflag:s4] =	ssyncadd.s32 $0xFFFFC000  }
0x3d: {  	[tilespmem:s8], [sflag:$0x2] =	stream.indirect.gather [hbm4b:s2+s6], $0x80, s22, s6, $0xb8;
	[tilespmem:$0x8800] =	vst v63  }
0x3e: {  	_ =	swait.ge [sflag:s9], $0x4000  }
0x3f: {  	[sflag:s9] =	ssyncset.done $0x0  }
0x40: {  	s23 =	sadd.s32 $0x3000, s10;
	[sflag:s9] =	ssyncadd.s32 $0xFFFFC000  }
0x41: {  	[hbm4b:s23+s3] =	stream.linear.scatter [tilespmem:s7], [sflag:$0x3], $0x4000, $0x38;
	[tilespmem:$0x8800] =	vst v63  }
0x42: {  	_ =	swait.ge [sflag:s4], $0x4000  }
0x43: {  	[sflag:s4] =	ssyncset.done $0x0  }
0x44: {  	s24 =	simm.s32 $0x400;
	[sflag:s4] =	ssyncadd.s32 $0xFFFFC000  }
0x45: {  	[tilespmem:s7], [sflag:$0x1] =	stream.indirect.gather [hbm4b:s2+s6], $0x80, s24, s6, $0xb8;
	[tilespmem:$0x8800] =	vst v63  }
0x46: {  	_ =	swait.ge [sflag:s12], $0x4000  }
0x47: {  	[sflag:s12] =	ssyncset.done $0x0  }
0x48: {  	s25 =	sadd.s32 $0x3800, s30;
	[sflag:s12] =	ssyncadd.s32 $0xFFFFC000  }
0x49: {  	[hbm4b:s25+s3] =	stream.linear.scatter [tilespmem:s8], [sflag:$0x3], $0x4000, $0x38;
	[tilespmem:$0x8800] =	vst v63  }
0x4a: {  	_ =	swait.ge [sflag:s4], $0x4000  }
0x4b: {  	[sflag:s4] =	ssyncset.done $0x0  }
0x4c: {  	s26 =	simm.s32 $0x480;
	[sflag:s4] =	ssyncadd.s32 $0xFFFFC000  }
0x4d: {  	[tilespmem:s8], [sflag:$0x2] =	stream.indirect.gather [hbm4b:s2+s6], $0x80, s26, s6, $0xb8;
	[tilespmem:$0x8800] =	vst v63  }
0x4e: {  	_ =	swait.ge [sflag:s9], $0x4000  }
0x4f: {  	[sflag:s9] =	ssyncset.done $0x0  }
0x50: {  	s29 =	ssub.s32 $0x2, s29;
	s28 =	sadd.s32 $0x4000, s10;
	[sflag:s9] =	ssyncadd.s32 $0xFFFFC000  }
0x51: {  	[hbm4b:s28+s3] =	stream.linear.scatter [tilespmem:s7], [sflag:$0x3], $0x4000, $0x38;
	[tilespmem:$0x8800] =	vst v63  }
0x52: {  	s31 =	sshrl.u32 s29, $0x1;
	_ =	swait.ge [sflag:s4], $0x4000  }
0x53: {  	s29 =	ssub.s32 s29, s31;
	[sflag:s4] =	ssyncset.done $0x0  }
0x54: {  	s31 =	smax.u32 s29, $0x1;
	[sflag:s4] =	ssyncadd.s32 $0xFFFFC000  }
0x55: {  	p0 =	sne.s32 s31, $0x1;
	_ =	swait.ge [sflag:s12], $0x4000  }
.Ltmp0:
0x56: {  	[sflag:s12] =	ssyncset.done $0x0;
	(pc) =	sbr.rel @!p0 .LBB2_2-.Ltmp0, $4  }
0x57: {  	s29 =	sadd.s32 $0x4800, s30;
	[sflag:s12] =	ssyncadd.s32 $0xFFFFC000  }
0x58: {  	[hbm4b:s29+s3] =	stream.linear.scatter [tilespmem:s8], [sflag:$0x3], $0x4000, $0x38;
	[tilespmem:$0x8800] =	vst v63  }
0x59: {  	_ =	swait.ge [sflag:s4], $0x4000  }
0x5a: {  	s30 =	sadd.s32 $0xFFFFFFFF, s31;
	[sflag:s4] =	ssyncset.done $0x0  }
.LBB2_1:
0x5b: {  	p0 =	sne.s32 s30, $0x1;
	s30 =	sadd.s32 $0xFFFFFFFF, s30;
	[sflag:s4] =	ssyncadd.s32 $0xFFFFC000  }
0x5c: {  	[tilespmem:s3], [sflag:$0x3] =	stream.linear.gather [hbm4b:s5+s3], $0x500, $0x38;
	[tilespmem:$0x8800] =	vst v63  }
0x5d: {  	_ =	swait.ge [sflag:s4], $0x500  }
0x5e: {  	[sflag:s4] =	ssyncset.done $0x0  }
0x5f: {  	[sflag:s4] =	ssyncadd.s32 $0xFFFFFB00  }
0x60: {  	[tilespmem:s7], [sflag:$0x1] =	stream.indirect.gather [hbm4b:s2+s6], $0x80, s3, s6, $0xb8;
	[tilespmem:$0x8800] =	vst v63  }
0x61: {  	_ = 	snop  }
0x62: {  	[tilespmem:s8], [sflag:$0x2] =	stream.indirect.gather [hbm4b:s2+s6], $0x80, s6, s6, $0xb8;
	[tilespmem:$0x8800] =	vst v63  }
0x63: {  	_ =	swait.ge [sflag:s9], $0x4000  }
0x64: {  	[sflag:s9] =	ssyncset.done $0x0  }
0x65: {  	[sflag:s9] =	ssyncadd.s32 $0xFFFFC000  }
0x66: {  	[hbm4b:s10+s3] =	stream.linear.scatter [tilespmem:s7], [sflag:$0x3], $0x4000, $0x38;
	[tilespmem:$0x8800] =	vst v63  }
0x67: {  	_ =	swait.ge [sflag:s4], $0x4000  }
0x68: {  	[sflag:s4] =	ssyncset.done $0x0  }
0x69: {  	[sflag:s4] =	ssyncadd.s32 $0xFFFFC000  }
0x6a: {  	[tilespmem:s7], [sflag:$0x1] =	stream.indirect.gather [hbm4b:s2+s6], $0x80, s11, s6, $0xb8;
	[tilespmem:$0x8800] =	vst v63  }
0x6b: {  	_ =	swait.ge [sflag:s12], $0x4000  }
0x6c: {  	[sflag:s12] =	ssyncset.done $0x0  }
0x6d: {  	[sflag:s12] =	ssyncadd.s32 $0xFFFFC000  }
0x6e: {  	[hbm4b:s13+s3] =	stream.linear.scatter [tilespmem:s8], [sflag:$0x3], $0x4000, $0x38;
	[tilespmem:$0x8800] =	vst v63  }
0x6f: {  	_ =	swait.ge [sflag:s4], $0x4000  }
0x70: {  	[sflag:s4] =	ssyncset.done $0x0  }
0x71: {  	[sflag:s4] =	ssyncadd.s32 $0xFFFFC000  }
0x72: {  	[tilespmem:s8], [sflag:$0x2] =	stream.indirect.gather [hbm4b:s2+s6], $0x80, s14, s6, $0xb8;
	[tilespmem:$0x8800] =	vst v63  }
0x73: {  	_ =	swait.ge [sflag:s9], $0x4000  }
0x74: {  	[sflag:s9] =	ssyncset.done $0x0  }
0x75: {  	[sflag:s9] =	ssyncadd.s32 $0xFFFFC000  }
0x76: {  	[hbm4b:s15+s3] =	stream.linear.scatter [tilespmem:s7], [sflag:$0x3], $0x4000, $0x38;
	[tilespmem:$0x8800] =	vst v63  }
0x77: {  	_ =	swait.ge [sflag:s4], $0x4000  }
0x78: {  	[sflag:s4] =	ssyncset.done $0x0  }
0x79: {  	[sflag:s4] =	ssyncadd.s32 $0xFFFFC000  }
0x7a: {  	[tilespmem:s7], [sflag:$0x1] =	stream.indirect.gather [hbm4b:s2+s6], $0x80, s16, s6, $0xb8;
	[tilespmem:$0x8800] =	vst v63  }
0x7b: {  	_ =	swait.ge [sflag:s12], $0x4000  }
0x7c: {  	[sflag:s12] =	ssyncset.done $0x0  }
0x7d: {  	[sflag:s12] =	ssyncadd.s32 $0xFFFFC000  }
0x7e: {  	[hbm4b:s17+s3] =	stream.linear.scatter [tilespmem:s8], [sflag:$0x3], $0x4000, $0x38;
	[tilespmem:$0x8800] =	vst v63  }
0x7f: {  	_ =	swait.ge [sflag:s4], $0x4000  }
0x80: {  	[sflag:s4] =	ssyncset.done $0x0  }
0x81: {  	[sflag:s4] =	ssyncadd.s32 $0xFFFFC000  }
0x82: {  	[tilespmem:s8], [sflag:$0x2] =	stream.indirect.gather [hbm4b:s2+s6], $0x80, s18, s6, $0xb8;
	[tilespmem:$0x8800] =	vst v63  }
0x83: {  	_ =	swait.ge [sflag:s9], $0x4000  }
0x84: {  	[sflag:s9] =	ssyncset.done $0x0  }
0x85: {  	[sflag:s9] =	ssyncadd.s32 $0xFFFFC000  }
0x86: {  	[hbm4b:s19+s3] =	stream.linear.scatter [tilespmem:s7], [sflag:$0x3], $0x4000, $0x38;
	[tilespmem:$0x8800] =	vst v63  }
0x87: {  	_ =	swait.ge [sflag:s4], $0x4000  }
0x88: {  	[sflag:s4] =	ssyncset.done $0x0  }
0x89: {  	[sflag:s4] =	ssyncadd.s32 $0xFFFFC000  }
0x8a: {  	[tilespmem:s7], [sflag:$0x1] =	stream.indirect.gather [hbm4b:s2+s6], $0x80, s20, s6, $0xb8;
	[tilespmem:$0x8800] =	vst v63  }
0x8b: {  	_ =	swait.ge [sflag:s12], $0x4000  }
0x8c: {  	[sflag:s12] =	ssyncset.done $0x0  }
0x8d: {  	[sflag:s12] =	ssyncadd.s32 $0xFFFFC000  }
0x8e: {  	[hbm4b:s21+s3] =	stream.linear.scatter [tilespmem:s8], [sflag:$0x3], $0x4000, $0x38;
	[tilespmem:$0x8800] =	vst v63  }
0x8f: {  	_ =	swait.ge [sflag:s4], $0x4000  }
0x90: {  	[sflag:s4] =	ssyncset.done $0x0  }
0x91: {  	[sflag:s4] =	ssyncadd.s32 $0xFFFFC000  }
0x92: {  	[tilespmem:s8], [sflag:$0x2] =	stream.indirect.gather [hbm4b:s2+s6], $0x80, s22, s6, $0xb8;
	[tilespmem:$0x8800] =	vst v63  }
0x93: {  	_ =	swait.ge [sflag:s9], $0x4000  }
0x94: {  	[sflag:s9] =	ssyncset.done $0x0  }
0x95: {  	[sflag:s9] =	ssyncadd.s32 $0xFFFFC000  }
0x96: {  	[hbm4b:s23+s3] =	stream.linear.scatter [tilespmem:s7], [sflag:$0x3], $0x4000, $0x38;
	[tilespmem:$0x8800] =	vst v63  }
0x97: {  	_ =	swait.ge [sflag:s4], $0x4000  }
0x98: {  	[sflag:s4] =	ssyncset.done $0x0  }
0x99: {  	[sflag:s4] =	ssyncadd.s32 $0xFFFFC000  }
0x9a: {  	[tilespmem:s7], [sflag:$0x1] =	stream.indirect.gather [hbm4b:s2+s6], $0x80, s24, s6, $0xb8;
	[tilespmem:$0x8800] =	vst v63  }
0x9b: {  	_ =	swait.ge [sflag:s12], $0x4000  }
0x9c: {  	[sflag:s12] =	ssyncset.done $0x0  }
0x9d: {  	[sflag:s12] =	ssyncadd.s32 $0xFFFFC000  }
0x9e: {  	[hbm4b:s25+s3] =	stream.linear.scatter [tilespmem:s8], [sflag:$0x3], $0x4000, $0x38;
	[tilespmem:$0x8800] =	vst v63  }
0x9f: {  	_ =	swait.ge [sflag:s4], $0x4000  }
0xa0: {  	[sflag:s4] =	ssyncset.done $0x0  }
0xa1: {  	[sflag:s4] =	ssyncadd.s32 $0xFFFFC000  }
0xa2: {  	[tilespmem:s8], [sflag:$0x2] =	stream.indirect.gather [hbm4b:s2+s6], $0x80, s26, s6, $0xb8;
	[tilespmem:$0x8800] =	vst v63  }
0xa3: {  	_ =	swait.ge [sflag:s9], $0x4000  }
0xa4: {  	[sflag:s9] =	ssyncset.done $0x0  }
0xa5: {  	[sflag:s9] =	ssyncadd.s32 $0xFFFFC000  }
0xa6: {  	[hbm4b:s28+s3] =	stream.linear.scatter [tilespmem:s7], [sflag:$0x3], $0x4000, $0x38;
	[tilespmem:$0x8800] =	vst v63  }
0xa7: {  	_ =	swait.ge [sflag:s4], $0x4000  }
0xa8: {  	[sflag:s4] =	ssyncset.done $0x0  }
0xa9: {  	[sflag:s4] =	ssyncadd.s32 $0xFFFFC000  }
0xaa: {  	_ =	swait.ge [sflag:s12], $0x4000  }
.Ltmp1:
0xab: {  	[sflag:s12] =	ssyncset.done $0x0;
	(pc) =	sbr.rel @p0 .LBB2_1-.Ltmp1, $4  }
0xac: {  	[sflag:s12] =	ssyncadd.s32 $0xFFFFC000  }
0xad: {  	[hbm4b:s29+s3] =	stream.linear.scatter [tilespmem:s8], [sflag:$0x3], $0x4000, $0x38;
	[tilespmem:$0x8800] =	vst v63  }
0xae: {  	_ =	swait.ge [sflag:s4], $0x4000  }
0xaf: {  	[sflag:s4] =	ssyncset.done $0x0  }
.LBB2_2:
0xb0: {  	[sflag:s4] =	ssyncadd.s32 $0xFFFFC000  }
0xb1: {  	_ =	sfence.sel $0x180000  }
0xb2: {  	[bflag:$0x0] =	sbarrier.arrive $0xFFFF  }
0xb3: {  	p0 =	sne.s32 s0, $0x0;
	_ =	strace $0x9000004D  }
0xb4: {  	s0 =	sadd.s32 @!p0 $0x100000, s1;
	[bflag:$0x2] =	sbarrier.arrive $0xFFFF  }
0xb5: {  	[sflag:s0] =	ssyncadd.tile.s32 @!p0 $0x1;
	_ =	shalt  }
.Lfunc_end2:
_tile_overlayer_lowered:
.L_overlay_start_2:
0xb6: {  	(tag) =	ssettag $0x2  }
0xb7: {  	s0 =	rddreg [dreg:$0x0];
	s2 =	stileid.u32  }
0xb8: {  	s1 =	rddreg [dreg:$0x1];
	p0 =	sne.s32 s2, $0x0  }
0xb9: {  	s3 =	rddreg [dreg:$0x2];
	[bflag:$0x3] =	sbarrier.arrive $0xFFFF;
	s2 =	simm.s32 @!p0 $0x1C03  }
0xba: {  	[timem:s3], [sflag:s2] =	dma.local @!p0 [hbm:s0], s1  }
0xbb: {  	s0 =	simm.s32 @!p0 $0x3  }
0xbc: {  	_ =	swait.ge @!p0 [sflag:s0], s1  }
0xbd: {  	s1 =	ssub.s32 @!p0 $0x0, s1;
	[sflag:s0] =	ssyncset.done @!p0 $0x0  }
0xbe: {  	[sflag:s0] =	ssyncadd.s32 @!p0 s1  }
0xbf: {  	[bflag:$0x3] =	sbarrier.arrive $0xFFFF  }
0xc0: {  	_ =	shalt  }

// kernel: kernel.21.cloned.1.call-start
scs
__scs_entry_jumppad:
0x0: {  	(pc) =	sbr.rel $0x88, $3  }
0x1: {  	(tag) =	ssettag $0x0;
	lr =	simm.s32 $0x1  }
0x2: {  	[smem:$0x3F97] =	sst lr;
	_ =	strace $0xD0000000  }
0x3: {  	_ = 	snop  }
0x4: {  	_ = 	snop  }
0x5: {  	_ = 	snop  }
0x6: {  	_ = 	snop  }
0x7: {  	_ = 	snop  }
__scs_overlays_trampoline_lowered:
0x8: {  	[smem:$0x3FA6] =	sst s0  }
0x9: {  	[smem:$0x3FA7] =	sst s1  }
0xa: {  	[smem:$0x3FA8] =	sst s2  }
0xb: {  	[smem:$0x3FA9] =	sst s3  }
0xc: {  	[smem:$0x3FAA] =	sst s4  }
0xd: {  	[smem:$0x3FAB] =	sst s5  }
0xe: {  	[smem:$0x3FAC] =	sst s6  }
0xf: {  	[smem:$0x3FAD] =	sst s7  }
0x10: {  	[smem:$0x3FAE] =	sst s8  }
0x11: {  	[smem:$0x3FAF] =	sst s9;
	s0 =	simm.s32 @!p0 $0x0  }
0x12: {  	s1 =	sld [smem:$0x3F95];
	s0 =	simm.s32 @p0 $0x1  }
0x13: {  	[smem:$0x3FB0] =	sst s0;
	s0 =	simm.s32 @!p1 $0x0  }
0x14: {  	s2 =	sld [smem:$0x3F94];
	s0 =	simm.s32 @p1 $0x1  }
0x15: {  	[smem:$0x3FB1] =	sst s0;
	s0 =	simm.s32 @!p2 $0x0  }
0x16: {  	s3 =	sld [smem:$0x3FDB];
	s0 =	simm.s32 @p2 $0x1  }
0x17: {  	s4 =	simm.s32 $0x1BF5;
	[smem:$0x3FB3] =	sst s0  }
0x18: {  	s0 =	sld [smem:$0x3F96];
	_ =	swait.ge [sflag:s4], $0x0  }
0x19: {  	s7 =	sld [smem:$0x3F97]  }
0x1a: {  	s8 =	sadd.s32 $0xFFFFE003, lr  }
0x1b: {  	s9 =	sadd.s32 $0xFFFFFEF7, lr;
	s5 =	simm.s32 $0xFFFFFFFF;
	p2 =	slt.u32 s8, $0xFFFFF086  }
0x1c: {  	p1 =	slt.u32 s9, $0xF7A;
	s5 =	simm.s32 @!p2 $0x0  }
0x1d: {  	s5 =	simm.s32 @p1 $0x1;
	p0 =	seq.s32 s7, s2  }
0x1e: {  	s7 =	smul.u32 @!p0 $0xF7A, s2;
	p2 =	seq.s32 @!p0 s5, $0x0  }
0x1f: {  	s9 =	smul.u32 $0xF7A, s1;
	s8 =	simm.s32 @!p0 $0x1BF5;
	p2 =	por !p2, p0  }
0x20: {  	[sflag:s8] =	ssyncset.s32 @!p0 $0xFFFFF086;
	s6 =	sadd.s32 @!p0 s3, s7;
	s7 =	simm.s32 @!p0 $0x108  }
0x21: {  	s3 =	sadd.s32 s3, s9;
	s6 =	sadd.s32 @!p0 $0x88, s6;
	s7 =	simm.s32 @p2 $0x1082  }
0x22: {  	[simem:s7], [sflag:s8] =	dma.local @!p0 [hbm:s6], $0xF7A  }
0x23: {  	s9 =	sor.u32 $0xD0000000, s2;
	s6 =	simm.s32 $0x108;
	_ =	swait.ge @!p0 [sflag:s8], $0x0  }
0x24: {  	s3 =	sadd.s32 $0x88, s3;
	s6 =	simm.s32 @!p1 $0x1082;
	[sflag:s4] =	ssyncset.s32 $0xFFFFF086  }
0x25: {  	[simem:s6], [sflag:s4] =	dma.local [hbm:s3], $0xF7A  }
0x26: {  	[smem:$0x3F97] =	sst s1;
	(tag) =	ssettag s2;
	_ =	strace s9  }
0x27: {  	s1 =	sld [smem:$0x3FA7]  }
0x28: {  	s2 =	sld [smem:$0x3FA8]  }
0x29: {  	s4 =	sld [smem:$0x3FAA]  }
0x2a: {  	p0 =	seq.s32 s5, $0x0;
	s5 =	sld [smem:$0x3FAB]  }
0x2b: {  	s6 =	sld [smem:$0x3FAC]  }
0x2c: {  	s7 =	sld [smem:$0x3FAD]  }
0x2d: {  	s3 =	simm.s32 $0x108;
	s8 =	sld [smem:$0x3FAE]  }
0x2e: {  	s3 =	simm.s32 @!p0 $0x1082;
	s9 =	sld [smem:$0x3FAF]  }
0x2f: {  	lr =	sadd.s32 s0, s3;
	s0 =	sld [smem:$0x3FA6]  }
0x30: {  	s3 =	sld [smem:$0x3FA9]  }
0x31: {  	[smem:$0x3FB2] =	sst s10  }
0x32: {  	s10 =	sld [smem:$0x3FB0];
	_ =	sdelay $0x3  }
0x33: {  	p0 =	seq.s32 s10, $0x1;
	s10 =	sld [smem:$0x3FB2];
	_ =	sdelay $0x3  }
0x34: {  	[smem:$0x3FB2] =	sst s10  }
0x35: {  	s10 =	sld [smem:$0x3FB1];
	_ =	sdelay $0x3  }
0x36: {  	p1 =	seq.s32 s10, $0x1;
	s10 =	sld [smem:$0x3FB2];
	_ =	sdelay $0x3  }
0x37: {  	[smem:$0x3FB2] =	sst s10  }
0x38: {  	s10 =	sld [smem:$0x3FB3]  }
0x39: {  	_ = 	snop;
	(pc) =	sbr.ind lr, $3  }
0x3a: {  	_ = 	snop  }
0x3b: {  	_ = 	snop  }
0x3c: {  	p2 =	seq.s32 s10, $0x1;
	s10 =	sld [smem:$0x3FB2]  }
0x3d: {  	_ =	shalt  }
0x3e: {  	_ =	shalt  }
0x3f: {  	_ =	shalt  }
0x40: {  	_ =	shalt  }
0x41: {  	_ =	shalt  }
0x42: {  	_ =	shalt  }
0x43: {  	_ =	shalt  }
0x44: {  	_ =	shalt  }
0x45: {  	_ =	shalt  }
0x46: {  	_ =	shalt  }
0x47: {  	_ =	shalt  }
0x48: {  	_ =	shalt  }
0x49: {  	_ =	shalt  }
0x4a: {  	_ =	shalt  }
0x4b: {  	_ =	shalt  }
0x4c: {  	_ =	shalt  }
0x4d: {  	_ =	shalt  }
0x4e: {  	_ =	shalt  }
0x4f: {  	_ =	shalt  }
0x50: {  	_ =	shalt  }
0x51: {  	_ =	shalt  }
0x52: {  	_ =	shalt  }
0x53: {  	_ =	shalt  }
0x54: {  	_ =	shalt  }
0x55: {  	_ =	shalt  }
0x56: {  	_ =	shalt  }
0x57: {  	_ =	shalt  }
0x58: {  	_ =	shalt  }
0x59: {  	_ =	shalt  }
0x5a: {  	_ =	shalt  }
0x5b: {  	_ =	shalt  }
0x5c: {  	_ =	shalt  }
0x5d: {  	_ =	shalt  }
0x5e: {  	_ =	shalt  }
0x5f: {  	_ =	shalt  }
0x60: {  	_ =	shalt  }
0x61: {  	_ =	shalt  }
0x62: {  	_ =	shalt  }
0x63: {  	_ =	shalt  }
0x64: {  	_ =	shalt  }
0x65: {  	_ =	shalt  }
0x66: {  	_ =	shalt  }
0x67: {  	_ =	shalt  }
0x68: {  	_ =	shalt  }
0x69: {  	_ =	shalt  }
0x6a: {  	_ =	shalt  }
0x6b: {  	_ =	shalt  }
0x6c: {  	_ =	shalt  }
0x6d: {  	_ =	shalt  }
0x6e: {  	_ =	shalt  }
0x6f: {  	_ =	shalt  }
0x70: {  	_ =	shalt  }
0x71: {  	_ =	shalt  }
0x72: {  	_ =	shalt  }
0x73: {  	_ =	shalt  }
0x74: {  	_ =	shalt  }
0x75: {  	_ =	shalt  }
0x76: {  	_ =	shalt  }
0x77: {  	_ =	shalt  }
0x78: {  	_ =	shalt  }
0x79: {  	_ =	shalt  }
0x7a: {  	_ =	shalt  }
0x7b: {  	_ =	shalt  }
0x7c: {  	_ =	shalt  }
0x7d: {  	_ =	shalt  }
0x7e: {  	_ =	shalt  }
0x7f: {  	_ =	shalt  }
0x80: {  	_ =	shalt  }
0x81: {  	_ =	shalt  }
0x82: {  	_ =	shalt  }
0x83: {  	_ =	shalt  }
0x84: {  	_ =	shalt  }
0x85: {  	_ =	shalt  }
0x86: {  	_ =	shalt  }
0x87: {  	_ =	shalt  }
.Lfunc_end0:
.L_simem_size_0:
called_computation.3_lowered:
.L_overlay_start_0:
0x88: {  	s2 =	sld [smem:$0x3FD9]  }
0x89: {  	s3 =	sld [smem:$0x3FFE];
	_ =	sdelay $0x1  }
0x8a: {  	s1 =	srdreg.scid  }
0x8b: {  	s0 =	sand.u32 $0x1, s1  }
0x8c: {  	s17 =	sshll.u32 s0, $0xA;
	s2 =	sadd.s32 s3, s2  }
0x8d: {  	s2 =	sadd.s32 s2, s17  }
0x8e: {  	[smem:$0x3FBE] =	sst s2  }
0x8f: {  	_ = 	snop  }
0x90: {  	s18 =	sld [smem:$0x3FC6];
	(tm) =	ssettm $0x1  }
0x91: {  	s19 =	sld [smem:$0x3FFB];
	_ =	sdelay $0x3  }
0x92: {  	_ =	strace s19  }
0x93: {  	s2 =	sld [smem:$0x3FFC];
	_ =	sdelay $0x3  }
0x94: {  	_ =	strace s2  }
0x95: {  	s2 =	sld [smem:$0x3FFD];
	_ =	sdelay $0x3  }
0x96: {  	_ =	strace s2  }
0x97: {  	_ =	strace $0x8FFFFFFF  }
0x98: {  	s20 =	sld [smem:$0x3FDB];
	_ =	sdelay $0x1  }
0x99: {  	s4 =	simm.s32 $_scs_section_size  }
0x9a: {  	s5 =	simm.s32 $_size__tile_overlayer_lowered;
	s6 =	simm.s32 $_tile_overlayer_lowered  }
0x9b: {  	s7 =	simm.s32 $0x1BFF;
	s21 =	sshll.u32 s6, $0x1;
	s4 =	sadd.s32 s4, s20  }
0x9c: {  	s22 =	simm.s32 $0x0;
	s5 =	sshll.u32 s5, $0x1;
	s6 =	sadd.s32 s21, s4  }
0x9d: {  	[timem:s22], [sflag:s7] =	dma.local [hbm:s6], s5  }
0x9e: {  	_ =	swait.ge [sflag:s7], s5  }
0x9f: {  	s5 =	ssub.s32 $0x0, s5;
	[sflag:s7] =	ssyncset.done $0x0  }
0xa0: {  	[sflag:s7] =	ssyncadd.s32 s5;
	_ =	sdelay $0x1  }
0xa1: {  	s23 =	simm.s32 $0x1B8B  }
0xa2: {  	_ =	swait.ge [sflag:s23], $0x1  }
0xa3: {  	[sflag:s23] =	ssyncset.done $0x0  }
0xa4: {  	[sflag:s23] =	ssyncadd.s32 $0xFFFFFFFF  }
0xa5: {  	s5 =	sld [smem:$0x0]  }
0xa6: {  	s6 =	sand.u32 $0xFFFFFFFE, s1  }
0xa7: {  	p0 =	sne.s32 s1, s6  }
0xa8: {  	s6 =	sshll.u32 @p0 s6, $0xE  }
0xa9: {  	s6 =	sadd.s32 @p0 $0x11B8D, s6;
	s7 =	sshll.u32 @p0 s5, $0x11  }
0xaa: {  	s6 =	sor.u32 @p0 s7, s6  }
0xab: {  	[sflag:s6] =	ssyncadd.remote.s32 @p0 $0x1;
	_ =	sdelay $0x1  }
0xac: {  	s6 =	simm.s32 @p0 $0x1B8D  }
0xad: {  	_ =	swait.eq @p0 [sflag:s6], $0x1  }
0xae: {  	[sflag:s6] =	ssyncadd.s32 @p0 $0xFFFFFFFF  }
0xaf: {  	s7 =	sshll.u32 @!p0 s1, $0xE  }
0xb0: {  	s7 =	sor.u32 @!p0 $0x4000, s7;
	s6 =	simm.s32 @!p0 $0x1B8D  }
0xb1: {  	s5 =	sshll.u32 @!p0 s5, $0x11;
	s7 =	sadd.s32 @!p0 $0x11B8D, s7;
	_ =	swait.eq @!p0 [sflag:s6], $0x1  }
0xb2: {  	s5 =	sor.u32 @!p0 s5, s7;
	[sflag:s6] =	ssyncadd.s32 @!p0 $0xFFFFFFFF  }
0xb3: {  	s25 =	simm.s32 $0x1B8E;
	s24 =	sld [smem:$0x3FFE];
	[sflag:s5] =	ssyncadd.remote.s32 @!p0 $0x1  }
0xb4: {  	s26 =	simm.s32 $execute0_lowered;
	[smem:$0x3FD2] =	sst s25  }
0xb5: {  	s6 =	sshll.u32 s26, $0x1;
	_ =	strace $0x8000004F;
	[dreg:$0x1] =	wrdreg $0xFFFFFFFF  }
0xb6: {  	s28 =	simm.s32 $_size_execute0_lowered;
	s4 =	sadd.s32 s4, s6;
	[dreg:$0x0] =	wrdreg $0x0  }
0xb7: {  	s6 =	sshll.u32 s28, $0x1;
	[dreg:$0x2] =	wrdreg s4  }
0xb8: {  	[dreg:$0x3] =	wrdreg s6  }
0xb9: {  	[dreg:$0x4] =	wrdreg $0xC0  }
0xba: {  	_ =	task [dreg:s22], $0x5FFFF  }
0xbb: {  	[dreg:$0x1] =	wrdreg $0xFFFFFFFF  }
0xbc: {  	[dreg:$0x0] =	wrdreg $0x60  }
0xbd: {  	[dreg:$0x2] =	wrdreg s24  }
0xbe: {  	[dreg:$0x3] =	wrdreg s18  }
0xbf: {  	[dreg:$0x4] =	wrdreg $0xC  }
0xc0: {  	_ =	task.clear_ibuf [dreg:s22], $0x5FFFF;
	_ =	strace $0x9000004F  }
0xc1: {  	s29 =	simm.s32 $0xC;
	_ =	strace $0x80000051  }
0xc2: {  	_ =	swait.ge [sflag:s29], $0x1  }
0xc3: {  	[sflag:s29] =	ssyncadd.s32 $0xFFFFFFFF  }
0xc4: {  	_ =	strace $0x90000051  }
0xc5: {  	_ =	sfence  }
0xc6: {  	s30 =	sld [smem:$0x0];
	_ =	sdelay $0x2  }
0xc7: {  	s31 =	sshll.u32 s1, $0xD;
	s1 =	sshrl.u32 s1, $0x2  }
0xc8: {  	s4 =	sand.u32 $0x4000, s31;
	s1 =	sadd.s32 s1, s30  }
0xc9: {  	s0 =	sor.u32 s4, s0;
	s1 =	sshll.u32 s1, $0x11  }
0xca: {  	s0 =	sor.u32 s1, s0  }
0xcb: {  	s0 =	sadd.s32 $0x8F2B, s0  }
0xcc: {  	[sflag:s0] =	ssyncadd.remote.s32 $0x1  }
0xcd: {  	_ =	sfence.sel $0xFFFF  }
0xce: {  	[dreg:$0x0] =	wrdreg $0xFFFFFFFF;
	(pc) =	sbr.abs _section_cstart, $3  }
0xcf: {  	[dreg:$0x1] =	wrdreg $0xFFFFFFFF  }
0xd0: {  	_ =	task.clear_ibuf [dreg:s22], $0x2FFFF;
	_ =	strace $0x9FFFFFFF  }
0xd1: {  	(tm) =	ssettm $0x7FFFFFFF  }
tec
execute0_lowered:
.L_overlay_start_1:
0x0: {  	(tag) =	ssettag $0x1  }
0x1: {  	s1 =	srdreg.scid;
	s0 =	stileid.u32  }
0x2: {  	s10 =	rddreg [dreg:$0x0];
	s29 =	sand.u32 $0x1, s1;
	s26 =	sshll.u32 s0, $0x1  }
0x3: {  	s2 =	rddreg [dreg:$0x1];
	s11 =	sor.u32 s29, s26  }
0x4: {  	s3 =	simm.s32 $0x0;
	s1 =	rddreg [dreg:$0x2];
	s4 =	sshll.u32 s11, $0x8  }
0x5: {  	[smem:$0x7FF] =	sst s3;
	s4 =	sadd.s32 s4, s10  }
0x6: {  	_ =	strace $0x80000050;
	s5 =	sadd.s32 $0xA6C00, s4;
	s4 =	simm.s32 $0x3  }
0x7: {  	[tilespmem:s3], [sflag:$0x3] =	stream.linear.gather [hbm4b:s5+s3], $0x500, $0x38;
	[tilespmem:$0x8800] =	vst v63  }
0x8: {  	_ =	swait.ge [sflag:s4], $0x500  }
0x9: {  	[sflag:s4] =	ssyncset.done $0x0  }
0xa: {  	s6 =	simm.s32 $0x80;
	s7 =	simm.s32 $0x800;
	[sflag:s4] =	ssyncadd.s32 $0xFFFFFB00  }
0xb: {  	[tilespmem:s7], [sflag:$0x1] =	stream.indirect.gather [hbm4b:s2+s6], $0x80, s3, s6, $0xb8;
	[tilespmem:$0x8800] =	vst v63  }
0xc: {  	s8 =	simm.s32 $0x4800;
	s9 =	simm.s32 $0x1;
	s12 =	smul.u32 $0x28000, s11  }
0xd: {  	[tilespmem:s8], [sflag:$0x2] =	stream.indirect.gather [hbm4b:s2+s6], $0x80, s6, s6, $0xb8;
	[tilespmem:$0x8800] =	vst v63  }
0xe: {  	_ =	swait.ge [sflag:s9], $0x4000  }
0xf: {  	s13 =	sadd.s32 $0x1EAC00, s10;
	s31 =	sshrl.u32 s12, $0x3;
	[sflag:s9] =	ssyncset.done $0x0  }
0x10: {  	s10 =	sadd.s32 s13, s31;
	[sflag:s9] =	ssyncadd.s32 $0xFFFFC000  }
0x11: {  	[hbm4b:s10+s3] =	stream.linear.scatter [tilespmem:s7], [sflag:$0x3], $0x4000, $0x38;
	[tilespmem:$0x8800] =	vst v63  }
0x12: {  	_ =	swait.ge [sflag:s4], $0x4000  }
0x13: {  	s14 =	smul.u32 $0x5000, s11;
	[sflag:s4] =	ssyncset.done $0x0  }
0x14: {  	s11 =	simm.s32 $0x100;
	s12 =	simm.s32 $0x2;
	[sflag:s4] =	ssyncadd.s32 $0xFFFFC000  }
0x15: {  	[tilespmem:s7], [sflag:$0x1] =	stream.indirect.gather [hbm4b:s2+s6], $0x80, s11, s6, $0xb8;
	[tilespmem:$0x8800] =	vst v63  }
0x16: {  	_ =	swait.ge [sflag:s12], $0x4000  }
0x17: {  	s30 =	sadd.s32 s13, s14;
	[sflag:s12] =	ssyncset.done $0x0  }
0x18: {  	s13 =	sadd.s32 $0x800, s30;
	[sflag:s12] =	ssyncadd.s32 $0xFFFFC000  }
0x19: {  	[hbm4b:s13+s3] =	stream.linear.scatter [tilespmem:s8], [sflag:$0x3], $0x4000, $0x38;
	[tilespmem:$0x8800] =	vst v63  }
0x1a: {  	_ =	swait.ge [sflag:s4], $0x4000  }
0x1b: {  	[sflag:s4] =	ssyncset.done $0x0  }
0x1c: {  	s14 =	simm.s32 $0x180;
	[sflag:s4] =	ssyncadd.s32 $0xFFFFC000  }
0x1d: {  	[tilespmem:s8], [sflag:$0x2] =	stream.indirect.gather [hbm4b:s2+s6], $0x80, s14, s6, $0xb8;
	[tilespmem:$0x8800] =	vst v63  }
0x1e: {  	_ =	swait.ge [sflag:s9], $0x4000  }
0x1f: {  	[sflag:s9] =	ssyncset.done $0x0  }
0x20: {  	s15 =	sadd.s32 $0x1000, s10;
	[sflag:s9] =	ssyncadd.s32 $0xFFFFC000  }
0x21: {  	[hbm4b:s15+s3] =	stream.linear.scatter [tilespmem:s7], [sflag:$0x3], $0x4000, $0x38;
	[tilespmem:$0x8800] =	vst v63  }
0x22: {  	_ =	swait.ge [sflag:s4], $0x4000  }
0x23: {  	[sflag:s4] =	ssyncset.done $0x0  }
0x24: {  	s16 =	simm.s32 $0x200;
	[sflag:s4] =	ssyncadd.s32 $0xFFFFC000  }
0x25: {  	[tilespmem:s7], [sflag:$0x1] =	stream.indirect.gather [hbm4b:s2+s6], $0x80, s16, s6, $0xb8;
	[tilespmem:$0x8800] =	vst v63  }
0x26: {  	_ =	swait.ge [sflag:s12], $0x4000  }
0x27: {  	[sflag:s12] =	ssyncset.done $0x0  }
0x28: {  	s17 =	sadd.s32 $0x1800, s30;
	[sflag:s12] =	ssyncadd.s32 $0xFFFFC000  }
0x29: {  	[hbm4b:s17+s3] =	stream.linear.scatter [tilespmem:s8], [sflag:$0x3], $0x4000, $0x38;
	[tilespmem:$0x8800] =	vst v63  }
0x2a: {  	_ =	swait.ge [sflag:s4], $0x4000  }
0x2b: {  	[sflag:s4] =	ssyncset.done $0x0  }
0x2c: {  	s18 =	simm.s32 $0x280;
	[sflag:s4] =	ssyncadd.s32 $0xFFFFC000  }
0x2d: {  	[tilespmem:s8], [sflag:$0x2] =	stream.indirect.gather [hbm4b:s2+s6], $0x80, s18, s6, $0xb8;
	[tilespmem:$0x8800] =	vst v63  }
0x2e: {  	_ =	swait.ge [sflag:s9], $0x4000  }
0x2f: {  	[sflag:s9] =	ssyncset.done $0x0  }
0x30: {  	s19 =	sadd.s32 $0x2000, s10;
	[sflag:s9] =	ssyncadd.s32 $0xFFFFC000  }
0x31: {  	[hbm4b:s19+s3] =	stream.linear.scatter [tilespmem:s7], [sflag:$0x3], $0x4000, $0x38;
	[tilespmem:$0x8800] =	vst v63  }
0x32: {  	_ =	swait.ge [sflag:s4], $0x4000  }
0x33: {  	[sflag:s4] =	ssyncset.done $0x0  }
0x34: {  	s20 =	simm.s32 $0x300;
	[sflag:s4] =	ssyncadd.s32 $0xFFFFC000  }
0x35: {  	[tilespmem:s7], [sflag:$0x1] =	stream.indirect.gather [hbm4b:s2+s6], $0x80, s20, s6, $0xb8;
	[tilespmem:$0x8800] =	vst v63  }
0x36: {  	_ =	swait.ge [sflag:s12], $0x4000  }
0x37: {  	[sflag:s12] =	ssyncset.done $0x0  }
0x38: {  	s21 =	sadd.s32 $0x2800, s30;
	[sflag:s12] =	ssyncadd.s32 $0xFFFFC000  }
0x39: {  	[hbm4b:s21+s3] =	stream.linear.scatter [tilespmem:s8], [sflag:$0x3], $0x4000, $0x38;
	[tilespmem:$0x8800] =	vst v63  }
0x3a: {  	_ =	swait.ge [sflag:s4], $0x4000  }
0x3b: {  	[sflag:s4] =	ssyncset.done $0x0  }
0x3c: {  	s22 =	simm.s32 $0x380;
	[sflag:s4] =	ssyncadd.s32 $0xFFFFC000  }
0x3d: {  	[tilespmem:s8], [sflag:$0x2] =	stream.indirect.gather [hbm4b:s2+s6], $0x80, s22, s6, $0xb8;
	[tilespmem:$0x8800] =	vst v63  }
0x3e: {  	_ =	swait.ge [sflag:s9], $0x4000  }
0x3f: {  	[sflag:s9] =	ssyncset.done $0x0  }
0x40: {  	s23 =	sadd.s32 $0x3000, s10;
	[sflag:s9] =	ssyncadd.s32 $0xFFFFC000  }
0x41: {  	[hbm4b:s23+s3] =	stream.linear.scatter [tilespmem:s7], [sflag:$0x3], $0x4000, $0x38;
	[tilespmem:$0x8800] =	vst v63  }
0x42: {  	_ =	swait.ge [sflag:s4], $0x4000  }
0x43: {  	[sflag:s4] =	ssyncset.done $0x0  }
0x44: {  	s24 =	simm.s32 $0x400;
	[sflag:s4] =	ssyncadd.s32 $0xFFFFC000  }
0x45: {  	[tilespmem:s7], [sflag:$0x1] =	stream.indirect.gather [hbm4b:s2+s6], $0x80, s24, s6, $0xb8;
	[tilespmem:$0x8800] =	vst v63  }
0x46: {  	_ =	swait.ge [sflag:s12], $0x4000  }
0x47: {  	[sflag:s12] =	ssyncset.done $0x0  }
0x48: {  	s25 =	sadd.s32 $0x3800, s30;
	[sflag:s12] =	ssyncadd.s32 $0xFFFFC000  }
0x49: {  	[hbm4b:s25+s3] =	stream.linear.scatter [tilespmem:s8], [sflag:$0x3], $0x4000, $0x38;
	[tilespmem:$0x8800] =	vst v63  }
0x4a: {  	_ =	swait.ge [sflag:s4], $0x4000  }
0x4b: {  	[sflag:s4] =	ssyncset.done $0x0  }
0x4c: {  	s26 =	simm.s32 $0x480;
	[sflag:s4] =	ssyncadd.s32 $0xFFFFC000  }
0x4d: {  	[tilespmem:s8], [sflag:$0x2] =	stream.indirect.gather [hbm4b:s2+s6], $0x80, s26, s6, $0xb8;
	[tilespmem:$0x8800] =	vst v63  }
0x4e: {  	_ =	swait.ge [sflag:s9], $0x4000  }
0x4f: {  	[sflag:s9] =	ssyncset.done $0x0  }
0x50: {  	s29 =	ssub.s32 $0x2, s29;
	s28 =	sadd.s32 $0x4000, s10;
	[sflag:s9] =	ssyncadd.s32 $0xFFFFC000  }
0x51: {  	[hbm4b:s28+s3] =	stream.linear.scatter [tilespmem:s7], [sflag:$0x3], $0x4000, $0x38;
	[tilespmem:$0x8800] =	vst v63  }
0x52: {  	s31 =	sshrl.u32 s29, $0x1;
	_ =	swait.ge [sflag:s4], $0x4000  }
0x53: {  	s29 =	ssub.s32 s29, s31;
	[sflag:s4] =	ssyncset.done $0x0  }
0x54: {  	s31 =	smax.u32 s29, $0x1;
	[sflag:s4] =	ssyncadd.s32 $0xFFFFC000  }
0x55: {  	p0 =	sne.s32 s31, $0x1;
	_ =	swait.ge [sflag:s12], $0x4000  }
.Ltmp0:
0x56: {  	[sflag:s12] =	ssyncset.done $0x0;
	(pc) =	sbr.rel @!p0 .LBB2_2-.Ltmp0, $4  }
0x57: {  	s29 =	sadd.s32 $0x4800, s30;
	[sflag:s12] =	ssyncadd.s32 $0xFFFFC000  }
0x58: {  	[hbm4b:s29+s3] =	stream.linear.scatter [tilespmem:s8], [sflag:$0x3], $0x4000, $0x38;
	[tilespmem:$0x8800] =	vst v63  }
0x59: {  	_ =	swait.ge [sflag:s4], $0x4000  }
0x5a: {  	s30 =	sadd.s32 $0xFFFFFFFF, s31;
	[sflag:s4] =	ssyncset.done $0x0  }
.LBB2_1:
0x5b: {  	p0 =	sne.s32 s30, $0x1;
	s30 =	sadd.s32 $0xFFFFFFFF, s30;
	[sflag:s4] =	ssyncadd.s32 $0xFFFFC000  }
0x5c: {  	[tilespmem:s3], [sflag:$0x3] =	stream.linear.gather [hbm4b:s5+s3], $0x500, $0x38;
	[tilespmem:$0x8800] =	vst v63  }
0x5d: {  	_ =	swait.ge [sflag:s4], $0x500  }
0x5e: {  	[sflag:s4] =	ssyncset.done $0x0  }
0x5f: {  	[sflag:s4] =	ssyncadd.s32 $0xFFFFFB00  }
0x60: {  	[tilespmem:s7], [sflag:$0x1] =	stream.indirect.gather [hbm4b:s2+s6], $0x80, s3, s6, $0xb8;
	[tilespmem:$0x8800] =	vst v63  }
0x61: {  	_ = 	snop  }
0x62: {  	[tilespmem:s8], [sflag:$0x2] =	stream.indirect.gather [hbm4b:s2+s6], $0x80, s6, s6, $0xb8;
	[tilespmem:$0x8800] =	vst v63  }
0x63: {  	_ =	swait.ge [sflag:s9], $0x4000  }
0x64: {  	[sflag:s9] =	ssyncset.done $0x0  }
0x65: {  	[sflag:s9] =	ssyncadd.s32 $0xFFFFC000  }
0x66: {  	[hbm4b:s10+s3] =	stream.linear.scatter [tilespmem:s7], [sflag:$0x3], $0x4000, $0x38;
	[tilespmem:$0x8800] =	vst v63  }
0x67: {  	_ =	swait.ge [sflag:s4], $0x4000  }
0x68: {  	[sflag:s4] =	ssyncset.done $0x0  }
0x69: {  	[sflag:s4] =	ssyncadd.s32 $0xFFFFC000  }
0x6a: {  	[tilespmem:s7], [sflag:$0x1] =	stream.indirect.gather [hbm4b:s2+s6], $0x80, s11, s6, $0xb8;
	[tilespmem:$0x8800] =	vst v63  }
0x6b: {  	_ =	swait.ge [sflag:s12], $0x4000  }
0x6c: {  	[sflag:s12] =	ssyncset.done $0x0  }
0x6d: {  	[sflag:s12] =	ssyncadd.s32 $0xFFFFC000  }
0x6e: {  	[hbm4b:s13+s3] =	stream.linear.scatter [tilespmem:s8], [sflag:$0x3], $0x4000, $0x38;
	[tilespmem:$0x8800] =	vst v63  }
0x6f: {  	_ =	swait.ge [sflag:s4], $0x4000  }
0x70: {  	[sflag:s4] =	ssyncset.done $0x0  }
0x71: {  	[sflag:s4] =	ssyncadd.s32 $0xFFFFC000  }
0x72: {  	[tilespmem:s8], [sflag:$0x2] =	stream.indirect.gather [hbm4b:s2+s6], $0x80, s14, s6, $0xb8;
	[tilespmem:$0x8800] =	vst v63  }
0x73: {  	_ =	swait.ge [sflag:s9], $0x4000  }
0x74: {  	[sflag:s9] =	ssyncset.done $0x0  }
0x75: {  	[sflag:s9] =	ssyncadd.s32 $0xFFFFC000  }
0x76: {  	[hbm4b:s15+s3] =	stream.linear.scatter [tilespmem:s7], [sflag:$0x3], $0x4000, $0x38;
	[tilespmem:$0x8800] =	vst v63  }
0x77: {  	_ =	swait.ge [sflag:s4], $0x4000  }
0x78: {  	[sflag:s4] =	ssyncset.done $0x0  }
0x79: {  	[sflag:s4] =	ssyncadd.s32 $0xFFFFC000  }
0x7a: {  	[tilespmem:s7], [sflag:$0x1] =	stream.indirect.gather [hbm4b:s2+s6], $0x80, s16, s6, $0xb8;
	[tilespmem:$0x8800] =	vst v63  }
0x7b: {  	_ =	swait.ge [sflag:s12], $0x4000  }
0x7c: {  	[sflag:s12] =	ssyncset.done $0x0  }
0x7d: {  	[sflag:s12] =	ssyncadd.s32 $0xFFFFC000  }
0x7e: {  	[hbm4b:s17+s3] =	stream.linear.scatter [tilespmem:s8], [sflag:$0x3], $0x4000, $0x38;
	[tilespmem:$0x8800] =	vst v63  }
0x7f: {  	_ =	swait.ge [sflag:s4], $0x4000  }
0x80: {  	[sflag:s4] =	ssyncset.done $0x0  }
0x81: {  	[sflag:s4] =	ssyncadd.s32 $0xFFFFC000  }
0x82: {  	[tilespmem:s8], [sflag:$0x2] =	stream.indirect.gather [hbm4b:s2+s6], $0x80, s18, s6, $0xb8;
	[tilespmem:$0x8800] =	vst v63  }
0x83: {  	_ =	swait.ge [sflag:s9], $0x4000  }
0x84: {  	[sflag:s9] =	ssyncset.done $0x0  }
0x85: {  	[sflag:s9] =	ssyncadd.s32 $0xFFFFC000  }
0x86: {  	[hbm4b:s19+s3] =	stream.linear.scatter [tilespmem:s7], [sflag:$0x3], $0x4000, $0x38;
	[tilespmem:$0x8800] =	vst v63  }
0x87: {  	_ =	swait.ge [sflag:s4], $0x4000  }
0x88: {  	[sflag:s4] =	ssyncset.done $0x0  }
0x89: {  	[sflag:s4] =	ssyncadd.s32 $0xFFFFC000  }
0x8a: {  	[tilespmem:s7], [sflag:$0x1] =	stream.indirect.gather [hbm4b:s2+s6], $0x80, s20, s6, $0xb8;
	[tilespmem:$0x8800] =	vst v63  }
0x8b: {  	_ =	swait.ge [sflag:s12], $0x4000  }
0x8c: {  	[sflag:s12] =	ssyncset.done $0x0  }
0x8d: {  	[sflag:s12] =	ssyncadd.s32 $0xFFFFC000  }
0x8e: {  	[hbm4b:s21+s3] =	stream.linear.scatter [tilespmem:s8], [sflag:$0x3], $0x4000, $0x38;
	[tilespmem:$0x8800] =	vst v63  }
0x8f: {  	_ =	swait.ge [sflag:s4], $0x4000  }
0x90: {  	[sflag:s4] =	ssyncset.done $0x0  }
0x91: {  	[sflag:s4] =	ssyncadd.s32 $0xFFFFC000  }
0x92: {  	[tilespmem:s8], [sflag:$0x2] =	stream.indirect.gather [hbm4b:s2+s6], $0x80, s22, s6, $0xb8;
	[tilespmem:$0x8800] =	vst v63  }
0x93: {  	_ =	swait.ge [sflag:s9], $0x4000  }
0x94: {  	[sflag:s9] =	ssyncset.done $0x0  }
0x95: {  	[sflag:s9] =	ssyncadd.s32 $0xFFFFC000  }
0x96: {  	[hbm4b:s23+s3] =	stream.linear.scatter [tilespmem:s7], [sflag:$0x3], $0x4000, $0x38;
	[tilespmem:$0x8800] =	vst v63  }
0x97: {  	_ =	swait.ge [sflag:s4], $0x4000  }
0x98: {  	[sflag:s4] =	ssyncset.done $0x0  }
0x99: {  	[sflag:s4] =	ssyncadd.s32 $0xFFFFC000  }
0x9a: {  	[tilespmem:s7], [sflag:$0x1] =	stream.indirect.gather [hbm4b:s2+s6], $0x80, s24, s6, $0xb8;
	[tilespmem:$0x8800] =	vst v63  }
0x9b: {  	_ =	swait.ge [sflag:s12], $0x4000  }
0x9c: {  	[sflag:s12] =	ssyncset.done $0x0  }
0x9d: {  	[sflag:s12] =	ssyncadd.s32 $0xFFFFC000  }
0x9e: {  	[hbm4b:s25+s3] =	stream.linear.scatter [tilespmem:s8], [sflag:$0x3], $0x4000, $0x38;
	[tilespmem:$0x8800] =	vst v63  }
0x9f: {  	_ =	swait.ge [sflag:s4], $0x4000  }
0xa0: {  	[sflag:s4] =	ssyncset.done $0x0  }
0xa1: {  	[sflag:s4] =	ssyncadd.s32 $0xFFFFC000  }
0xa2: {  	[tilespmem:s8], [sflag:$0x2] =	stream.indirect.gather [hbm4b:s2+s6], $0x80, s26, s6, $0xb8;
	[tilespmem:$0x8800] =	vst v63  }
0xa3: {  	_ =	swait.ge [sflag:s9], $0x4000  }
0xa4: {  	[sflag:s9] =	ssyncset.done $0x0  }
0xa5: {  	[sflag:s9] =	ssyncadd.s32 $0xFFFFC000  }
0xa6: {  	[hbm4b:s28+s3] =	stream.linear.scatter [tilespmem:s7], [sflag:$0x3], $0x4000, $0x38;
	[tilespmem:$0x8800] =	vst v63  }
0xa7: {  	_ =	swait.ge [sflag:s4], $0x4000  }
0xa8: {  	[sflag:s4] =	ssyncset.done $0x0  }
0xa9: {  	[sflag:s4] =	ssyncadd.s32 $0xFFFFC000  }
0xaa: {  	_ =	swait.ge [sflag:s12], $0x4000  }
.Ltmp1:
0xab: {  	[sflag:s12] =	ssyncset.done $0x0;
	(pc) =	sbr.rel @p0 .LBB2_1-.Ltmp1, $4  }
0xac: {  	[sflag:s12] =	ssyncadd.s32 $0xFFFFC000  }
0xad: {  	[hbm4b:s29+s3] =	stream.linear.scatter [tilespmem:s8], [sflag:$0x3], $0x4000, $0x38;
	[tilespmem:$0x8800] =	vst v63  }
0xae: {  	_ =	swait.ge [sflag:s4], $0x4000  }
0xaf: {  	[sflag:s4] =	ssyncset.done $0x0  }
.LBB2_2:
0xb0: {  	[sflag:s4] =	ssyncadd.s32 $0xFFFFC000  }
0xb1: {  	_ =	sfence.sel $0x180000  }
0xb2: {  	[bflag:$0x0] =	sbarrier.arrive $0xFFFF  }
0xb3: {  	p0 =	sne.s32 s0, $0x0;
	_ =	strace $0x90000050  }
0xb4: {  	s0 =	sadd.s32 @!p0 $0x100000, s1;
	[bflag:$0x2] =	sbarrier.arrive $0xFFFF  }
0xb5: {  	[sflag:s0] =	ssyncadd.tile.s32 @!p0 $0x1;
	_ =	shalt  }
.Lfunc_end2:
_tile_overlayer_lowered:
.L_overlay_start_2:
0xb6: {  	(tag) =	ssettag $0x2  }
0xb7: {  	s0 =	rddreg [dreg:$0x0];
	s2 =	stileid.u32  }
0xb8: {  	s1 =	rddreg [dreg:$0x1];
	p0 =	sne.s32 s2, $0x0  }
0xb9: {  	s3 =	rddreg [dreg:$0x2];
	[bflag:$0x3] =	sbarrier.arrive $0xFFFF;
	s2 =	simm.s32 @!p0 $0x1C03  }
0xba: {  	[timem:s3], [sflag:s2] =	dma.local @!p0 [hbm:s0], s1  }
0xbb: {  	s0 =	simm.s32 @!p0 $0x3  }
0xbc: {  	_ =	swait.ge @!p0 [sflag:s0], s1  }
0xbd: {  	s1 =	ssub.s32 @!p0 $0x0, s1;
	[sflag:s0] =	ssyncset.done @!p0 $0x0  }
0xbe: {  	[sflag:s0] =	ssyncadd.s32 @!p0 s1  }
0xbf: {  	[bflag:$0x3] =	sbarrier.arrive $0xFFFF  }
0xc0: {  	_ =	shalt  }

// kernel: kernel.24.cloned.1.call-start
scs
__scs_entry_jumppad:
0x0: {  	(pc) =	sbr.rel $0x88, $3  }
0x1: {  	(tag) =	ssettag $0x0;
	lr =	simm.s32 $0x1  }
0x2: {  	[smem:$0x3F97] =	sst lr;
	_ =	strace $0xD0000000  }
0x3: {  	_ = 	snop  }
0x4: {  	_ = 	snop  }
0x5: {  	_ = 	snop  }
0x6: {  	_ = 	snop  }
0x7: {  	_ = 	snop  }
__scs_overlays_trampoline_lowered:
0x8: {  	[smem:$0x3FA6] =	sst s0  }
0x9: {  	[smem:$0x3FA7] =	sst s1  }
0xa: {  	[smem:$0x3FA8] =	sst s2  }
0xb: {  	[smem:$0x3FA9] =	sst s3  }
0xc: {  	[smem:$0x3FAA] =	sst s4  }
0xd: {  	[smem:$0x3FAB] =	sst s5  }
0xe: {  	[smem:$0x3FAC] =	sst s6  }
0xf: {  	[smem:$0x3FAD] =	sst s7  }
0x10: {  	[smem:$0x3FAE] =	sst s8  }
0x11: {  	[smem:$0x3FAF] =	sst s9;
	s0 =	simm.s32 @!p0 $0x0  }
0x12: {  	s1 =	sld [smem:$0x3F95];
	s0 =	simm.s32 @p0 $0x1  }
0x13: {  	[smem:$0x3FB0] =	sst s0;
	s0 =	simm.s32 @!p1 $0x0  }
0x14: {  	s2 =	sld [smem:$0x3F94];
	s0 =	simm.s32 @p1 $0x1  }
0x15: {  	[smem:$0x3FB1] =	sst s0;
	s0 =	simm.s32 @!p2 $0x0  }
0x16: {  	s3 =	sld [smem:$0x3FDB];
	s0 =	simm.s32 @p2 $0x1  }
0x17: {  	s4 =	simm.s32 $0x1BF5;
	[smem:$0x3FB3] =	sst s0  }
0x18: {  	s0 =	sld [smem:$0x3F96];
	_ =	swait.ge [sflag:s4], $0x0  }
0x19: {  	s7 =	sld [smem:$0x3F97]  }
0x1a: {  	s8 =	sadd.s32 $0xFFFFE003, lr  }
0x1b: {  	s9 =	sadd.s32 $0xFFFFFEF7, lr;
	s5 =	simm.s32 $0xFFFFFFFF;
	p2 =	slt.u32 s8, $0xFFFFF086  }
0x1c: {  	p1 =	slt.u32 s9, $0xF7A;
	s5 =	simm.s32 @!p2 $0x0  }
0x1d: {  	s5 =	simm.s32 @p1 $0x1;
	p0 =	seq.s32 s7, s2  }
0x1e: {  	s7 =	smul.u32 @!p0 $0xF7A, s2;
	p2 =	seq.s32 @!p0 s5, $0x0  }
0x1f: {  	s9 =	smul.u32 $0xF7A, s1;
	s8 =	simm.s32 @!p0 $0x1BF5;
	p2 =	por !p2, p0  }
0x20: {  	[sflag:s8] =	ssyncset.s32 @!p0 $0xFFFFF086;
	s6 =	sadd.s32 @!p0 s3, s7;
	s7 =	simm.s32 @!p0 $0x108  }
0x21: {  	s3 =	sadd.s32 s3, s9;
	s6 =	sadd.s32 @!p0 $0x88, s6;
	s7 =	simm.s32 @p2 $0x1082  }
0x22: {  	[simem:s7], [sflag:s8] =	dma.local @!p0 [hbm:s6], $0xF7A  }
0x23: {  	s9 =	sor.u32 $0xD0000000, s2;
	s6 =	simm.s32 $0x108;
	_ =	swait.ge @!p0 [sflag:s8], $0x0  }
0x24: {  	s3 =	sadd.s32 $0x88, s3;
	s6 =	simm.s32 @!p1 $0x1082;
	[sflag:s4] =	ssyncset.s32 $0xFFFFF086  }
0x25: {  	[simem:s6], [sflag:s4] =	dma.local [hbm:s3], $0xF7A  }
0x26: {  	[smem:$0x3F97] =	sst s1;
	(tag) =	ssettag s2;
	_ =	strace s9  }
0x27: {  	s1 =	sld [smem:$0x3FA7]  }
0x28: {  	s2 =	sld [smem:$0x3FA8]  }
0x29: {  	s4 =	sld [smem:$0x3FAA]  }
0x2a: {  	p0 =	seq.s32 s5, $0x0;
	s5 =	sld [smem:$0x3FAB]  }
0x2b: {  	s6 =	sld [smem:$0x3FAC]  }
0x2c: {  	s7 =	sld [smem:$0x3FAD]  }
0x2d: {  	s3 =	simm.s32 $0x108;
	s8 =	sld [smem:$0x3FAE]  }
0x2e: {  	s3 =	simm.s32 @!p0 $0x1082;
	s9 =	sld [smem:$0x3FAF]  }
0x2f: {  	lr =	sadd.s32 s0, s3;
	s0 =	sld [smem:$0x3FA6]  }
0x30: {  	s3 =	sld [smem:$0x3FA9]  }
0x31: {  	[smem:$0x3FB2] =	sst s10  }
0x32: {  	s10 =	sld [smem:$0x3FB0];
	_ =	sdelay $0x3  }
0x33: {  	p0 =	seq.s32 s10, $0x1;
	s10 =	sld [smem:$0x3FB2];
	_ =	sdelay $0x3  }
0x34: {  	[smem:$0x3FB2] =	sst s10  }
0x35: {  	s10 =	sld [smem:$0x3FB1];
	_ =	sdelay $0x3  }
0x36: {  	p1 =	seq.s32 s10, $0x1;
	s10 =	sld [smem:$0x3FB2];
	_ =	sdelay $0x3  }
0x37: {  	[smem:$0x3FB2] =	sst s10  }
0x38: {  	s10 =	sld [smem:$0x3FB3]  }
0x39: {  	_ = 	snop;
	(pc) =	sbr.ind lr, $3  }
0x3a: {  	_ = 	snop  }
0x3b: {  	_ = 	snop  }
0x3c: {  	p2 =	seq.s32 s10, $0x1;
	s10 =	sld [smem:$0x3FB2]  }
0x3d: {  	_ =	shalt  }
0x3e: {  	_ =	shalt  }
0x3f: {  	_ =	shalt  }
0x40: {  	_ =	shalt  }
0x41: {  	_ =	shalt  }
0x42: {  	_ =	shalt  }
0x43: {  	_ =	shalt  }
0x44: {  	_ =	shalt  }
0x45: {  	_ =	shalt  }
0x46: {  	_ =	shalt  }
0x47: {  	_ =	shalt  }
0x48: {  	_ =	shalt  }
0x49: {  	_ =	shalt  }
0x4a: {  	_ =	shalt  }
0x4b: {  	_ =	shalt  }
0x4c: {  	_ =	shalt  }
0x4d: {  	_ =	shalt  }
0x4e: {  	_ =	shalt  }
0x4f: {  	_ =	shalt  }
0x50: {  	_ =	shalt  }
0x51: {  	_ =	shalt  }
0x52: {  	_ =	shalt  }
0x53: {  	_ =	shalt  }
0x54: {  	_ =	shalt  }
0x55: {  	_ =	shalt  }
0x56: {  	_ =	shalt  }
0x57: {  	_ =	shalt  }
0x58: {  	_ =	shalt  }
0x59: {  	_ =	shalt  }
0x5a: {  	_ =	shalt  }
0x5b: {  	_ =	shalt  }
0x5c: {  	_ =	shalt  }
0x5d: {  	_ =	shalt  }
0x5e: {  	_ =	shalt  }
0x5f: {  	_ =	shalt  }
0x60: {  	_ =	shalt  }
0x61: {  	_ =	shalt  }
0x62: {  	_ =	shalt  }
0x63: {  	_ =	shalt  }
0x64: {  	_ =	shalt  }
0x65: {  	_ =	shalt  }
0x66: {  	_ =	shalt  }
0x67: {  	_ =	shalt  }
0x68: {  	_ =	shalt  }
0x69: {  	_ =	shalt  }
0x6a: {  	_ =	shalt  }
0x6b: {  	_ =	shalt  }
0x6c: {  	_ =	shalt  }
0x6d: {  	_ =	shalt  }
0x6e: {  	_ =	shalt  }
0x6f: {  	_ =	shalt  }
0x70: {  	_ =	shalt  }
0x71: {  	_ =	shalt  }
0x72: {  	_ =	shalt  }
0x73: {  	_ =	shalt  }
0x74: {  	_ =	shalt  }
0x75: {  	_ =	shalt  }
0x76: {  	_ =	shalt  }
0x77: {  	_ =	shalt  }
0x78: {  	_ =	shalt  }
0x79: {  	_ =	shalt  }
0x7a: {  	_ =	shalt  }
0x7b: {  	_ =	shalt  }
0x7c: {  	_ =	shalt  }
0x7d: {  	_ =	shalt  }
0x7e: {  	_ =	shalt  }
0x7f: {  	_ =	shalt  }
0x80: {  	_ =	shalt  }
0x81: {  	_ =	shalt  }
0x82: {  	_ =	shalt  }
0x83: {  	_ =	shalt  }
0x84: {  	_ =	shalt  }
0x85: {  	_ =	shalt  }
0x86: {  	_ =	shalt  }
0x87: {  	_ =	shalt  }
.Lfunc_end0:
.L_simem_size_0:
called_computation.4_lowered:
.L_overlay_start_0:
0x88: {  	s2 =	sld [smem:$0x3FD9]  }
0x89: {  	s3 =	sld [smem:$0x3FFE];
	_ =	sdelay $0x1  }
0x8a: {  	s1 =	srdreg.scid  }
0x8b: {  	s0 =	sand.u32 $0x1, s1  }
0x8c: {  	s17 =	sshll.u32 s0, $0xA;
	s2 =	sadd.s32 s3, s2  }
0x8d: {  	s2 =	sadd.s32 s2, s17  }
0x8e: {  	[smem:$0x3FBE] =	sst s2  }
0x8f: {  	_ = 	snop  }
0x90: {  	s18 =	sld [smem:$0x3FC6];
	(tm) =	ssettm $0x1  }
0x91: {  	s19 =	sld [smem:$0x3FFB];
	_ =	sdelay $0x3  }
0x92: {  	_ =	strace s19  }
0x93: {  	s2 =	sld [smem:$0x3FFC];
	_ =	sdelay $0x3  }
0x94: {  	_ =	strace s2  }
0x95: {  	s2 =	sld [smem:$0x3FFD];
	_ =	sdelay $0x3  }
0x96: {  	_ =	strace s2  }
0x97: {  	_ =	strace $0x8FFFFFFF  }
0x98: {  	s20 =	sld [smem:$0x3FDB];
	_ =	sdelay $0x1  }
0x99: {  	s4 =	simm.s32 $_scs_section_size  }
0x9a: {  	s5 =	simm.s32 $_size__tile_overlayer_lowered;
	s6 =	simm.s32 $_tile_overlayer_lowered  }
0x9b: {  	s7 =	simm.s32 $0x1BFF;
	s21 =	sshll.u32 s6, $0x1;
	s4 =	sadd.s32 s4, s20  }
0x9c: {  	s22 =	simm.s32 $0x0;
	s5 =	sshll.u32 s5, $0x1;
	s6 =	sadd.s32 s21, s4  }
0x9d: {  	[timem:s22], [sflag:s7] =	dma.local [hbm:s6], s5  }
0x9e: {  	_ =	swait.ge [sflag:s7], s5  }
0x9f: {  	s5 =	ssub.s32 $0x0, s5;
	[sflag:s7] =	ssyncset.done $0x0  }
0xa0: {  	[sflag:s7] =	ssyncadd.s32 s5;
	_ =	sdelay $0x1  }
0xa1: {  	s23 =	simm.s32 $0x1B8B  }
0xa2: {  	_ =	swait.ge [sflag:s23], $0x1  }
0xa3: {  	[sflag:s23] =	ssyncset.done $0x0  }
0xa4: {  	[sflag:s23] =	ssyncadd.s32 $0xFFFFFFFF  }
0xa5: {  	s5 =	sld [smem:$0x0]  }
0xa6: {  	s6 =	sand.u32 $0xFFFFFFFE, s1  }
0xa7: {  	p0 =	sne.s32 s1, s6  }
0xa8: {  	s6 =	sshll.u32 @p0 s6, $0xE  }
0xa9: {  	s6 =	sadd.s32 @p0 $0x11B8D, s6;
	s7 =	sshll.u32 @p0 s5, $0x11  }
0xaa: {  	s6 =	sor.u32 @p0 s7, s6  }
0xab: {  	[sflag:s6] =	ssyncadd.remote.s32 @p0 $0x1;
	_ =	sdelay $0x1  }
0xac: {  	s6 =	simm.s32 @p0 $0x1B8D  }
0xad: {  	_ =	swait.eq @p0 [sflag:s6], $0x1  }
0xae: {  	[sflag:s6] =	ssyncadd.s32 @p0 $0xFFFFFFFF  }
0xaf: {  	s7 =	sshll.u32 @!p0 s1, $0xE  }
0xb0: {  	s7 =	sor.u32 @!p0 $0x4000, s7;
	s6 =	simm.s32 @!p0 $0x1B8D  }
0xb1: {  	s5 =	sshll.u32 @!p0 s5, $0x11;
	s7 =	sadd.s32 @!p0 $0x11B8D, s7;
	_ =	swait.eq @!p0 [sflag:s6], $0x1  }
0xb2: {  	s5 =	sor.u32 @!p0 s5, s7;
	[sflag:s6] =	ssyncadd.s32 @!p0 $0xFFFFFFFF  }
0xb3: {  	s25 =	simm.s32 $0x1B8E;
	s24 =	sld [smem:$0x3FFE];
	[sflag:s5] =	ssyncadd.remote.s32 @!p0 $0x1  }
0xb4: {  	s26 =	simm.s32 $execute0_lowered;
	[smem:$0x3FD2] =	sst s25  }
0xb5: {  	s6 =	sshll.u32 s26, $0x1;
	_ =	strace $0x80000052;
	[dreg:$0x1] =	wrdreg $0xFFFFFFFF  }
0xb6: {  	s28 =	simm.s32 $_size_execute0_lowered;
	s4 =	sadd.s32 s4, s6;
	[dreg:$0x0] =	wrdreg $0x0  }
0xb7: {  	s6 =	sshll.u32 s28, $0x1;
	[dreg:$0x2] =	wrdreg s4  }
0xb8: {  	[dreg:$0x3] =	wrdreg s6  }
0xb9: {  	[dreg:$0x4] =	wrdreg $0xC0  }
0xba: {  	_ =	task [dreg:s22], $0x5FFFF  }
0xbb: {  	[dreg:$0x1] =	wrdreg $0xFFFFFFFF  }
0xbc: {  	[dreg:$0x0] =	wrdreg $0x60  }
0xbd: {  	[dreg:$0x2] =	wrdreg s24  }
0xbe: {  	[dreg:$0x3] =	wrdreg s18  }
0xbf: {  	[dreg:$0x4] =	wrdreg $0xD  }
0xc0: {  	_ =	task.clear_ibuf [dreg:s22], $0x5FFFF;
	_ =	strace $0x90000052  }
0xc1: {  	s29 =	simm.s32 $0xD;
	_ =	strace $0x80000054  }
0xc2: {  	_ =	swait.ge [sflag:s29], $0x1  }
0xc3: {  	[sflag:s29] =	ssyncadd.s32 $0xFFFFFFFF  }
0xc4: {  	_ =	strace $0x90000054  }
0xc5: {  	_ =	sfence  }
0xc6: {  	s30 =	sld [smem:$0x0];
	_ =	sdelay $0x2  }
0xc7: {  	s31 =	sshll.u32 s1, $0xD;
	s1 =	sshrl.u32 s1, $0x2  }
0xc8: {  	s4 =	sand.u32 $0x4000, s31;
	s1 =	sadd.s32 s1, s30  }
0xc9: {  	s0 =	sor.u32 s4, s0;
	s1 =	sshll.u32 s1, $0x11  }
0xca: {  	s0 =	sor.u32 s1, s0  }
0xcb: {  	s0 =	sadd.s32 $0x8F2B, s0  }
0xcc: {  	[sflag:s0] =	ssyncadd.remote.s32 $0x1  }
0xcd: {  	_ =	sfence.sel $0xFFFF  }
0xce: {  	[dreg:$0x0] =	wrdreg $0xFFFFFFFF;
	(pc) =	sbr.abs _section_cstart, $3  }
0xcf: {  	[dreg:$0x1] =	wrdreg $0xFFFFFFFF  }
0xd0: {  	_ =	task.clear_ibuf [dreg:s22], $0x2FFFF;
	_ =	strace $0x9FFFFFFF  }
0xd1: {  	(tm) =	ssettm $0x7FFFFFFF  }
tec
execute0_lowered:
.L_overlay_start_1:
0x0: {  	(tag) =	ssettag $0x1  }
0x1: {  	s1 =	srdreg.scid;
	s0 =	stileid.u32  }
0x2: {  	s10 =	rddreg [dreg:$0x0];
	s29 =	sand.u32 $0x1, s1;
	s26 =	sshll.u32 s0, $0x1  }
0x3: {  	s2 =	rddreg [dreg:$0x1];
	s11 =	sor.u32 s29, s26  }
0x4: {  	s3 =	simm.s32 $0x0;
	s1 =	rddreg [dreg:$0x2];
	s4 =	sshll.u32 s11, $0x8  }
0x5: {  	[smem:$0x7FF] =	sst s3;
	s4 =	sadd.s32 s4, s10  }
0x6: {  	_ =	strace $0x80000053;
	s5 =	sadd.s32 $0xA8C00, s4;
	s4 =	simm.s32 $0x3  }
0x7: {  	[tilespmem:s3], [sflag:$0x3] =	stream.linear.gather [hbm4b:s5+s3], $0x500, $0x38;
	[tilespmem:$0x8800] =	vst v63  }
0x8: {  	_ =	swait.ge [sflag:s4], $0x500  }
0x9: {  	[sflag:s4] =	ssyncset.done $0x0  }
0xa: {  	s6 =	simm.s32 $0x80;
	s7 =	simm.s32 $0x800;
	[sflag:s4] =	ssyncadd.s32 $0xFFFFFB00  }
0xb: {  	[tilespmem:s7], [sflag:$0x1] =	stream.indirect.gather [hbm4b:s2+s6], $0x80, s3, s6, $0xb8;
	[tilespmem:$0x8800] =	vst v63  }
0xc: {  	s8 =	simm.s32 $0x4800;
	s9 =	simm.s32 $0x1;
	s12 =	smul.u32 $0x28000, s11  }
0xd: {  	[tilespmem:s8], [sflag:$0x2] =	stream.indirect.gather [hbm4b:s2+s6], $0x80, s6, s6, $0xb8;
	[tilespmem:$0x8800] =	vst v63  }
0xe: {  	_ =	swait.ge [sflag:s9], $0x4000  }
0xf: {  	s13 =	sadd.s32 $0x28AC00, s10;
	s31 =	sshrl.u32 s12, $0x3;
	[sflag:s9] =	ssyncset.done $0x0  }
0x10: {  	s10 =	sadd.s32 s13, s31;
	[sflag:s9] =	ssyncadd.s32 $0xFFFFC000  }
0x11: {  	[hbm4b:s10+s3] =	stream.linear.scatter [tilespmem:s7], [sflag:$0x3], $0x4000, $0x38;
	[tilespmem:$0x8800] =	vst v63  }
0x12: {  	_ =	swait.ge [sflag:s4], $0x4000  }
0x13: {  	s14 =	smul.u32 $0x5000, s11;
	[sflag:s4] =	ssyncset.done $0x0  }
0x14: {  	s11 =	simm.s32 $0x100;
	s12 =	simm.s32 $0x2;
	[sflag:s4] =	ssyncadd.s32 $0xFFFFC000  }
0x15: {  	[tilespmem:s7], [sflag:$0x1] =	stream.indirect.gather [hbm4b:s2+s6], $0x80, s11, s6, $0xb8;
	[tilespmem:$0x8800] =	vst v63  }
0x16: {  	_ =	swait.ge [sflag:s12], $0x4000  }
0x17: {  	s30 =	sadd.s32 s13, s14;
	[sflag:s12] =	ssyncset.done $0x0  }
0x18: {  	s13 =	sadd.s32 $0x800, s30;
	[sflag:s12] =	ssyncadd.s32 $0xFFFFC000  }
0x19: {  	[hbm4b:s13+s3] =	stream.linear.scatter [tilespmem:s8], [sflag:$0x3], $0x4000, $0x38;
	[tilespmem:$0x8800] =	vst v63  }
0x1a: {  	_ =	swait.ge [sflag:s4], $0x4000  }
0x1b: {  	[sflag:s4] =	ssyncset.done $0x0  }
0x1c: {  	s14 =	simm.s32 $0x180;
	[sflag:s4] =	ssyncadd.s32 $0xFFFFC000  }
0x1d: {  	[tilespmem:s8], [sflag:$0x2] =	stream.indirect.gather [hbm4b:s2+s6], $0x80, s14, s6, $0xb8;
	[tilespmem:$0x8800] =	vst v63  }
0x1e: {  	_ =	swait.ge [sflag:s9], $0x4000  }
0x1f: {  	[sflag:s9] =	ssyncset.done $0x0  }
0x20: {  	s15 =	sadd.s32 $0x1000, s10;
	[sflag:s9] =	ssyncadd.s32 $0xFFFFC000  }
0x21: {  	[hbm4b:s15+s3] =	stream.linear.scatter [tilespmem:s7], [sflag:$0x3], $0x4000, $0x38;
	[tilespmem:$0x8800] =	vst v63  }
0x22: {  	_ =	swait.ge [sflag:s4], $0x4000  }
0x23: {  	[sflag:s4] =	ssyncset.done $0x0  }
0x24: {  	s16 =	simm.s32 $0x200;
	[sflag:s4] =	ssyncadd.s32 $0xFFFFC000  }
0x25: {  	[tilespmem:s7], [sflag:$0x1] =	stream.indirect.gather [hbm4b:s2+s6], $0x80, s16, s6, $0xb8;
	[tilespmem:$0x8800] =	vst v63  }
0x26: {  	_ =	swait.ge [sflag:s12], $0x4000  }
0x27: {  	[sflag:s12] =	ssyncset.done $0x0  }
0x28: {  	s17 =	sadd.s32 $0x1800, s30;
	[sflag:s12] =	ssyncadd.s32 $0xFFFFC000  }
0x29: {  	[hbm4b:s17+s3] =	stream.linear.scatter [tilespmem:s8], [sflag:$0x3], $0x4000, $0x38;
	[tilespmem:$0x8800] =	vst v63  }
0x2a: {  	_ =	swait.ge [sflag:s4], $0x4000  }
0x2b: {  	[sflag:s4] =	ssyncset.done $0x0  }
0x2c: {  	s18 =	simm.s32 $0x280;
	[sflag:s4] =	ssyncadd.s32 $0xFFFFC000  }
0x2d: {  	[tilespmem:s8], [sflag:$0x2] =	stream.indirect.gather [hbm4b:s2+s6], $0x80, s18, s6, $0xb8;
	[tilespmem:$0x8800] =	vst v63  }
0x2e: {  	_ =	swait.ge [sflag:s9], $0x4000  }
0x2f: {  	[sflag:s9] =	ssyncset.done $0x0  }
0x30: {  	s19 =	sadd.s32 $0x2000, s10;
	[sflag:s9] =	ssyncadd.s32 $0xFFFFC000  }
0x31: {  	[hbm4b:s19+s3] =	stream.linear.scatter [tilespmem:s7], [sflag:$0x3], $0x4000, $0x38;
	[tilespmem:$0x8800] =	vst v63  }
0x32: {  	_ =	swait.ge [sflag:s4], $0x4000  }
0x33: {  	[sflag:s4] =	ssyncset.done $0x0  }
0x34: {  	s20 =	simm.s32 $0x300;
	[sflag:s4] =	ssyncadd.s32 $0xFFFFC000  }
0x35: {  	[tilespmem:s7], [sflag:$0x1] =	stream.indirect.gather [hbm4b:s2+s6], $0x80, s20, s6, $0xb8;
	[tilespmem:$0x8800] =	vst v63  }
0x36: {  	_ =	swait.ge [sflag:s12], $0x4000  }
0x37: {  	[sflag:s12] =	ssyncset.done $0x0  }
0x38: {  	s21 =	sadd.s32 $0x2800, s30;
	[sflag:s12] =	ssyncadd.s32 $0xFFFFC000  }
0x39: {  	[hbm4b:s21+s3] =	stream.linear.scatter [tilespmem:s8], [sflag:$0x3], $0x4000, $0x38;
	[tilespmem:$0x8800] =	vst v63  }
0x3a: {  	_ =	swait.ge [sflag:s4], $0x4000  }
0x3b: {  	[sflag:s4] =	ssyncset.done $0x0  }
0x3c: {  	s22 =	simm.s32 $0x380;
	[sflag:s4] =	ssyncadd.s32 $0xFFFFC000  }
0x3d: {  	[tilespmem:s8], [sflag:$0x2] =	stream.indirect.gather [hbm4b:s2+s6], $0x80, s22, s6, $0xb8;
	[tilespmem:$0x8800] =	vst v63  }
0x3e: {  	_ =	swait.ge [sflag:s9], $0x4000  }
0x3f: {  	[sflag:s9] =	ssyncset.done $0x0  }
0x40: {  	s23 =	sadd.s32 $0x3000, s10;
	[sflag:s9] =	ssyncadd.s32 $0xFFFFC000  }
0x41: {  	[hbm4b:s23+s3] =	stream.linear.scatter [tilespmem:s7], [sflag:$0x3], $0x4000, $0x38;
	[tilespmem:$0x8800] =	vst v63  }
0x42: {  	_ =	swait.ge [sflag:s4], $0x4000  }
0x43: {  	[sflag:s4] =	ssyncset.done $0x0  }
0x44: {  	s24 =	simm.s32 $0x400;
	[sflag:s4] =	ssyncadd.s32 $0xFFFFC000  }
0x45: {  	[tilespmem:s7], [sflag:$0x1] =	stream.indirect.gather [hbm4b:s2+s6], $0x80, s24, s6, $0xb8;
	[tilespmem:$0x8800] =	vst v63  }
0x46: {  	_ =	swait.ge [sflag:s12], $0x4000  }
0x47: {  	[sflag:s12] =	ssyncset.done $0x0  }
0x48: {  	s25 =	sadd.s32 $0x3800, s30;
	[sflag:s12] =	ssyncadd.s32 $0xFFFFC000  }
0x49: {  	[hbm4b:s25+s3] =	stream.linear.scatter [tilespmem:s8], [sflag:$0x3], $0x4000, $0x38;
	[tilespmem:$0x8800] =	vst v63  }
0x4a: {  	_ =	swait.ge [sflag:s4], $0x4000  }
0x4b: {  	[sflag:s4] =	ssyncset.done $0x0  }
0x4c: {  	s26 =	simm.s32 $0x480;
	[sflag:s4] =	ssyncadd.s32 $0xFFFFC000  }
0x4d: {  	[tilespmem:s8], [sflag:$0x2] =	stream.indirect.gather [hbm4b:s2+s6], $0x80, s26, s6, $0xb8;
	[tilespmem:$0x8800] =	vst v63  }
0x4e: {  	_ =	swait.ge [sflag:s9], $0x4000  }
0x4f: {  	[sflag:s9] =	ssyncset.done $0x0  }
0x50: {  	s29 =	ssub.s32 $0x2, s29;
	s28 =	sadd.s32 $0x4000, s10;
	[sflag:s9] =	ssyncadd.s32 $0xFFFFC000  }
0x51: {  	[hbm4b:s28+s3] =	stream.linear.scatter [tilespmem:s7], [sflag:$0x3], $0x4000, $0x38;
	[tilespmem:$0x8800] =	vst v63  }
0x52: {  	s31 =	sshrl.u32 s29, $0x1;
	_ =	swait.ge [sflag:s4], $0x4000  }
0x53: {  	s29 =	ssub.s32 s29, s31;
	[sflag:s4] =	ssyncset.done $0x0  }
0x54: {  	s31 =	smax.u32 s29, $0x1;
	[sflag:s4] =	ssyncadd.s32 $0xFFFFC000  }
0x55: {  	p0 =	sne.s32 s31, $0x1;
	_ =	swait.ge [sflag:s12], $0x4000  }
.Ltmp0:
0x56: {  	[sflag:s12] =	ssyncset.done $0x0;
	(pc) =	sbr.rel @!p0 .LBB2_2-.Ltmp0, $4  }
0x57: {  	s29 =	sadd.s32 $0x4800, s30;
	[sflag:s12] =	ssyncadd.s32 $0xFFFFC000  }
0x58: {  	[hbm4b:s29+s3] =	stream.linear.scatter [tilespmem:s8], [sflag:$0x3], $0x4000, $0x38;
	[tilespmem:$0x8800] =	vst v63  }
0x59: {  	_ =	swait.ge [sflag:s4], $0x4000  }
0x5a: {  	s30 =	sadd.s32 $0xFFFFFFFF, s31;
	[sflag:s4] =	ssyncset.done $0x0  }
.LBB2_1:
0x5b: {  	p0 =	sne.s32 s30, $0x1;
	s30 =	sadd.s32 $0xFFFFFFFF, s30;
	[sflag:s4] =	ssyncadd.s32 $0xFFFFC000  }
0x5c: {  	[tilespmem:s3], [sflag:$0x3] =	stream.linear.gather [hbm4b:s5+s3], $0x500, $0x38;
	[tilespmem:$0x8800] =	vst v63  }
0x5d: {  	_ =	swait.ge [sflag:s4], $0x500  }
0x5e: {  	[sflag:s4] =	ssyncset.done $0x0  }
0x5f: {  	[sflag:s4] =	ssyncadd.s32 $0xFFFFFB00  }
0x60: {  	[tilespmem:s7], [sflag:$0x1] =	stream.indirect.gather [hbm4b:s2+s6], $0x80, s3, s6, $0xb8;
	[tilespmem:$0x8800] =	vst v63  }
0x61: {  	_ = 	snop  }
0x62: {  	[tilespmem:s8], [sflag:$0x2] =	stream.indirect.gather [hbm4b:s2+s6], $0x80, s6, s6, $0xb8;
	[tilespmem:$0x8800] =	vst v63  }
0x63: {  	_ =	swait.ge [sflag:s9], $0x4000  }
0x64: {  	[sflag:s9] =	ssyncset.done $0x0  }
0x65: {  	[sflag:s9] =	ssyncadd.s32 $0xFFFFC000  }
0x66: {  	[hbm4b:s10+s3] =	stream.linear.scatter [tilespmem:s7], [sflag:$0x3], $0x4000, $0x38;
	[tilespmem:$0x8800] =	vst v63  }
0x67: {  	_ =	swait.ge [sflag:s4], $0x4000  }
0x68: {  	[sflag:s4] =	ssyncset.done $0x0  }
0x69: {  	[sflag:s4] =	ssyncadd.s32 $0xFFFFC000  }
0x6a: {  	[tilespmem:s7], [sflag:$0x1] =	stream.indirect.gather [hbm4b:s2+s6], $0x80, s11, s6, $0xb8;
	[tilespmem:$0x8800] =	vst v63  }
0x6b: {  	_ =	swait.ge [sflag:s12], $0x4000  }
0x6c: {  	[sflag:s12] =	ssyncset.done $0x0  }
0x6d: {  	[sflag:s12] =	ssyncadd.s32 $0xFFFFC000  }
0x6e: {  	[hbm4b:s13+s3] =	stream.linear.scatter [tilespmem:s8], [sflag:$0x3], $0x4000, $0x38;
	[tilespmem:$0x8800] =	vst v63  }
0x6f: {  	_ =	swait.ge [sflag:s4], $0x4000  }
0x70: {  	[sflag:s4] =	ssyncset.done $0x0  }
0x71: {  	[sflag:s4] =	ssyncadd.s32 $0xFFFFC000  }
0x72: {  	[tilespmem:s8], [sflag:$0x2] =	stream.indirect.gather [hbm4b:s2+s6], $0x80, s14, s6, $0xb8;
	[tilespmem:$0x8800] =	vst v63  }
0x73: {  	_ =	swait.ge [sflag:s9], $0x4000  }
0x74: {  	[sflag:s9] =	ssyncset.done $0x0  }
0x75: {  	[sflag:s9] =	ssyncadd.s32 $0xFFFFC000  }
0x76: {  	[hbm4b:s15+s3] =	stream.linear.scatter [tilespmem:s7], [sflag:$0x3], $0x4000, $0x38;
	[tilespmem:$0x8800] =	vst v63  }
0x77: {  	_ =	swait.ge [sflag:s4], $0x4000  }
0x78: {  	[sflag:s4] =	ssyncset.done $0x0  }
0x79: {  	[sflag:s4] =	ssyncadd.s32 $0xFFFFC000  }
0x7a: {  	[tilespmem:s7], [sflag:$0x1] =	stream.indirect.gather [hbm4b:s2+s6], $0x80, s16, s6, $0xb8;
	[tilespmem:$0x8800] =	vst v63  }
0x7b: {  	_ =	swait.ge [sflag:s12], $0x4000  }
0x7c: {  	[sflag:s12] =	ssyncset.done $0x0  }
0x7d: {  	[sflag:s12] =	ssyncadd.s32 $0xFFFFC000  }
0x7e: {  	[hbm4b:s17+s3] =	stream.linear.scatter [tilespmem:s8], [sflag:$0x3], $0x4000, $0x38;
	[tilespmem:$0x8800] =	vst v63  }
0x7f: {  	_ =	swait.ge [sflag:s4], $0x4000  }
0x80: {  	[sflag:s4] =	ssyncset.done $0x0  }
0x81: {  	[sflag:s4] =	ssyncadd.s32 $0xFFFFC000  }
0x82: {  	[tilespmem:s8], [sflag:$0x2] =	stream.indirect.gather [hbm4b:s2+s6], $0x80, s18, s6, $0xb8;
	[tilespmem:$0x8800] =	vst v63  }
0x83: {  	_ =	swait.ge [sflag:s9], $0x4000  }
0x84: {  	[sflag:s9] =	ssyncset.done $0x0  }
0x85: {  	[sflag:s9] =	ssyncadd.s32 $0xFFFFC000  }
0x86: {  	[hbm4b:s19+s3] =	stream.linear.scatter [tilespmem:s7], [sflag:$0x3], $0x4000, $0x38;
	[tilespmem:$0x8800] =	vst v63  }
0x87: {  	_ =	swait.ge [sflag:s4], $0x4000  }
0x88: {  	[sflag:s4] =	ssyncset.done $0x0  }
0x89: {  	[sflag:s4] =	ssyncadd.s32 $0xFFFFC000  }
0x8a: {  	[tilespmem:s7], [sflag:$0x1] =	stream.indirect.gather [hbm4b:s2+s6], $0x80, s20, s6, $0xb8;
	[tilespmem:$0x8800] =	vst v63  }
0x8b: {  	_ =	swait.ge [sflag:s12], $0x4000  }
0x8c: {  	[sflag:s12] =	ssyncset.done $0x0  }
0x8d: {  	[sflag:s12] =	ssyncadd.s32 $0xFFFFC000  }
0x8e: {  	[hbm4b:s21+s3] =	stream.linear.scatter [tilespmem:s8], [sflag:$0x3], $0x4000, $0x38;
	[tilespmem:$0x8800] =	vst v63  }
0x8f: {  	_ =	swait.ge [sflag:s4], $0x4000  }
0x90: {  	[sflag:s4] =	ssyncset.done $0x0  }
0x91: {  	[sflag:s4] =	ssyncadd.s32 $0xFFFFC000  }
0x92: {  	[tilespmem:s8], [sflag:$0x2] =	stream.indirect.gather [hbm4b:s2+s6], $0x80, s22, s6, $0xb8;
	[tilespmem:$0x8800] =	vst v63  }
0x93: {  	_ =	swait.ge [sflag:s9], $0x4000  }
0x94: {  	[sflag:s9] =	ssyncset.done $0x0  }
0x95: {  	[sflag:s9] =	ssyncadd.s32 $0xFFFFC000  }
0x96: {  	[hbm4b:s23+s3] =	stream.linear.scatter [tilespmem:s7], [sflag:$0x3], $0x4000, $0x38;
	[tilespmem:$0x8800] =	vst v63  }
0x97: {  	_ =	swait.ge [sflag:s4], $0x4000  }
0x98: {  	[sflag:s4] =	ssyncset.done $0x0  }
0x99: {  	[sflag:s4] =	ssyncadd.s32 $0xFFFFC000  }
0x9a: {  	[tilespmem:s7], [sflag:$0x1] =	stream.indirect.gather [hbm4b:s2+s6], $0x80, s24, s6, $0xb8;
	[tilespmem:$0x8800] =	vst v63  }
0x9b: {  	_ =	swait.ge [sflag:s12], $0x4000  }
0x9c: {  	[sflag:s12] =	ssyncset.done $0x0  }
0x9d: {  	[sflag:s12] =	ssyncadd.s32 $0xFFFFC000  }
0x9e: {  	[hbm4b:s25+s3] =	stream.linear.scatter [tilespmem:s8], [sflag:$0x3], $0x4000, $0x38;
	[tilespmem:$0x8800] =	vst v63  }
0x9f: {  	_ =	swait.ge [sflag:s4], $0x4000  }
0xa0: {  	[sflag:s4] =	ssyncset.done $0x0  }
0xa1: {  	[sflag:s4] =	ssyncadd.s32 $0xFFFFC000  }
0xa2: {  	[tilespmem:s8], [sflag:$0x2] =	stream.indirect.gather [hbm4b:s2+s6], $0x80, s26, s6, $0xb8;
	[tilespmem:$0x8800] =	vst v63  }
0xa3: {  	_ =	swait.ge [sflag:s9], $0x4000  }
0xa4: {  	[sflag:s9] =	ssyncset.done $0x0  }
0xa5: {  	[sflag:s9] =	ssyncadd.s32 $0xFFFFC000  }
0xa6: {  	[hbm4b:s28+s3] =	stream.linear.scatter [tilespmem:s7], [sflag:$0x3], $0x4000, $0x38;
	[tilespmem:$0x8800] =	vst v63  }
0xa7: {  	_ =	swait.ge [sflag:s4], $0x4000  }
0xa8: {  	[sflag:s4] =	ssyncset.done $0x0  }
0xa9: {  	[sflag:s4] =	ssyncadd.s32 $0xFFFFC000  }
0xaa: {  	_ =	swait.ge [sflag:s12], $0x4000  }
.Ltmp1:
0xab: {  	[sflag:s12] =	ssyncset.done $0x0;
	(pc) =	sbr.rel @p0 .LBB2_1-.Ltmp1, $4  }
0xac: {  	[sflag:s12] =	ssyncadd.s32 $0xFFFFC000  }
0xad: {  	[hbm4b:s29+s3] =	stream.linear.scatter [tilespmem:s8], [sflag:$0x3], $0x4000, $0x38;
	[tilespmem:$0x8800] =	vst v63  }
0xae: {  	_ =	swait.ge [sflag:s4], $0x4000  }
0xaf: {  	[sflag:s4] =	ssyncset.done $0x0  }
.LBB2_2:
0xb0: {  	[sflag:s4] =	ssyncadd.s32 $0xFFFFC000  }
0xb1: {  	_ =	sfence.sel $0x180000  }
0xb2: {  	[bflag:$0x0] =	sbarrier.arrive $0xFFFF  }
0xb3: {  	p0 =	sne.s32 s0, $0x0;
	_ =	strace $0x90000053  }
0xb4: {  	s0 =	sadd.s32 @!p0 $0x100000, s1;
	[bflag:$0x2] =	sbarrier.arrive $0xFFFF  }
0xb5: {  	[sflag:s0] =	ssyncadd.tile.s32 @!p0 $0x1;
	_ =	shalt  }
.Lfunc_end2:
_tile_overlayer_lowered:
.L_overlay_start_2:
0xb6: {  	(tag) =	ssettag $0x2  }
0xb7: {  	s0 =	rddreg [dreg:$0x0];
	s2 =	stileid.u32  }
0xb8: {  	s1 =	rddreg [dreg:$0x1];
	p0 =	sne.s32 s2, $0x0  }
0xb9: {  	s3 =	rddreg [dreg:$0x2];
	[bflag:$0x3] =	sbarrier.arrive $0xFFFF;
	s2 =	simm.s32 @!p0 $0x1C03  }
0xba: {  	[timem:s3], [sflag:s2] =	dma.local @!p0 [hbm:s0], s1  }
0xbb: {  	s0 =	simm.s32 @!p0 $0x3  }
0xbc: {  	_ =	swait.ge @!p0 [sflag:s0], s1  }
0xbd: {  	s1 =	ssub.s32 @!p0 $0x0, s1;
	[sflag:s0] =	ssyncset.done @!p0 $0x0  }
0xbe: {  	[sflag:s0] =	ssyncadd.s32 @!p0 s1  }
0xbf: {  	[bflag:$0x3] =	sbarrier.arrive $0xFFFF  }
0xc0: {  	_ =	shalt  }

</sc_bundles>
